<compile_context>
chip_gen: v7x
topology: tpu7x:2x2x1
jax: 0.10.2.dev20260603
libtpu: 0.0.44.dev20260713+nightly
codegen_flags: <defaults>
</compile_context>

<pallas_src>
import functools

import jax
import jax.numpy as jnp
from jax import lax
from jax.experimental import pallas as pl
from jax.experimental.pallas import tpu as pltpu
from jax.experimental.pallas import tpu_sc as plsc

_N = 10000
_D = 128
_E = 320000
_NC = 2
_NS = 16
_NW = _NC * _NS
_EPW = _E // _NW
_C = 128
_NCHUNK = _EPW // _C
_TAIL = _EPW - _NCHUNK * _C
_NP = 10240
_RPT = _NP // _NS
_DEG_W = 4

_mesh = plsc.VectorSubcoreMesh(core_axis_name="c", subcore_axis_name="s")


def _deg_body(pk_hbm, pkt_hbm, zd_hbm, out_hbm,
              idx_big, pkt_v, ones_v, ones_t, dbuf, accd, semd):
    c = lax.axis_index("c")
    s = lax.axis_index("s")
    wid = s * _NC + c
    for k in range(_C // 16):
        ones_v[pl.ds(k * 16, 16)] = jnp.ones((16,), jnp.float32)
    ones_t[...] = jnp.ones((_TAIL,), jnp.float32)
    pltpu.sync_copy(pk_hbm.at[wid], idx_big)
    pltpu.sync_copy(pkt_hbm.at[wid], pkt_v)
    pltpu.sync_copy(zd_hbm, dbuf)
    pltpu.sync_copy(dbuf, accd.at[pl.ds(s * _RPT, _RPT)])
    plsc.subcore_barrier()

    def fire(j):
        pltpu.async_copy(ones_v, accd.at[idx_big.at[j, 1]], semd, add=True)

    def wait_one():
        pltpu.make_async_copy(ones_v, accd.at[idx_big.at[0, 1]], semd).wait()

    for j in range(_DEG_W):
        fire(j)

    def body(j, carry):
        wait_one()
        fire(j + _DEG_W)
        return carry

    lax.fori_loop(0, _NCHUNK - _DEG_W, body, 0)
    for _ in range(_DEG_W):
        wait_one()
    pltpu.sync_copy(ones_t, accd.at[pkt_v.at[1]], add=True)
    plsc.subcore_barrier()
    pltpu.sync_copy(accd.at[pl.ds(s * _RPT, _RPT)], dbuf)
    pltpu.sync_copy(dbuf, out_hbm.at[pl.ds(c * _NP + s * _RPT, _RPT)])


_deg_kernel = pl.kernel(
    _deg_body,
    out_type=jax.ShapeDtypeStruct((_NC * _NP,), jnp.float32),
    mesh=_mesh,
    scratch_types=[
        pltpu.VMEM((_NCHUNK, 2, _C), jnp.int32),
        pltpu.VMEM((2, _TAIL), jnp.int32),
        pltpu.VMEM((_C,), jnp.float32),
        pltpu.VMEM((_TAIL,), jnp.float32),
        pltpu.VMEM((_RPT,), jnp.float32),
        pltpu.VMEM_SHARED((_NP,), jnp.float32),
        pltpu.SemaphoreType.DMA,
    ],
)


def _agg_body(yp_hbm, pk_hbm, pkt_hbm, z2_hbm, out_hbm,
              pk_v0, pk_v1, pkt_v, rows_v0, rows_v1,
              acc, semi0, semi1, semg0, semg1):
    c = lax.axis_index("c")
    s = lax.axis_index("s")
    wid = s * _NC + c
    pltpu.sync_copy(z2_hbm, rows_v0)
    for k in range(_RPT // _C):
        pltpu.async_copy(rows_v0, acc.at[pl.ds(s * _RPT + k * _C, _C)], semg0)
    for k in range(_RPT // _C):
        pltpu.make_async_copy(rows_v0, acc.at[pl.ds(0, _C)], semg0).wait()
    plsc.subcore_barrier()
    ibufs = ((pk_v0, semi0), (pk_v1, semi1))

    def fetch_idx(i, b):
        pk_v, semi = ibufs[b]
        i = jnp.minimum(i, _NCHUNK - 1)
        pltpu.async_copy(pk_hbm.at[wid, i], pk_v, semi)

    def wait_idx(b):
        pk_v, semi = ibufs[b]
        pltpu.make_async_copy(pk_hbm.at[0, 0], pk_v, semi).wait()

    fetch_idx(0, 0)
    wait_idx(0)
    pltpu.async_copy(yp_hbm.at[pk_v0.at[0]], rows_v0, semg0)
    fetch_idx(1, 1)

    def body(k, carry):
        i0 = 2 * k
        pltpu.make_async_copy(yp_hbm.at[pk_v0.at[0]], rows_v0, semg0).wait()
        wait_idx(1)
        pltpu.async_copy(yp_hbm.at[pk_v1.at[0]], rows_v1, semg1)
        pltpu.sync_copy(rows_v0, acc.at[pk_v0.at[1]], add=True)
        fetch_idx(i0 + 2, 0)
        pltpu.make_async_copy(yp_hbm.at[pk_v1.at[0]], rows_v1, semg1).wait()
        wait_idx(0)
        pltpu.async_copy(yp_hbm.at[pk_v0.at[0]], rows_v0, semg0)
        pltpu.sync_copy(rows_v1, acc.at[pk_v1.at[1]], add=True)
        fetch_idx(i0 + 3, 1)
        return carry

    lax.fori_loop(0, _NCHUNK // 2, body, 0)
    pltpu.make_async_copy(yp_hbm.at[pk_v0.at[0]], rows_v0, semg0).wait()
    wait_idx(1)
    pltpu.sync_copy(pkt_hbm.at[wid], pkt_v)
    pltpu.async_copy(yp_hbm.at[pkt_v.at[0]], rows_v0.at[pl.ds(0, _TAIL)],
                     semg0).wait()
    pltpu.sync_copy(rows_v0.at[pl.ds(0, _TAIL)], acc.at[pkt_v.at[1]], add=True)
    plsc.subcore_barrier()
    wbufs = (rows_v0, rows_v1)
    pltpu.async_copy(acc.at[pl.ds(s * _RPT, _C)], rows_v0, semg0)
    for k in range(_RPT // _C):
        buf = wbufs[k % 2]
        sem = (semg0, semg1)[k % 2]
        pltpu.make_async_copy(acc.at[pl.ds(0, _C)], buf, sem).wait()
        if k + 1 < _RPT // _C:
            pltpu.async_copy(acc.at[pl.ds(s * _RPT + (k + 1) * _C, _C)],
                             wbufs[(k + 1) % 2], (semg0, semg1)[(k + 1) % 2])
        pltpu.sync_copy(buf, out_hbm.at[c, pl.ds(s * _RPT + k * _C, _C)])


_agg_kernel = pl.kernel(
    _agg_body,
    out_type=jax.ShapeDtypeStruct((_NC, _NP, _D), jnp.float32),
    mesh=_mesh,
    scratch_types=[
        pltpu.VMEM((2, _C), jnp.int32),
        pltpu.VMEM((2, _C), jnp.int32),
        pltpu.VMEM((2, _TAIL), jnp.int32),
        pltpu.VMEM((_C, _D), jnp.float32),
        pltpu.VMEM((_C, _D), jnp.float32),
        pltpu.VMEM_SHARED((_NP, _D), jnp.float32),
        pltpu.SemaphoreType.DMA,
        pltpu.SemaphoreType.DMA,
        pltpu.SemaphoreType.DMA,
        pltpu.SemaphoreType.DMA,
    ],
)


_R = 1000


def _pre_body(x_ref, w_ref, degp_ref, xw_ref, yp_ref):
    dinv = lax.rsqrt(degp_ref[0] + degp_ref[1] + 1.0)
    xw = jnp.dot(x_ref[...], w_ref[...], preferred_element_type=jnp.float32)
    xw_ref[...] = xw
    yp_ref[...] = xw * dinv


def _mid_body(p_ref, xw1_ref, degp_ref, b_ref, w_ref, xw2_ref, yp_ref):
    dinv = lax.rsqrt(degp_ref[0] + degp_ref[1] + 1.0)
    z = ((p_ref[0] + p_ref[1]) * dinv
         + xw1_ref[...] * (dinv * dinv) + b_ref[...])
    h = jnp.maximum(z, 0.0)
    xw2 = jnp.dot(h, w_ref[...], preferred_element_type=jnp.float32)
    xw2_ref[...] = xw2
    yp_ref[...] = xw2 * dinv


def _fin_body(p_ref, xw2_ref, degp_ref, b_ref, out_ref):
    dinv = lax.rsqrt(degp_ref[0] + degp_ref[1] + 1.0)
    out_ref[...] = ((p_ref[0] + p_ref[1]) * dinv
                    + xw2_ref[...] * (dinv * dinv) + b_ref[...])


_spec_rows = pl.BlockSpec((_R, _D), lambda i: (i, 0))
_spec_w = pl.BlockSpec((_D, _D), lambda i: (0, 0))
_spec_degp = pl.BlockSpec((2, _R, 1), lambda i: (0, i, 0))
_spec_part = pl.BlockSpec((2, _R, _D), lambda i: (0, i, 0))
_spec_b = pl.BlockSpec((1, _D), lambda i: (0, 0))
_sds_rows = jax.ShapeDtypeStruct((_N, _D), jnp.float32)

_pre_call = pl.pallas_call(
    _pre_body,
    grid=(_N // _R,),
    in_specs=[_spec_rows, _spec_w, _spec_degp],
    out_specs=[_spec_rows, _spec_rows],
    out_shape=[_sds_rows, _sds_rows],
)

_mid_call = pl.pallas_call(
    _mid_body,
    grid=(_N // _R,),
    in_specs=[_spec_part, _spec_rows, _spec_degp, _spec_b, _spec_w],
    out_specs=[_spec_rows, _spec_rows],
    out_shape=[_sds_rows, _sds_rows],
)

_fin_call = pl.pallas_call(
    _fin_body,
    grid=(_N // _R,),
    in_specs=[_spec_part, _spec_rows, _spec_degp, _spec_b],
    out_specs=_spec_rows,
    out_shape=_sds_rows,
)


def kernel(x, edge_index, W1, b1, W2, b2):
    ei = edge_index.astype(jnp.int32)
    eiw = ei.reshape(2, _NW, _EPW)
    pk = jnp.stack([eiw[0, :, :_NCHUNK * _C].reshape(_NW, _NCHUNK, _C),
                    eiw[1, :, :_NCHUNK * _C].reshape(_NW, _NCHUNK, _C)],
                   axis=2)
    pkt = jnp.stack([eiw[0, :, _NCHUNK * _C:],
                     eiw[1, :, _NCHUNK * _C:]], axis=1)
    zeros2d = jnp.zeros((_C, _D), jnp.float32)
    zerosd = jnp.zeros((_RPT,), jnp.float32)

    degp = _deg_kernel(pk, pkt, zerosd)
    degp3 = degp.reshape(_NC, _NP, 1)

    xw1, y1p = _pre_call(x, W1, degp3)
    p1 = _agg_kernel(y1p, pk, pkt, zeros2d)
    xw2, y2p = _mid_call(p1, xw1, degp3, b1.reshape(1, _D), W2)
    p2 = _agg_kernel(y2p, pk, pkt, zeros2d)
    out = _fin_call(p2, xw2, degp3, b2.reshape(1, _D))
    return out

# --- scband reference (transcript-rebuilt; emitter-appended) ---
"""Pipeline reference for scband-gcnencoder-59193239273691 (READ-ONLY COPY).

The authoritative reference and input builder live on the scoring server;
editing this copy changes nothing except your own understanding.
"""

import jax, jax.numpy as jnp
import numpy as np

N_NODES = 10000
IN_CH = 128
HIDDEN = 128
OUT_CH = 128
N_EDGES = 320000


def gcn_conv(x, edge_index, W, b, num_nodes):
    # PyG-style GCNConv: add self-loops, symmetric normalization, scatter-add aggregation
    src = edge_index[0]
    dst = edge_index[1]
    loop = jnp.arange(num_nodes, dtype=edge_index.dtype)
    src = jnp.concatenate([src, loop])
    dst = jnp.concatenate([dst, loop])
    xw = x @ W
    deg = jnp.zeros((num_nodes,), dtype=x.dtype).at[dst].add(1.0)
    dinv = jnp.where(deg > 0, deg ** -0.5, 0.0)
    norm = dinv[src] * dinv[dst]
    msg = jnp.take(xw, src, axis=0) * norm[:, None]
    out = jax.ops.segment_sum(msg, dst, num_segments=num_nodes)
    return out + b


def setup_inputs(seed: int = 0) -> dict:
    key = jax.random.key(seed)
    k1, k2, k3, k4, k5 = jax.random.split(key, 5)
    x = jax.random.normal(k1, (N_NODES, IN_CH), dtype=jnp.float32)
    edge_index = jax.random.randint(k2, (2, N_EDGES), 0, N_NODES, dtype=jnp.int64)
    s1 = (1.0 / np.sqrt(IN_CH)).astype(np.float32) if isinstance(np.sqrt(IN_CH), np.ndarray) else np.float32(1.0 / np.sqrt(IN_CH))
    s2 = np.float32(1.0 / np.sqrt(HIDDEN))
    W1 = jax.random.uniform(k3, (IN_CH, HIDDEN), dtype=jnp.float32, minval=-s1, maxval=s1)
    b1 = jnp.zeros((HIDDEN,), dtype=jnp.float32)
    W2 = jax.random.uniform(k4, (HIDDEN, OUT_CH), dtype=jnp.float32, minval=-s2, maxval=s2)
    b2 = jnp.zeros((OUT_CH,), dtype=jnp.float32)
    return {"x": x, "edge_index": edge_index, "W1": W1, "b1": b1, "W2": W2, "b2": b2}


def reference(x, edge_index, W1, b1, W2, b2):
    h = jax.nn.relu(gcn_conv(x, edge_index, W1, b1, N_NODES))
    h = gcn_conv(h, edge_index, W2, b2, N_NODES)
    return h

if __name__ == "__main__":
    import jax
    _d = setup_inputs()
    print(jax.jit(kernel)(*tuple(_d.values())))

</pallas_src>

<mosaic_0001>
#map = affine_map<(d0, d1) -> (0, 0)>
#map1 = affine_map<(d0, d1) -> (0, 0, 0, 0)>
#map2 = affine_map<(d0, d1) -> (0, 0, 0)>
module attributes {stable_mosaic.version = 14 : i64} {
  func.func @_agg_body(%arg0: i32, %arg1: i32, %arg2: memref<10000x128xf32, #tpu.memory_space<hbm>>, %arg3: memref<32x78x2x128xi32, #tpu.memory_space<hbm>>, %arg4: memref<32x2x16xi32, #tpu.memory_space<hbm>>, %arg5: memref<128x128xf32, #tpu.memory_space<hbm>>, %arg6: memref<2x10240x128xf32, #tpu.memory_space<hbm>>, %arg7: memref<2x128xi32, #tpu.memory_space<vmem>>, %arg8: memref<2x128xi32, #tpu.memory_space<vmem>>, %arg9: memref<2x16xi32, #tpu.memory_space<vmem>>, %arg10: memref<128x128xf32, #tpu.memory_space<vmem>>, %arg11: memref<128x128xf32, #tpu.memory_space<vmem>>, %arg12: memref<10240x128xf32, #tpu.memory_space<vmem_shared>>, %arg13: memref<!tpu.dma_semaphore, #tpu.memory_space<semaphore_mem>>, %arg14: memref<!tpu.dma_semaphore, #tpu.memory_space<semaphore_mem>>, %arg15: memref<!tpu.dma_semaphore, #tpu.memory_space<semaphore_mem>>, %arg16: memref<!tpu.dma_semaphore, #tpu.memory_space<semaphore_mem>>) attributes {dimension_semantics = [#tpu.dimension_semantics<core_parallel>, #tpu.dimension_semantics<subcore_parallel>], iteration_bounds = array<i64: 2, 16>, scalar_prefetch = 0 : i64, scratch_operands = 10 : i64, tpu.core_type = #tpu.core_type<sc_vector_subcore>, window_params = [{transform_indices = #map}, {transform_indices = #map1}, {transform_indices = #map2}, {transform_indices = #map}, {transform_indices = #map2}]} {
    %mul3A = arith.constant 2 : i32
    %mul3A_0 = arith.muli %arg1, %mul3A : i32
    %add3A = arith.addi %mul3A_0, %arg0 : i32
    "tpu.region"() ({
      %run_scoped3A_238 = tpu.sem_alloc : memref<!tpu.dma_semaphore, #tpu.memory_space<semaphore_mem>>
      tpu.enqueue_dma source(%arg5 : memref<128x128xf32, #tpu.memory_space<hbm>>) target(%arg10 : memref<128x128xf32, #tpu.memory_space<vmem>>) target_semaphore(%run_scoped3A_238 : memref<!tpu.dma_semaphore, #tpu.memory_space<semaphore_mem>>)
      tpu.wait_dma2 semaphore(%run_scoped3A_238 : memref<!tpu.dma_semaphore, #tpu.memory_space<semaphore_mem>>) src(%arg5 : memref<128x128xf32, #tpu.memory_space<hbm>>) dst(%arg10 : memref<128x128xf32, #tpu.memory_space<vmem>>)
      tpu.yield
    }) : () -> ()
    %mul3A_1 = arith.constant 640 : i32
    %mul3A_2 = arith.muli %arg1, %mul3A_1 : i32
    %add3A_3 = arith.constant 0 : i32
    %add3A_4 = arith.addi %mul3A_2, %add3A_3 : i32
    %dma_start3A = arith.constant 0 : i32
    %dma_start3A_5 = tpu.memref_slice %arg12[%add3A_4, %dma_start3A] : memref<10240x128xf32, #tpu.memory_space<vmem_shared>> -> memref<128x128xf32, #tpu.memory_space<vmem_shared>>
    %dma_start3A_6 = arith.constant 0 : i32
    %dma_start3A_7 = tpu.memref_slice %arg12[%add3A_4, %dma_start3A_6] : memref<10240x128xf32, #tpu.memory_space<vmem_shared>> -> memref<128x128xf32, #tpu.memory_space<vmem_shared>>
    tpu.enqueue_dma source(%arg10 : memref<128x128xf32, #tpu.memory_space<vmem>>) target(%dma_start3A_7 : memref<128x128xf32, #tpu.memory_space<vmem_shared>>) target_semaphore(%arg15 : memref<!tpu.dma_semaphore, #tpu.memory_space<semaphore_mem>>)
    %mul3A_8 = arith.constant 640 : i32
    %mul3A_9 = arith.muli %arg1, %mul3A_8 : i32
    %add3A_10 = arith.constant 128 : i32
    %add3A_11 = arith.addi %mul3A_9, %add3A_10 : i32
    %dma_start3A_12 = arith.constant 0 : i32
    %dma_start3A_13 = tpu.memref_slice %arg12[%add3A_11, %dma_start3A_12] : memref<10240x128xf32, #tpu.memory_space<vmem_shared>> -> memref<128x128xf32, #tpu.memory_space<vmem_shared>>
    %dma_start3A_14 = arith.constant 0 : i32
    %dma_start3A_15 = tpu.memref_slice %arg12[%add3A_11, %dma_start3A_14] : memref<10240x128xf32, #tpu.memory_space<vmem_shared>> -> memref<128x128xf32, #tpu.memory_space<vmem_shared>>
    tpu.enqueue_dma source(%arg10 : memref<128x128xf32, #tpu.memory_space<vmem>>) target(%dma_start3A_15 : memref<128x128xf32, #tpu.memory_space<vmem_shared>>) target_semaphore(%arg15 : memref<!tpu.dma_semaphore, #tpu.memory_space<semaphore_mem>>)
    %mul3A_16 = arith.constant 640 : i32
    %mul3A_17 = arith.muli %arg1, %mul3A_16 : i32
    %add3A_18 = arith.constant 256 : i32
    %add3A_19 = arith.addi %mul3A_17, %add3A_18 : i32
    %dma_start3A_20 = arith.constant 0 : i32
    %dma_start3A_21 = tpu.memref_slice %arg12[%add3A_19, %dma_start3A_20] : memref<10240x128xf32, #tpu.memory_space<vmem_shared>> -> memref<128x128xf32, #tpu.memory_space<vmem_shared>>
    %dma_start3A_22 = arith.constant 0 : i32
    %dma_start3A_23 = tpu.memref_slice %arg12[%add3A_19, %dma_start3A_22] : memref<10240x128xf32, #tpu.memory_space<vmem_shared>> -> memref<128x128xf32, #tpu.memory_space<vmem_shared>>
    tpu.enqueue_dma source(%arg10 : memref<128x128xf32, #tpu.memory_space<vmem>>) target(%dma_start3A_23 : memref<128x128xf32, #tpu.memory_space<vmem_shared>>) target_semaphore(%arg15 : memref<!tpu.dma_semaphore, #tpu.memory_space<semaphore_mem>>)
    %mul3A_24 = arith.constant 640 : i32
    %mul3A_25 = arith.muli %arg1, %mul3A_24 : i32
    %add3A_26 = arith.constant 384 : i32
    %add3A_27 = arith.addi %mul3A_25, %add3A_26 : i32
    %dma_start3A_28 = arith.constant 0 : i32
    %dma_start3A_29 = tpu.memref_slice %arg12[%add3A_27, %dma_start3A_28] : memref<10240x128xf32, #tpu.memory_space<vmem_shared>> -> memref<128x128xf32, #tpu.memory_space<vmem_shared>>
    %dma_start3A_30 = arith.constant 0 : i32
    %dma_start3A_31 = tpu.memref_slice %arg12[%add3A_27, %dma_start3A_30] : memref<10240x128xf32, #tpu.memory_space<vmem_shared>> -> memref<128x128xf32, #tpu.memory_space<vmem_shared>>
    tpu.enqueue_dma source(%arg10 : memref<128x128xf32, #tpu.memory_space<vmem>>) target(%dma_start3A_31 : memref<128x128xf32, #tpu.memory_space<vmem_shared>>) target_semaphore(%arg15 : memref<!tpu.dma_semaphore, #tpu.memory_space<semaphore_mem>>)
    %mul3A_32 = arith.constant 640 : i32
    %mul3A_33 = arith.muli %arg1, %mul3A_32 : i32
    %add3A_34 = arith.constant 512 : i32
    %add3A_35 = arith.addi %mul3A_33, %add3A_34 : i32
    %dma_start3A_36 = arith.constant 0 : i32
    %dma_start3A_37 = tpu.memref_slice %arg12[%add3A_35, %dma_start3A_36] : memref<10240x128xf32, #tpu.memory_space<vmem_shared>> -> memref<128x128xf32, #tpu.memory_space<vmem_shared>>
    %dma_start3A_38 = arith.constant 0 : i32
    %dma_start3A_39 = tpu.memref_slice %arg12[%add3A_35, %dma_start3A_38] : memref<10240x128xf32, #tpu.memory_space<vmem_shared>> -> memref<128x128xf32, #tpu.memory_space<vmem_shared>>
    tpu.enqueue_dma source(%arg10 : memref<128x128xf32, #tpu.memory_space<vmem>>) target(%dma_start3A_39 : memref<128x128xf32, #tpu.memory_space<vmem_shared>>) target_semaphore(%arg15 : memref<!tpu.dma_semaphore, #tpu.memory_space<semaphore_mem>>)
    %dma_wait3A = arith.constant 0 : i32
    %dma_wait3A_40 = arith.constant 0 : i32
    %dma_wait3A_41 = tpu.memref_slice %arg12[%dma_wait3A, %dma_wait3A_40] : memref<10240x128xf32, #tpu.memory_space<vmem_shared>> -> memref<128x128xf32, #tpu.memory_space<vmem_shared>>
    %dma_wait3A_42 = arith.constant 0 : i32
    %dma_wait3A_43 = arith.constant 0 : i32
    %dma_wait3A_44 = tpu.memref_slice %arg12[%dma_wait3A_42, %dma_wait3A_43] : memref<10240x128xf32, #tpu.memory_space<vmem_shared>> -> memref<128x128xf32, #tpu.memory_space<vmem_shared>>
    tpu.wait_dma2 semaphore(%arg15 : memref<!tpu.dma_semaphore, #tpu.memory_space<semaphore_mem>>) src(%arg10 : memref<128x128xf32, #tpu.memory_space<vmem>>) dst(%dma_wait3A_44 : memref<128x128xf32, #tpu.memory_space<vmem_shared>>)
    %dma_wait3A_45 = arith.constant 0 : i32
    %dma_wait3A_46 = arith.constant 0 : i32
    %dma_wait3A_47 = tpu.memref_slice %arg12[%dma_wait3A_45, %dma_wait3A_46] : memref<10240x128xf32, #tpu.memory_space<vmem_shared>> -> memref<128x128xf32, #tpu.memory_space<vmem_shared>>
    %dma_wait3A_48 = arith.constant 0 : i32
    %dma_wait3A_49 = arith.constant 0 : i32
    %dma_wait3A_50 = tpu.memref_slice %arg12[%dma_wait3A_48, %dma_wait3A_49] : memref<10240x128xf32, #tpu.memory_space<vmem_shared>> -> memref<128x128xf32, #tpu.memory_space<vmem_shared>>
    tpu.wait_dma2 semaphore(%arg15 : memref<!tpu.dma_semaphore, #tpu.memory_space<semaphore_mem>>) src(%arg10 : memref<128x128xf32, #tpu.memory_space<vmem>>) dst(%dma_wait3A_50 : memref<128x128xf32, #tpu.memory_space<vmem_shared>>)
    %dma_wait3A_51 = arith.constant 0 : i32
    %dma_wait3A_52 = arith.constant 0 : i32
    %dma_wait3A_53 = tpu.memref_slice %arg12[%dma_wait3A_51, %dma_wait3A_52] : memref<10240x128xf32, #tpu.memory_space<vmem_shared>> -> memref<128x128xf32, #tpu.memory_space<vmem_shared>>
    %dma_wait3A_54 = arith.constant 0 : i32
    %dma_wait3A_55 = arith.constant 0 : i32
    %dma_wait3A_56 = tpu.memref_slice %arg12[%dma_wait3A_54, %dma_wait3A_55] : memref<10240x128xf32, #tpu.memory_space<vmem_shared>> -> memref<128x128xf32, #tpu.memory_space<vmem_shared>>
    tpu.wait_dma2 semaphore(%arg15 : memref<!tpu.dma_semaphore, #tpu.memory_space<semaphore_mem>>) src(%arg10 : memref<128x128xf32, #tpu.memory_space<vmem>>) dst(%dma_wait3A_56 : memref<128x128xf32, #tpu.memory_space<vmem_shared>>)
    %dma_wait3A_57 = arith.constant 0 : i32
    %dma_wait3A_58 = arith.constant 0 : i32
    %dma_wait3A_59 = tpu.memref_slice %arg12[%dma_wait3A_57, %dma_wait3A_58] : memref<10240x128xf32, #tpu.memory_space<vmem_shared>> -> memref<128x128xf32, #tpu.memory_space<vmem_shared>>
    %dma_wait3A_60 = arith.constant 0 : i32
    %dma_wait3A_61 = arith.constant 0 : i32
    %dma_wait3A_62 = tpu.memref_slice %arg12[%dma_wait3A_60, %dma_wait3A_61] : memref<10240x128xf32, #tpu.memory_space<vmem_shared>> -> memref<128x128xf32, #tpu.memory_space<vmem_shared>>
    tpu.wait_dma2 semaphore(%arg15 : memref<!tpu.dma_semaphore, #tpu.memory_space<semaphore_mem>>) src(%arg10 : memref<128x128xf32, #tpu.memory_space<vmem>>) dst(%dma_wait3A_62 : memref<128x128xf32, #tpu.memory_space<vmem_shared>>)
    %dma_wait3A_63 = arith.constant 0 : i32
    %dma_wait3A_64 = arith.constant 0 : i32
    %dma_wait3A_65 = tpu.memref_slice %arg12[%dma_wait3A_63, %dma_wait3A_64] : memref<10240x128xf32, #tpu.memory_space<vmem_shared>> -> memref<128x128xf32, #tpu.memory_space<vmem_shared>>
    %dma_wait3A_66 = arith.constant 0 : i32
    %dma_wait3A_67 = arith.constant 0 : i32
    %dma_wait3A_68 = tpu.memref_slice %arg12[%dma_wait3A_66, %dma_wait3A_67] : memref<10240x128xf32, #tpu.memory_space<vmem_shared>> -> memref<128x128xf32, #tpu.memory_space<vmem_shared>>
    tpu.wait_dma2 semaphore(%arg15 : memref<!tpu.dma_semaphore, #tpu.memory_space<semaphore_mem>>) src(%arg10 : memref<128x128xf32, #tpu.memory_space<vmem>>) dst(%dma_wait3A_68 : memref<128x128xf32, #tpu.memory_space<vmem_shared>>)
    %barrier3A = arith.constant 0 : index
    tpu.barrier barrier_id(%barrier3A)
    %min3A = arith.constant 0 : i32
    %min3A_69 = arith.constant 77 : i32
    %min3A_70 = arith.minsi %min3A, %min3A_69 : i32
    %dma_start3A_71 = arith.constant 0 : i32
    %dma_start3A_72 = arith.constant 0 : i32
    %dma_start3A_73 = tpu.memref_slice %arg3[%add3A, %min3A_70, %dma_start3A_71, %dma_start3A_72] : memref<32x78x2x128xi32, #tpu.memory_space<hbm>> -> memref<1x1x2x128xi32, #tpu.memory_space<hbm>>
    %dma_start3A_74 = tpu.memref_squeeze %dma_start3A_73 : memref<1x1x2x128xi32, #tpu.memory_space<hbm>> -> memref<2x128xi32, #tpu.memory_space<hbm>>
    %dma_start3A_75 = arith.constant 0 : i32
    %dma_start3A_76 = arith.constant 0 : i32
    %dma_start3A_77 = tpu.memref_slice %arg3[%add3A, %min3A_70, %dma_start3A_75, %dma_start3A_76] : memref<32x78x2x128xi32, #tpu.memory_space<hbm>> -> memref<1x1x2x128xi32, #tpu.memory_space<hbm>>
    %dma_start3A_78 = tpu.memref_squeeze %dma_start3A_77 : memref<1x1x2x128xi32, #tpu.memory_space<hbm>> -> memref<2x128xi32, #tpu.memory_space<hbm>>
    tpu.enqueue_dma source(%dma_start3A_78 : memref<2x128xi32, #tpu.memory_space<hbm>>) target(%arg7 : memref<2x128xi32, #tpu.memory_space<vmem>>) target_semaphore(%arg13 : memref<!tpu.dma_semaphore, #tpu.memory_space<semaphore_mem>>)
    %dma_wait3A_79 = arith.constant 0 : i32
    %dma_wait3A_80 = arith.constant 0 : i32
    %dma_wait3A_81 = arith.constant 0 : i32
    %dma_wait3A_82 = arith.constant 0 : i32
    %dma_wait3A_83 = tpu.memref_slice %arg3[%dma_wait3A_79, %dma_wait3A_80, %dma_wait3A_81, %dma_wait3A_82] : memref<32x78x2x128xi32, #tpu.memory_space<hbm>> -> memref<1x1x2x128xi32, #tpu.memory_space<hbm>>
    %dma_wait3A_84 = tpu.memref_squeeze %dma_wait3A_83 : memref<1x1x2x128xi32, #tpu.memory_space<hbm>> -> memref<2x128xi32, #tpu.memory_space<hbm>>
    %dma_wait3A_85 = arith.constant 0 : i32
    %dma_wait3A_86 = arith.constant 0 : i32
    %dma_wait3A_87 = tpu.memref_slice %arg3[%dma_wait3A_79, %dma_wait3A_80, %dma_wait3A_85, %dma_wait3A_86] : memref<32x78x2x128xi32, #tpu.memory_space<hbm>> -> memref<1x1x2x128xi32, #tpu.memory_space<hbm>>
    %dma_wait3A_88 = tpu.memref_squeeze %dma_wait3A_87 : memref<1x1x2x128xi32, #tpu.memory_space<hbm>> -> memref<2x128xi32, #tpu.memory_space<hbm>>
    tpu.wait_dma2 semaphore(%arg13 : memref<!tpu.dma_semaphore, #tpu.memory_space<semaphore_mem>>) src(%dma_wait3A_88 : memref<2x128xi32, #tpu.memory_space<hbm>>) dst(%arg7 : memref<2x128xi32, #tpu.memory_space<vmem>>)
    %dma_start3A_89 = arith.constant 0 : i32
    %dma_start3A_90 = arith.constant 0 : i32
    %dma_start3A_91 = tpu.memref_slice %arg7[%dma_start3A_89, %dma_start3A_90] : memref<2x128xi32, #tpu.memory_space<vmem>> -> memref<1x128xi32, #tpu.memory_space<vmem>>
    %dma_start3A_92 = tpu.memref_squeeze %dma_start3A_91 : memref<1x128xi32, #tpu.memory_space<vmem>> -> memref<128xi32, #tpu.memory_space<vmem>>
    %dma_start3A_93 = arith.constant 0 : i32
    %dma_start3A_94 = arith.constant 0 : i32
    %dma_start3A_95 = tpu.memref_slice %arg2[%dma_start3A_93, %dma_start3A_94] : memref<10000x128xf32, #tpu.memory_space<hbm>> -> memref<10000x128xf32, #tpu.memory_space<hbm>>
    tpu.enqueue_indirect_dma source(%dma_start3A_95 : memref<10000x128xf32, #tpu.memory_space<hbm>>) target(%arg10 : memref<128x128xf32, #tpu.memory_space<vmem>>) offsets(%dma_start3A_92 : memref<128xi32, #tpu.memory_space<vmem>>) semaphore(%arg15 : memref<!tpu.dma_semaphore, #tpu.memory_space<semaphore_mem>>)
    %min3A_96 = arith.constant 1 : i32
    %min3A_97 = arith.constant 77 : i32
    %min3A_98 = arith.minsi %min3A_96, %min3A_97 : i32
    %dma_start3A_99 = arith.constant 0 : i32
    %dma_start3A_100 = arith.constant 0 : i32
    %dma_start3A_101 = tpu.memref_slice %arg3[%add3A, %min3A_98, %dma_start3A_99, %dma_start3A_100] : memref<32x78x2x128xi32, #tpu.memory_space<hbm>> -> memref<1x1x2x128xi32, #tpu.memory_space<hbm>>
    %dma_start3A_102 = tpu.memref_squeeze %dma_start3A_101 : memref<1x1x2x128xi32, #tpu.memory_space<hbm>> -> memref<2x128xi32, #tpu.memory_space<hbm>>
    %dma_start3A_103 = arith.constant 0 : i32
    %dma_start3A_104 = arith.constant 0 : i32
    %dma_start3A_105 = tpu.memref_slice %arg3[%add3A, %min3A_98, %dma_start3A_103, %dma_start3A_104] : memref<32x78x2x128xi32, #tpu.memory_space<hbm>> -> memref<1x1x2x128xi32, #tpu.memory_space<hbm>>
    %dma_start3A_106 = tpu.memref_squeeze %dma_start3A_105 : memref<1x1x2x128xi32, #tpu.memory_space<hbm>> -> memref<2x128xi32, #tpu.memory_space<hbm>>
    tpu.enqueue_dma source(%dma_start3A_106 : memref<2x128xi32, #tpu.memory_space<hbm>>) target(%arg8 : memref<2x128xi32, #tpu.memory_space<vmem>>) target_semaphore(%arg14 : memref<!tpu.dma_semaphore, #tpu.memory_space<semaphore_mem>>)
    %scan3A = arith.constant 0 : i32
    %scan3A_107 = arith.constant 0 : i32
    %scan3A_108 = arith.constant 39 : i32
    %scan3A_109 = arith.addi %scan3A_107, %scan3A_108 : i32
    %scan3A_110 = arith.constant 1 : i32
    scf.for %scan3A_238 = %scan3A_107 to %scan3A_109 step %scan3A_110  : i32 {
      %mul3A_239 = arith.constant 2 : i32
      %mul3A_240 = arith.muli %mul3A_239, %scan3A_238 : i32
      %dma_wait3A_241 = arith.constant 0 : i32
      %dma_wait3A_242 = arith.constant 0 : i32
      %dma_wait3A_243 = tpu.memref_slice %arg7[%dma_wait3A_241, %dma_wait3A_242] : memref<2x128xi32, #tpu.memory_space<vmem>> -> memref<1x128xi32, #tpu.memory_space<vmem>>
      %dma_wait3A_244 = tpu.memref_squeeze %dma_wait3A_243 : memref<1x128xi32, #tpu.memory_space<vmem>> -> memref<128xi32, #tpu.memory_space<vmem>>
      %dma_wait3A_245 = arith.constant 0 : i32
      %dma_wait3A_246 = arith.constant 0 : i32
      %dma_wait3A_247 = tpu.memref_slice %arg2[%dma_wait3A_245, %dma_wait3A_246] : memref<10000x128xf32, #tpu.memory_space<hbm>> -> memref<10000x128xf32, #tpu.memory_space<hbm>>
      tpu.wait_indirect_dma semaphore(%arg15 : memref<!tpu.dma_semaphore, #tpu.memory_space<semaphore_mem>>) src(%dma_wait3A_247 : memref<10000x128xf32, #tpu.memory_space<hbm>>) dst(%arg10 : memref<128x128xf32, #tpu.memory_space<vmem>>)
      %dma_wait3A_248 = arith.constant 0 : i32
      %dma_wait3A_249 = arith.constant 0 : i32
      %dma_wait3A_250 = arith.constant 0 : i32
      %dma_wait3A_251 = arith.constant 0 : i32
      %dma_wait3A_252 = tpu.memref_slice %arg3[%dma_wait3A_248, %dma_wait3A_249, %dma_wait3A_250, %dma_wait3A_251] : memref<32x78x2x128xi32, #tpu.memory_space<hbm>> -> memref<1x1x2x128xi32, #tpu.memory_space<hbm>>
      %dma_wait3A_253 = tpu.memref_squeeze %dma_wait3A_252 : memref<1x1x2x128xi32, #tpu.memory_space<hbm>> -> memref<2x128xi32, #tpu.memory_space<hbm>>
      %dma_wait3A_254 = arith.constant 0 : i32
      %dma_wait3A_255 = arith.constant 0 : i32
      %dma_wait3A_256 = tpu.memref_slice %arg3[%dma_wait3A_248, %dma_wait3A_249, %dma_wait3A_254, %dma_wait3A_255] : memref<32x78x2x128xi32, #tpu.memory_space<hbm>> -> memref<1x1x2x128xi32, #tpu.memory_space<hbm>>
      %dma_wait3A_257 = tpu.memref_squeeze %dma_wait3A_256 : memref<1x1x2x128xi32, #tpu.memory_space<hbm>> -> memref<2x128xi32, #tpu.memory_space<hbm>>
      tpu.wait_dma2 semaphore(%arg14 : memref<!tpu.dma_semaphore, #tpu.memory_space<semaphore_mem>>) src(%dma_wait3A_257 : memref<2x128xi32, #tpu.memory_space<hbm>>) dst(%arg8 : memref<2x128xi32, #tpu.memory_space<vmem>>)
      %dma_start3A_258 = arith.constant 0 : i32
      %dma_start3A_259 = arith.constant 0 : i32
      %dma_start3A_260 = tpu.memref_slice %arg8[%dma_start3A_258, %dma_start3A_259] : memref<2x128xi32, #tpu.memory_space<vmem>> -> memref<1x128xi32, #tpu.memory_space<vmem>>
      %dma_start3A_261 = tpu.memref_squeeze %dma_start3A_260 : memref<1x128xi32, #tpu.memory_space<vmem>> -> memref<128xi32, #tpu.memory_space<vmem>>
      %dma_start3A_262 = arith.constant 0 : i32
      %dma_start3A_263 = arith.constant 0 : i32
      %dma_start3A_264 = tpu.memref_slice %arg2[%dma_start3A_262, %dma_start3A_263] : memref<10000x128xf32, #tpu.memory_space<hbm>> -> memref<10000x128xf32, #tpu.memory_space<hbm>>
      tpu.enqueue_indirect_dma source(%dma_start3A_264 : memref<10000x128xf32, #tpu.memory_space<hbm>>) target(%arg11 : memref<128x128xf32, #tpu.memory_space<vmem>>) offsets(%dma_start3A_261 : memref<128xi32, #tpu.memory_space<vmem>>) semaphore(%arg16 : memref<!tpu.dma_semaphore, #tpu.memory_space<semaphore_mem>>)
      %run_scoped3A_265 = arith.constant 1 : i32
      "tpu.region"() ({
        %run_scoped3A_315 = tpu.sem_alloc : memref<!tpu.dma_semaphore, #tpu.memory_space<semaphore_mem>>
        %dma_start3A_316 = arith.constant 0 : i32
        %dma_start3A_317 = tpu.memref_slice %arg7[%run_scoped3A_265, %dma_start3A_316] : memref<2x128xi32, #tpu.memory_space<vmem>> -> memref<1x128xi32, #tpu.memory_space<vmem>>
        %dma_start3A_318 = tpu.memref_squeeze %dma_start3A_317 : memref<1x128xi32, #tpu.memory_space<vmem>> -> memref<128xi32, #tpu.memory_space<vmem>>
        %dma_start3A_319 = arith.constant 0 : i32
        %dma_start3A_320 = arith.constant 0 : i32
        %dma_start3A_321 = tpu.memref_slice %arg12[%dma_start3A_319, %dma_start3A_320] : memref<10240x128xf32, #tpu.memory_space<vmem_shared>> -> memref<10240x128xf32, #tpu.memory_space<vmem_shared>>
        tpu.enqueue_indirect_dma source(%arg10 : memref<128x128xf32, #tpu.memory_space<vmem>>) target(%dma_start3A_321 : memref<10240x128xf32, #tpu.memory_space<vmem_shared>>) offsets(%dma_start3A_318 : memref<128xi32, #tpu.memory_space<vmem>>) semaphore(%run_scoped3A_315 : memref<!tpu.dma_semaphore, #tpu.memory_space<semaphore_mem>>) {add = true}
        %dma_wait3A_322 = arith.constant 0 : i32
        %dma_wait3A_323 = tpu.memref_slice %arg7[%run_scoped3A_265, %dma_wait3A_322] : memref<2x128xi32, #tpu.memory_space<vmem>> -> memref<1x128xi32, #tpu.memory_space<vmem>>
        %dma_wait3A_324 = tpu.memref_squeeze %dma_wait3A_323 : memref<1x128xi32, #tpu.memory_space<vmem>> -> memref<128xi32, #tpu.memory_space<vmem>>
        %dma_wait3A_325 = arith.constant 0 : i32
        %dma_wait3A_326 = arith.constant 0 : i32
        %dma_wait3A_327 = tpu.memref_slice %arg12[%dma_wait3A_325, %dma_wait3A_326] : memref<10240x128xf32, #tpu.memory_space<vmem_shared>> -> memref<10240x128xf32, #tpu.memory_space<vmem_shared>>
        tpu.wait_indirect_dma semaphore(%run_scoped3A_315 : memref<!tpu.dma_semaphore, #tpu.memory_space<semaphore_mem>>) src(%arg10 : memref<128x128xf32, #tpu.memory_space<vmem>>) dst(%dma_wait3A_327 : memref<10240x128xf32, #tpu.memory_space<vmem_shared>>)
        tpu.yield
      }) : () -> ()
      %add3A_266 = arith.constant 2 : i32
      %add3A_267 = arith.addi %mul3A_240, %add3A_266 : i32
      %min3A_268 = arith.constant 77 : i32
      %min3A_269 = arith.minsi %add3A_267, %min3A_268 : i32
      %dma_start3A_270 = arith.constant 0 : i32
      %dma_start3A_271 = arith.constant 0 : i32
      %dma_start3A_272 = tpu.memref_slice %arg3[%add3A, %min3A_269, %dma_start3A_270, %dma_start3A_271] : memref<32x78x2x128xi32, #tpu.memory_space<hbm>> -> memref<1x1x2x128xi32, #tpu.memory_space<hbm>>
      %dma_start3A_273 = tpu.memref_squeeze %dma_start3A_272 : memref<1x1x2x128xi32, #tpu.memory_space<hbm>> -> memref<2x128xi32, #tpu.memory_space<hbm>>
      %dma_start3A_274 = arith.constant 0 : i32
      %dma_start3A_275 = arith.constant 0 : i32
      %dma_start3A_276 = tpu.memref_slice %arg3[%add3A, %min3A_269, %dma_start3A_274, %dma_start3A_275] : memref<32x78x2x128xi32, #tpu.memory_space<hbm>> -> memref<1x1x2x128xi32, #tpu.memory_space<hbm>>
      %dma_start3A_277 = tpu.memref_squeeze %dma_start3A_276 : memref<1x1x2x128xi32, #tpu.memory_space<hbm>> -> memref<2x128xi32, #tpu.memory_space<hbm>>
      tpu.enqueue_dma source(%dma_start3A_277 : memref<2x128xi32, #tpu.memory_space<hbm>>) target(%arg7 : memref<2x128xi32, #tpu.memory_space<vmem>>) target_semaphore(%arg13 : memref<!tpu.dma_semaphore, #tpu.memory_space<semaphore_mem>>)
      %dma_wait3A_278 = arith.constant 0 : i32
      %dma_wait3A_279 = arith.constant 0 : i32
      %dma_wait3A_280 = tpu.memref_slice %arg8[%dma_wait3A_278, %dma_wait3A_279] : memref<2x128xi32, #tpu.memory_space<vmem>> -> memref<1x128xi32, #tpu.memory_space<vmem>>
      %dma_wait3A_281 = tpu.memref_squeeze %dma_wait3A_280 : memref<1x128xi32, #tpu.memory_space<vmem>> -> memref<128xi32, #tpu.memory_space<vmem>>
      %dma_wait3A_282 = arith.constant 0 : i32
      %dma_wait3A_283 = arith.constant 0 : i32
      %dma_wait3A_284 = tpu.memref_slice %arg2[%dma_wait3A_282, %dma_wait3A_283] : memref<10000x128xf32, #tpu.memory_space<hbm>> -> memref<10000x128xf32, #tpu.memory_space<hbm>>
      tpu.wait_indirect_dma semaphore(%arg16 : memref<!tpu.dma_semaphore, #tpu.memory_space<semaphore_mem>>) src(%dma_wait3A_284 : memref<10000x128xf32, #tpu.memory_space<hbm>>) dst(%arg11 : memref<128x128xf32, #tpu.memory_space<vmem>>)
      %dma_wait3A_285 = arith.constant 0 : i32
      %dma_wait3A_286 = arith.constant 0 : i32
      %dma_wait3A_287 = arith.constant 0 : i32
      %dma_wait3A_288 = arith.constant 0 : i32
      %dma_wait3A_289 = tpu.memref_slice %arg3[%dma_wait3A_285, %dma_wait3A_286, %dma_wait3A_287, %dma_wait3A_288] : memref<32x78x2x128xi32, #tpu.memory_space<hbm>> -> memref<1x1x2x128xi32, #tpu.memory_space<hbm>>
      %dma_wait3A_290 = tpu.memref_squeeze %dma_wait3A_289 : memref<1x1x2x128xi32, #tpu.memory_space<hbm>> -> memref<2x128xi32, #tpu.memory_space<hbm>>
      %dma_wait3A_291 = arith.constant 0 : i32
      %dma_wait3A_292 = arith.constant 0 : i32
      %dma_wait3A_293 = tpu.memref_slice %arg3[%dma_wait3A_285, %dma_wait3A_286, %dma_wait3A_291, %dma_wait3A_292] : memref<32x78x2x128xi32, #tpu.memory_space<hbm>> -> memref<1x1x2x128xi32, #tpu.memory_space<hbm>>
      %dma_wait3A_294 = tpu.memref_squeeze %dma_wait3A_293 : memref<1x1x2x128xi32, #tpu.memory_space<hbm>> -> memref<2x128xi32, #tpu.memory_space<hbm>>
      tpu.wait_dma2 semaphore(%arg13 : memref<!tpu.dma_semaphore, #tpu.memory_space<semaphore_mem>>) src(%dma_wait3A_294 : memref<2x128xi32, #tpu.memory_space<hbm>>) dst(%arg7 : memref<2x128xi32, #tpu.memory_space<vmem>>)
      %dma_start3A_295 = arith.constant 0 : i32
      %dma_start3A_296 = arith.constant 0 : i32
      %dma_start3A_297 = tpu.memref_slice %arg7[%dma_start3A_295, %dma_start3A_296] : memref<2x128xi32, #tpu.memory_space<vmem>> -> memref<1x128xi32, #tpu.memory_space<vmem>>
      %dma_start3A_298 = tpu.memref_squeeze %dma_start3A_297 : memref<1x128xi32, #tpu.memory_space<vmem>> -> memref<128xi32, #tpu.memory_space<vmem>>
      %dma_start3A_299 = arith.constant 0 : i32
      %dma_start3A_300 = arith.constant 0 : i32
      %dma_start3A_301 = tpu.memref_slice %arg2[%dma_start3A_299, %dma_start3A_300] : memref<10000x128xf32, #tpu.memory_space<hbm>> -> memref<10000x128xf32, #tpu.memory_space<hbm>>
      tpu.enqueue_indirect_dma source(%dma_start3A_301 : memref<10000x128xf32, #tpu.memory_space<hbm>>) target(%arg10 : memref<128x128xf32, #tpu.memory_space<vmem>>) offsets(%dma_start3A_298 : memref<128xi32, #tpu.memory_space<vmem>>) semaphore(%arg15 : memref<!tpu.dma_semaphore, #tpu.memory_space<semaphore_mem>>)
      %run_scoped3A_302 = arith.constant 1 : i32
      "tpu.region"() ({
        %run_scoped3A_315 = tpu.sem_alloc : memref<!tpu.dma_semaphore, #tpu.memory_space<semaphore_mem>>
        %dma_start3A_316 = arith.constant 0 : i32
        %dma_start3A_317 = tpu.memref_slice %arg8[%run_scoped3A_302, %dma_start3A_316] : memref<2x128xi32, #tpu.memory_space<vmem>> -> memref<1x128xi32, #tpu.memory_space<vmem>>
        %dma_start3A_318 = tpu.memref_squeeze %dma_start3A_317 : memref<1x128xi32, #tpu.memory_space<vmem>> -> memref<128xi32, #tpu.memory_space<vmem>>
        %dma_start3A_319 = arith.constant 0 : i32
        %dma_start3A_320 = arith.constant 0 : i32
        %dma_start3A_321 = tpu.memref_slice %arg12[%dma_start3A_319, %dma_start3A_320] : memref<10240x128xf32, #tpu.memory_space<vmem_shared>> -> memref<10240x128xf32, #tpu.memory_space<vmem_shared>>
        tpu.enqueue_indirect_dma source(%arg11 : memref<128x128xf32, #tpu.memory_space<vmem>>) target(%dma_start3A_321 : memref<10240x128xf32, #tpu.memory_space<vmem_shared>>) offsets(%dma_start3A_318 : memref<128xi32, #tpu.memory_space<vmem>>) semaphore(%run_scoped3A_315 : memref<!tpu.dma_semaphore, #tpu.memory_space<semaphore_mem>>) {add = true}
        %dma_wait3A_322 = arith.constant 0 : i32
        %dma_wait3A_323 = tpu.memref_slice %arg8[%run_scoped3A_302, %dma_wait3A_322] : memref<2x128xi32, #tpu.memory_space<vmem>> -> memref<1x128xi32, #tpu.memory_space<vmem>>
        %dma_wait3A_324 = tpu.memref_squeeze %dma_wait3A_323 : memref<1x128xi32, #tpu.memory_space<vmem>> -> memref<128xi32, #tpu.memory_space<vmem>>
        %dma_wait3A_325 = arith.constant 0 : i32
        %dma_wait3A_326 = arith.constant 0 : i32
        %dma_wait3A_327 = tpu.memref_slice %arg12[%dma_wait3A_325, %dma_wait3A_326] : memref<10240x128xf32, #tpu.memory_space<vmem_shared>> -> memref<10240x128xf32, #tpu.memory_space<vmem_shared>>
        tpu.wait_indirect_dma semaphore(%run_scoped3A_315 : memref<!tpu.dma_semaphore, #tpu.memory_space<semaphore_mem>>) src(%arg11 : memref<128x128xf32, #tpu.memory_space<vmem>>) dst(%dma_wait3A_327 : memref<10240x128xf32, #tpu.memory_space<vmem_shared>>)
        tpu.yield
      }) : () -> ()
      %add3A_303 = arith.constant 3 : i32
      %add3A_304 = arith.addi %mul3A_240, %add3A_303 : i32
      %min3A_305 = arith.constant 77 : i32
      %min3A_306 = arith.minsi %add3A_304, %min3A_305 : i32
      %dma_start3A_307 = arith.constant 0 : i32
      %dma_start3A_308 = arith.constant 0 : i32
      %dma_start3A_309 = tpu.memref_slice %arg3[%add3A, %min3A_306, %dma_start3A_307, %dma_start3A_308] : memref<32x78x2x128xi32, #tpu.memory_space<hbm>> -> memref<1x1x2x128xi32, #tpu.memory_space<hbm>>
      %dma_start3A_310 = tpu.memref_squeeze %dma_start3A_309 : memref<1x1x2x128xi32, #tpu.memory_space<hbm>> -> memref<2x128xi32, #tpu.memory_space<hbm>>
      %dma_start3A_311 = arith.constant 0 : i32
      %dma_start3A_312 = arith.constant 0 : i32
      %dma_start3A_313 = tpu.memref_slice %arg3[%add3A, %min3A_306, %dma_start3A_311, %dma_start3A_312] : memref<32x78x2x128xi32, #tpu.memory_space<hbm>> -> memref<1x1x2x128xi32, #tpu.memory_space<hbm>>
      %dma_start3A_314 = tpu.memref_squeeze %dma_start3A_313 : memref<1x1x2x128xi32, #tpu.memory_space<hbm>> -> memref<2x128xi32, #tpu.memory_space<hbm>>
      tpu.enqueue_dma source(%dma_start3A_314 : memref<2x128xi32, #tpu.memory_space<hbm>>) target(%arg8 : memref<2x128xi32, #tpu.memory_space<vmem>>) target_semaphore(%arg14 : memref<!tpu.dma_semaphore, #tpu.memory_space<semaphore_mem>>)
    }
    %scan3A_111 = arith.constant 39 : i32
    %dma_wait3A_112 = arith.constant 0 : i32
    %dma_wait3A_113 = arith.constant 0 : i32
    %dma_wait3A_114 = tpu.memref_slice %arg7[%dma_wait3A_112, %dma_wait3A_113] : memref<2x128xi32, #tpu.memory_space<vmem>> -> memref<1x128xi32, #tpu.memory_space<vmem>>
    %dma_wait3A_115 = tpu.memref_squeeze %dma_wait3A_114 : memref<1x128xi32, #tpu.memory_space<vmem>> -> memref<128xi32, #tpu.memory_space<vmem>>
    %dma_wait3A_116 = arith.constant 0 : i32
    %dma_wait3A_117 = arith.constant 0 : i32
    %dma_wait3A_118 = tpu.memref_slice %arg2[%dma_wait3A_116, %dma_wait3A_117] : memref<10000x128xf32, #tpu.memory_space<hbm>> -> memref<10000x128xf32, #tpu.memory_space<hbm>>
    tpu.wait_indirect_dma semaphore(%arg15 : memref<!tpu.dma_semaphore, #tpu.memory_space<semaphore_mem>>) src(%dma_wait3A_118 : memref<10000x128xf32, #tpu.memory_space<hbm>>) dst(%arg10 : memref<128x128xf32, #tpu.memory_space<vmem>>)
    %dma_wait3A_119 = arith.constant 0 : i32
    %dma_wait3A_120 = arith.constant 0 : i32
    %dma_wait3A_121 = arith.constant 0 : i32
    %dma_wait3A_122 = arith.constant 0 : i32
    %dma_wait3A_123 = tpu.memref_slice %arg3[%dma_wait3A_119, %dma_wait3A_120, %dma_wait3A_121, %dma_wait3A_122] : memref<32x78x2x128xi32, #tpu.memory_space<hbm>> -> memref<1x1x2x128xi32, #tpu.memory_space<hbm>>
    %dma_wait3A_124 = tpu.memref_squeeze %dma_wait3A_123 : memref<1x1x2x128xi32, #tpu.memory_space<hbm>> -> memref<2x128xi32, #tpu.memory_space<hbm>>
    %dma_wait3A_125 = arith.constant 0 : i32
    %dma_wait3A_126 = arith.constant 0 : i32
    %dma_wait3A_127 = tpu.memref_slice %arg3[%dma_wait3A_119, %dma_wait3A_120, %dma_wait3A_125, %dma_wait3A_126] : memref<32x78x2x128xi32, #tpu.memory_space<hbm>> -> memref<1x1x2x128xi32, #tpu.memory_space<hbm>>
    %dma_wait3A_128 = tpu.memref_squeeze %dma_wait3A_127 : memref<1x1x2x128xi32, #tpu.memory_space<hbm>> -> memref<2x128xi32, #tpu.memory_space<hbm>>
    tpu.wait_dma2 semaphore(%arg14 : memref<!tpu.dma_semaphore, #tpu.memory_space<semaphore_mem>>) src(%dma_wait3A_128 : memref<2x128xi32, #tpu.memory_space<hbm>>) dst(%arg8 : memref<2x128xi32, #tpu.memory_space<vmem>>)
    "tpu.region"() ({
      %run_scoped3A_238 = tpu.sem_alloc : memref<!tpu.dma_semaphore, #tpu.memory_space<semaphore_mem>>
      %dma_start3A_239 = arith.constant 0 : i32
      %dma_start3A_240 = arith.constant 0 : i32
      %dma_start3A_241 = tpu.memref_slice %arg4[%add3A, %dma_start3A_239, %dma_start3A_240] : memref<32x2x16xi32, #tpu.memory_space<hbm>> -> memref<1x2x16xi32, #tpu.memory_space<hbm>>
      %dma_start3A_242 = tpu.memref_squeeze %dma_start3A_241 : memref<1x2x16xi32, #tpu.memory_space<hbm>> -> memref<2x16xi32, #tpu.memory_space<hbm>>
      %dma_start3A_243 = arith.constant 0 : i32
      %dma_start3A_244 = arith.constant 0 : i32
      %dma_start3A_245 = tpu.memref_slice %arg4[%add3A, %dma_start3A_243, %dma_start3A_244] : memref<32x2x16xi32, #tpu.memory_space<hbm>> -> memref<1x2x16xi32, #tpu.memory_space<hbm>>
      %dma_start3A_246 = tpu.memref_squeeze %dma_start3A_245 : memref<1x2x16xi32, #tpu.memory_space<hbm>> -> memref<2x16xi32, #tpu.memory_space<hbm>>
      tpu.enqueue_dma source(%dma_start3A_246 : memref<2x16xi32, #tpu.memory_space<hbm>>) target(%arg9 : memref<2x16xi32, #tpu.memory_space<vmem>>) target_semaphore(%run_scoped3A_238 : memref<!tpu.dma_semaphore, #tpu.memory_space<semaphore_mem>>)
      %dma_wait3A_247 = arith.constant 0 : i32
      %dma_wait3A_248 = arith.constant 0 : i32
      %dma_wait3A_249 = tpu.memref_slice %arg4[%add3A, %dma_wait3A_247, %dma_wait3A_248] : memref<32x2x16xi32, #tpu.memory_space<hbm>> -> memref<1x2x16xi32, #tpu.memory_space<hbm>>
      %dma_wait3A_250 = tpu.memref_squeeze %dma_wait3A_249 : memref<1x2x16xi32, #tpu.memory_space<hbm>> -> memref<2x16xi32, #tpu.memory_space<hbm>>
      %dma_wait3A_251 = arith.constant 0 : i32
      %dma_wait3A_252 = arith.constant 0 : i32
      %dma_wait3A_253 = tpu.memref_slice %arg4[%add3A, %dma_wait3A_251, %dma_wait3A_252] : memref<32x2x16xi32, #tpu.memory_space<hbm>> -> memref<1x2x16xi32, #tpu.memory_space<hbm>>
      %dma_wait3A_254 = tpu.memref_squeeze %dma_wait3A_253 : memref<1x2x16xi32, #tpu.memory_space<hbm>> -> memref<2x16xi32, #tpu.memory_space<hbm>>
      tpu.wait_dma2 semaphore(%run_scoped3A_238 : memref<!tpu.dma_semaphore, #tpu.memory_space<semaphore_mem>>) src(%dma_wait3A_254 : memref<2x16xi32, #tpu.memory_space<hbm>>) dst(%arg9 : memref<2x16xi32, #tpu.memory_space<vmem>>)
      tpu.yield
    }) : () -> ()
    %dma_start3A_129 = arith.constant 0 : i32
    %dma_start3A_130 = arith.constant 0 : i32
    %dma_start3A_131 = arith.constant 0 : i32
    %dma_start3A_132 = tpu.memref_slice %arg10[%dma_start3A_130, %dma_start3A_131] : memref<128x128xf32, #tpu.memory_space<vmem>> -> memref<16x128xf32, #tpu.memory_space<vmem>>
    %dma_start3A_133 = arith.constant 0 : i32
    %dma_start3A_134 = tpu.memref_slice %arg9[%dma_start3A_129, %dma_start3A_133] : memref<2x16xi32, #tpu.memory_space<vmem>> -> memref<1x16xi32, #tpu.memory_space<vmem>>
    %dma_start3A_135 = tpu.memref_squeeze %dma_start3A_134 : memref<1x16xi32, #tpu.memory_space<vmem>> -> memref<16xi32, #tpu.memory_space<vmem>>
    %dma_start3A_136 = arith.constant 0 : i32
    %dma_start3A_137 = arith.constant 0 : i32
    %dma_start3A_138 = tpu.memref_slice %arg2[%dma_start3A_136, %dma_start3A_137] : memref<10000x128xf32, #tpu.memory_space<hbm>> -> memref<10000x128xf32, #tpu.memory_space<hbm>>
    tpu.enqueue_indirect_dma source(%dma_start3A_138 : memref<10000x128xf32, #tpu.memory_space<hbm>>) target(%dma_start3A_132 : memref<16x128xf32, #tpu.memory_space<vmem>>) offsets(%dma_start3A_135 : memref<16xi32, #tpu.memory_space<vmem>>) semaphore(%arg15 : memref<!tpu.dma_semaphore, #tpu.memory_space<semaphore_mem>>)
    %dma_wait3A_139 = arith.constant 0 : i32
    %dma_wait3A_140 = arith.constant 0 : i32
    %dma_wait3A_141 = arith.constant 0 : i32
    %dma_wait3A_142 = tpu.memref_slice %arg10[%dma_wait3A_140, %dma_wait3A_141] : memref<128x128xf32, #tpu.memory_space<vmem>> -> memref<16x128xf32, #tpu.memory_space<vmem>>
    %dma_wait3A_143 = arith.constant 0 : i32
    %dma_wait3A_144 = tpu.memref_slice %arg9[%dma_wait3A_139, %dma_wait3A_143] : memref<2x16xi32, #tpu.memory_space<vmem>> -> memref<1x16xi32, #tpu.memory_space<vmem>>
    %dma_wait3A_145 = tpu.memref_squeeze %dma_wait3A_144 : memref<1x16xi32, #tpu.memory_space<vmem>> -> memref<16xi32, #tpu.memory_space<vmem>>
    %dma_wait3A_146 = arith.constant 0 : i32
    %dma_wait3A_147 = arith.constant 0 : i32
    %dma_wait3A_148 = tpu.memref_slice %arg2[%dma_wait3A_146, %dma_wait3A_147] : memref<10000x128xf32, #tpu.memory_space<hbm>> -> memref<10000x128xf32, #tpu.memory_space<hbm>>
    tpu.wait_indirect_dma semaphore(%arg15 : memref<!tpu.dma_semaphore, #tpu.memory_space<semaphore_mem>>) src(%dma_wait3A_148 : memref<10000x128xf32, #tpu.memory_space<hbm>>) dst(%dma_wait3A_142 : memref<16x128xf32, #tpu.memory_space<vmem>>)
    %run_scoped3A = arith.constant 1 : i32
    "tpu.region"() ({
      %run_scoped3A_238 = tpu.sem_alloc : memref<!tpu.dma_semaphore, #tpu.memory_space<semaphore_mem>>
      %dma_start3A_239 = arith.constant 0 : i32
      %dma_start3A_240 = arith.constant 0 : i32
      %dma_start3A_241 = tpu.memref_slice %arg10[%dma_start3A_239, %dma_start3A_240] : memref<128x128xf32, #tpu.memory_space<vmem>> -> memref<16x128xf32, #tpu.memory_space<vmem>>
      %dma_start3A_242 = arith.constant 0 : i32
      %dma_start3A_243 = tpu.memref_slice %arg9[%run_scoped3A, %dma_start3A_242] : memref<2x16xi32, #tpu.memory_space<vmem>> -> memref<1x16xi32, #tpu.memory_space<vmem>>
      %dma_start3A_244 = tpu.memref_squeeze %dma_start3A_243 : memref<1x16xi32, #tpu.memory_space<vmem>> -> memref<16xi32, #tpu.memory_space<vmem>>
      %dma_start3A_245 = arith.constant 0 : i32
      %dma_start3A_246 = arith.constant 0 : i32
      %dma_start3A_247 = tpu.memref_slice %arg12[%dma_start3A_245, %dma_start3A_246] : memref<10240x128xf32, #tpu.memory_space<vmem_shared>> -> memref<10240x128xf32, #tpu.memory_space<vmem_shared>>
      tpu.enqueue_indirect_dma source(%dma_start3A_241 : memref<16x128xf32, #tpu.memory_space<vmem>>) target(%dma_start3A_247 : memref<10240x128xf32, #tpu.memory_space<vmem_shared>>) offsets(%dma_start3A_244 : memref<16xi32, #tpu.memory_space<vmem>>) semaphore(%run_scoped3A_238 : memref<!tpu.dma_semaphore, #tpu.memory_space<semaphore_mem>>) {add = true}
      %dma_wait3A_248 = arith.constant 0 : i32
      %dma_wait3A_249 = arith.constant 0 : i32
      %dma_wait3A_250 = tpu.memref_slice %arg10[%dma_wait3A_248, %dma_wait3A_249] : memref<128x128xf32, #tpu.memory_space<vmem>> -> memref<16x128xf32, #tpu.memory_space<vmem>>
      %dma_wait3A_251 = arith.constant 0 : i32
      %dma_wait3A_252 = tpu.memref_slice %arg9[%run_scoped3A, %dma_wait3A_251] : memref<2x16xi32, #tpu.memory_space<vmem>> -> memref<1x16xi32, #tpu.memory_space<vmem>>
      %dma_wait3A_253 = tpu.memref_squeeze %dma_wait3A_252 : memref<1x16xi32, #tpu.memory_space<vmem>> -> memref<16xi32, #tpu.memory_space<vmem>>
      %dma_wait3A_254 = arith.constant 0 : i32
      %dma_wait3A_255 = arith.constant 0 : i32
      %dma_wait3A_256 = tpu.memref_slice %arg12[%dma_wait3A_254, %dma_wait3A_255] : memref<10240x128xf32, #tpu.memory_space<vmem_shared>> -> memref<10240x128xf32, #tpu.memory_space<vmem_shared>>
      tpu.wait_indirect_dma semaphore(%run_scoped3A_238 : memref<!tpu.dma_semaphore, #tpu.memory_space<semaphore_mem>>) src(%dma_wait3A_250 : memref<16x128xf32, #tpu.memory_space<vmem>>) dst(%dma_wait3A_256 : memref<10240x128xf32, #tpu.memory_space<vmem_shared>>)
      tpu.yield
    }) : () -> ()
    %barrier3A_149 = arith.constant 0 : index
    tpu.barrier barrier_id(%barrier3A_149)
    %mul3A_150 = arith.constant 640 : i32
    %mul3A_151 = arith.muli %arg1, %mul3A_150 : i32
    %dma_start3A_152 = arith.constant 0 : i32
    %dma_start3A_153 = tpu.memref_slice %arg12[%mul3A_151, %dma_start3A_152] : memref<10240x128xf32, #tpu.memory_space<vmem_shared>> -> memref<128x128xf32, #tpu.memory_space<vmem_shared>>
    %dma_start3A_154 = arith.constant 0 : i32
    %dma_start3A_155 = tpu.memref_slice %arg12[%mul3A_151, %dma_start3A_154] : memref<10240x128xf32, #tpu.memory_space<vmem_shared>> -> memref<128x128xf32, #tpu.memory_space<vmem_shared>>
    tpu.enqueue_dma source(%dma_start3A_155 : memref<128x128xf32, #tpu.memory_space<vmem_shared>>) target(%arg10 : memref<128x128xf32, #tpu.memory_space<vmem>>) target_semaphore(%arg15 : memref<!tpu.dma_semaphore, #tpu.memory_space<semaphore_mem>>)
    %dma_wait3A_156 = arith.constant 0 : i32
    %dma_wait3A_157 = arith.constant 0 : i32
    %dma_wait3A_158 = tpu.memref_slice %arg12[%dma_wait3A_156, %dma_wait3A_157] : memref<10240x128xf32, #tpu.memory_space<vmem_shared>> -> memref<128x128xf32, #tpu.memory_space<vmem_shared>>
    %dma_wait3A_159 = arith.constant 0 : i32
    %dma_wait3A_160 = arith.constant 0 : i32
    %dma_wait3A_161 = tpu.memref_slice %arg12[%dma_wait3A_159, %dma_wait3A_160] : memref<10240x128xf32, #tpu.memory_space<vmem_shared>> -> memref<128x128xf32, #tpu.memory_space<vmem_shared>>
    tpu.wait_dma2 semaphore(%arg15 : memref<!tpu.dma_semaphore, #tpu.memory_space<semaphore_mem>>) src(%dma_wait3A_161 : memref<128x128xf32, #tpu.memory_space<vmem_shared>>) dst(%arg10 : memref<128x128xf32, #tpu.memory_space<vmem>>)
    %mul3A_162 = arith.constant 640 : i32
    %mul3A_163 = arith.muli %arg1, %mul3A_162 : i32
    %add3A_164 = arith.constant 128 : i32
    %add3A_165 = arith.addi %mul3A_163, %add3A_164 : i32
    %dma_start3A_166 = arith.constant 0 : i32
    %dma_start3A_167 = tpu.memref_slice %arg12[%add3A_165, %dma_start3A_166] : memref<10240x128xf32, #tpu.memory_space<vmem_shared>> -> memref<128x128xf32, #tpu.memory_space<vmem_shared>>
    %dma_start3A_168 = arith.constant 0 : i32
    %dma_start3A_169 = tpu.memref_slice %arg12[%add3A_165, %dma_start3A_168] : memref<10240x128xf32, #tpu.memory_space<vmem_shared>> -> memref<128x128xf32, #tpu.memory_space<vmem_shared>>
    tpu.enqueue_dma source(%dma_start3A_169 : memref<128x128xf32, #tpu.memory_space<vmem_shared>>) target(%arg11 : memref<128x128xf32, #tpu.memory_space<vmem>>) target_semaphore(%arg16 : memref<!tpu.dma_semaphore, #tpu.memory_space<semaphore_mem>>)
    %mul3A_170 = arith.constant 640 : i32
    %mul3A_171 = arith.muli %arg1, %mul3A_170 : i32
    %add3A_172 = arith.constant 0 : i32
    %add3A_173 = arith.addi %mul3A_171, %add3A_172 : i32
    "tpu.region"() ({
      %run_scoped3A_238 = tpu.sem_alloc : memref<!tpu.dma_semaphore, #tpu.memory_space<semaphore_mem>>
      %dma_start3A_239 = arith.constant 0 : i32
      %dma_start3A_240 = tpu.memref_slice %arg6[%arg0, %add3A_173, %dma_start3A_239] : memref<2x10240x128xf32, #tpu.memory_space<hbm>> -> memref<1x128x128xf32, #tpu.memory_space<hbm>>
      %dma_start3A_241 = tpu.memref_squeeze %dma_start3A_240 : memref<1x128x128xf32, #tpu.memory_space<hbm>> -> memref<128x128xf32, #tpu.memory_space<hbm>>
      %dma_start3A_242 = arith.constant 0 : i32
      %dma_start3A_243 = tpu.memref_slice %arg6[%arg0, %add3A_173, %dma_start3A_242] : memref<2x10240x128xf32, #tpu.memory_space<hbm>> -> memref<1x128x128xf32, #tpu.memory_space<hbm>>
      %dma_start3A_244 = tpu.memref_squeeze %dma_start3A_243 : memref<1x128x128xf32, #tpu.memory_space<hbm>> -> memref<128x128xf32, #tpu.memory_space<hbm>>
      tpu.enqueue_dma source(%arg10 : memref<128x128xf32, #tpu.memory_space<vmem>>) target(%dma_start3A_244 : memref<128x128xf32, #tpu.memory_space<hbm>>) target_semaphore(%run_scoped3A_238 : memref<!tpu.dma_semaphore, #tpu.memory_space<semaphore_mem>>)
      %dma_wait3A_245 = arith.constant 0 : i32
      %dma_wait3A_246 = tpu.memref_slice %arg6[%arg0, %add3A_173, %dma_wait3A_245] : memref<2x10240x128xf32, #tpu.memory_space<hbm>> -> memref<1x128x128xf32, #tpu.memory_space<hbm>>
      %dma_wait3A_247 = tpu.memref_squeeze %dma_wait3A_246 : memref<1x128x128xf32, #tpu.memory_space<hbm>> -> memref<128x128xf32, #tpu.memory_space<hbm>>
      %dma_wait3A_248 = arith.constant 0 : i32
      %dma_wait3A_249 = tpu.memref_slice %arg6[%arg0, %add3A_173, %dma_wait3A_248] : memref<2x10240x128xf32, #tpu.memory_space<hbm>> -> memref<1x128x128xf32, #tpu.memory_space<hbm>>
      %dma_wait3A_250 = tpu.memref_squeeze %dma_wait3A_249 : memref<1x128x128xf32, #tpu.memory_space<hbm>> -> memref<128x128xf32, #tpu.memory_space<hbm>>
      tpu.wait_dma2 semaphore(%run_scoped3A_238 : memref<!tpu.dma_semaphore, #tpu.memory_space<semaphore_mem>>) src(%arg10 : memref<128x128xf32, #tpu.memory_space<vmem>>) dst(%dma_wait3A_250 : memref<128x128xf32, #tpu.memory_space<hbm>>)
      tpu.yield
    }) : () -> ()
    %dma_wait3A_174 = arith.constant 0 : i32
    %dma_wait3A_175 = arith.constant 0 : i32
    %dma_wait3A_176 = tpu.memref_slice %arg12[%dma_wait3A_174, %dma_wait3A_175] : memref<10240x128xf32, #tpu.memory_space<vmem_shared>> -> memref<128x128xf32, #tpu.memory_space<vmem_shared>>
    %dma_wait3A_177 = arith.constant 0 : i32
    %dma_wait3A_178 = arith.constant 0 : i32
    %dma_wait3A_179 = tpu.memref_slice %arg12[%dma_wait3A_177, %dma_wait3A_178] : memref<10240x128xf32, #tpu.memory_space<vmem_shared>> -> memref<128x128xf32, #tpu.memory_space<vmem_shared>>
    tpu.wait_dma2 semaphore(%arg16 : memref<!tpu.dma_semaphore, #tpu.memory_space<semaphore_mem>>) src(%dma_wait3A_179 : memref<128x128xf32, #tpu.memory_space<vmem_shared>>) dst(%arg11 : memref<128x128xf32, #tpu.memory_space<vmem>>)
    %mul3A_180 = arith.constant 640 : i32
    %mul3A_181 = arith.muli %arg1, %mul3A_180 : i32
    %add3A_182 = arith.constant 256 : i32
    %add3A_183 = arith.addi %mul3A_181, %add3A_182 : i32
    %dma_start3A_184 = arith.constant 0 : i32
    %dma_start3A_185 = tpu.memref_slice %arg12[%add3A_183, %dma_start3A_184] : memref<10240x128xf32, #tpu.memory_space<vmem_shared>> -> memref<128x128xf32, #tpu.memory_space<vmem_shared>>
    %dma_start3A_186 = arith.constant 0 : i32
    %dma_start3A_187 = tpu.memref_slice %arg12[%add3A_183, %dma_start3A_186] : memref<10240x128xf32, #tpu.memory_space<vmem_shared>> -> memref<128x128xf32, #tpu.memory_space<vmem_shared>>
    tpu.enqueue_dma source(%dma_start3A_187 : memref<128x128xf32, #tpu.memory_space<vmem_shared>>) target(%arg10 : memref<128x128xf32, #tpu.memory_space<vmem>>) target_semaphore(%arg15 : memref<!tpu.dma_semaphore, #tpu.memory_space<semaphore_mem>>)
    %mul3A_188 = arith.constant 640 : i32
    %mul3A_189 = arith.muli %arg1, %mul3A_188 : i32
    %add3A_190 = arith.constant 128 : i32
    %add3A_191 = arith.addi %mul3A_189, %add3A_190 : i32
    "tpu.region"() ({
      %run_scoped3A_238 = tpu.sem_alloc : memref<!tpu.dma_semaphore, #tpu.memory_space<semaphore_mem>>
      %dma_start3A_239 = arith.constant 0 : i32
      %dma_start3A_240 = tpu.memref_slice %arg6[%arg0, %add3A_191, %dma_start3A_239] : memref<2x10240x128xf32, #tpu.memory_space<hbm>> -> memref<1x128x128xf32, #tpu.memory_space<hbm>>
      %dma_start3A_241 = tpu.memref_squeeze %dma_start3A_240 : memref<1x128x128xf32, #tpu.memory_space<hbm>> -> memref<128x128xf32, #tpu.memory_space<hbm>>
      %dma_start3A_242 = arith.constant 0 : i32
      %dma_start3A_243 = tpu.memref_slice %arg6[%arg0, %add3A_191, %dma_start3A_242] : memref<2x10240x128xf32, #tpu.memory_space<hbm>> -> memref<1x128x128xf32, #tpu.memory_space<hbm>>
      %dma_start3A_244 = tpu.memref_squeeze %dma_start3A_243 : memref<1x128x128xf32, #tpu.memory_space<hbm>> -> memref<128x128xf32, #tpu.memory_space<hbm>>
      tpu.enqueue_dma source(%arg11 : memref<128x128xf32, #tpu.memory_space<vmem>>) target(%dma_start3A_244 : memref<128x128xf32, #tpu.memory_space<hbm>>) target_semaphore(%run_scoped3A_238 : memref<!tpu.dma_semaphore, #tpu.memory_space<semaphore_mem>>)
      %dma_wait3A_245 = arith.constant 0 : i32
      %dma_wait3A_246 = tpu.memref_slice %arg6[%arg0, %add3A_191, %dma_wait3A_245] : memref<2x10240x128xf32, #tpu.memory_space<hbm>> -> memref<1x128x128xf32, #tpu.memory_space<hbm>>
      %dma_wait3A_247 = tpu.memref_squeeze %dma_wait3A_246 : memref<1x128x128xf32, #tpu.memory_space<hbm>> -> memref<128x128xf32, #tpu.memory_space<hbm>>
      %dma_wait3A_248 = arith.constant 0 : i32
      %dma_wait3A_249 = tpu.memref_slice %arg6[%arg0, %add3A_191, %dma_wait3A_248] : memref<2x10240x128xf32, #tpu.memory_space<hbm>> -> memref<1x128x128xf32, #tpu.memory_space<hbm>>
      %dma_wait3A_250 = tpu.memref_squeeze %dma_wait3A_249 : memref<1x128x128xf32, #tpu.memory_space<hbm>> -> memref<128x128xf32, #tpu.memory_space<hbm>>
      tpu.wait_dma2 semaphore(%run_scoped3A_238 : memref<!tpu.dma_semaphore, #tpu.memory_space<semaphore_mem>>) src(%arg11 : memref<128x128xf32, #tpu.memory_space<vmem>>) dst(%dma_wait3A_250 : memref<128x128xf32, #tpu.memory_space<hbm>>)
      tpu.yield
    }) : () -> ()
    %dma_wait3A_192 = arith.constant 0 : i32
    %dma_wait3A_193 = arith.constant 0 : i32
    %dma_wait3A_194 = tpu.memref_slice %arg12[%dma_wait3A_192, %dma_wait3A_193] : memref<10240x128xf32, #tpu.memory_space<vmem_shared>> -> memref<128x128xf32, #tpu.memory_space<vmem_shared>>
    %dma_wait3A_195 = arith.constant 0 : i32
    %dma_wait3A_196 = arith.constant 0 : i32
    %dma_wait3A_197 = tpu.memref_slice %arg12[%dma_wait3A_195, %dma_wait3A_196] : memref<10240x128xf32, #tpu.memory_space<vmem_shared>> -> memref<128x128xf32, #tpu.memory_space<vmem_shared>>
    tpu.wait_dma2 semaphore(%arg15 : memref<!tpu.dma_semaphore, #tpu.memory_space<semaphore_mem>>) src(%dma_wait3A_197 : memref<128x128xf32, #tpu.memory_space<vmem_shared>>) dst(%arg10 : memref<128x128xf32, #tpu.memory_space<vmem>>)
    %mul3A_198 = arith.constant 640 : i32
    %mul3A_199 = arith.muli %arg1, %mul3A_198 : i32
    %add3A_200 = arith.constant 384 : i32
    %add3A_201 = arith.addi %mul3A_199, %add3A_200 : i32
    %dma_start3A_202 = arith.constant 0 : i32
    %dma_start3A_203 = tpu.memref_slice %arg12[%add3A_201, %dma_start3A_202] : memref<10240x128xf32, #tpu.memory_space<vmem_shared>> -> memref<128x128xf32, #tpu.memory_space<vmem_shared>>
    %dma_start3A_204 = arith.constant 0 : i32
    %dma_start3A_205 = tpu.memref_slice %arg12[%add3A_201, %dma_start3A_204] : memref<10240x128xf32, #tpu.memory_space<vmem_shared>> -> memref<128x128xf32, #tpu.memory_space<vmem_shared>>
    tpu.enqueue_dma source(%dma_start3A_205 : memref<128x128xf32, #tpu.memory_space<vmem_shared>>) target(%arg11 : memref<128x128xf32, #tpu.memory_space<vmem>>) target_semaphore(%arg16 : memref<!tpu.dma_semaphore, #tpu.memory_space<semaphore_mem>>)
    %mul3A_206 = arith.constant 640 : i32
    %mul3A_207 = arith.muli %arg1, %mul3A_206 : i32
    %add3A_208 = arith.constant 256 : i32
    %add3A_209 = arith.addi %mul3A_207, %add3A_208 : i32
    "tpu.region"() ({
      %run_scoped3A_238 = tpu.sem_alloc : memref<!tpu.dma_semaphore, #tpu.memory_space<semaphore_mem>>
      %dma_start3A_239 = arith.constant 0 : i32
      %dma_start3A_240 = tpu.memref_slice %arg6[%arg0, %add3A_209, %dma_start3A_239] : memref<2x10240x128xf32, #tpu.memory_space<hbm>> -> memref<1x128x128xf32, #tpu.memory_space<hbm>>
      %dma_start3A_241 = tpu.memref_squeeze %dma_start3A_240 : memref<1x128x128xf32, #tpu.memory_space<hbm>> -> memref<128x128xf32, #tpu.memory_space<hbm>>
      %dma_start3A_242 = arith.constant 0 : i32
      %dma_start3A_243 = tpu.memref_slice %arg6[%arg0, %add3A_209, %dma_start3A_242] : memref<2x10240x128xf32, #tpu.memory_space<hbm>> -> memref<1x128x128xf32, #tpu.memory_space<hbm>>
      %dma_start3A_244 = tpu.memref_squeeze %dma_start3A_243 : memref<1x128x128xf32, #tpu.memory_space<hbm>> -> memref<128x128xf32, #tpu.memory_space<hbm>>
      tpu.enqueue_dma source(%arg10 : memref<128x128xf32, #tpu.memory_space<vmem>>) target(%dma_start3A_244 : memref<128x128xf32, #tpu.memory_space<hbm>>) target_semaphore(%run_scoped3A_238 : memref<!tpu.dma_semaphore, #tpu.memory_space<semaphore_mem>>)
      %dma_wait3A_245 = arith.constant 0 : i32
      %dma_wait3A_246 = tpu.memref_slice %arg6[%arg0, %add3A_209, %dma_wait3A_245] : memref<2x10240x128xf32, #tpu.memory_space<hbm>> -> memref<1x128x128xf32, #tpu.memory_space<hbm>>
      %dma_wait3A_247 = tpu.memref_squeeze %dma_wait3A_246 : memref<1x128x128xf32, #tpu.memory_space<hbm>> -> memref<128x128xf32, #tpu.memory_space<hbm>>
      %dma_wait3A_248 = arith.constant 0 : i32
      %dma_wait3A_249 = tpu.memref_slice %arg6[%arg0, %add3A_209, %dma_wait3A_248] : memref<2x10240x128xf32, #tpu.memory_space<hbm>> -> memref<1x128x128xf32, #tpu.memory_space<hbm>>
      %dma_wait3A_250 = tpu.memref_squeeze %dma_wait3A_249 : memref<1x128x128xf32, #tpu.memory_space<hbm>> -> memref<128x128xf32, #tpu.memory_space<hbm>>
      tpu.wait_dma2 semaphore(%run_scoped3A_238 : memref<!tpu.dma_semaphore, #tpu.memory_space<semaphore_mem>>) src(%arg10 : memref<128x128xf32, #tpu.memory_space<vmem>>) dst(%dma_wait3A_250 : memref<128x128xf32, #tpu.memory_space<hbm>>)
      tpu.yield
    }) : () -> ()
    %dma_wait3A_210 = arith.constant 0 : i32
    %dma_wait3A_211 = arith.constant 0 : i32
    %dma_wait3A_212 = tpu.memref_slice %arg12[%dma_wait3A_210, %dma_wait3A_211] : memref<10240x128xf32, #tpu.memory_space<vmem_shared>> -> memref<128x128xf32, #tpu.memory_space<vmem_shared>>
    %dma_wait3A_213 = arith.constant 0 : i32
    %dma_wait3A_214 = arith.constant 0 : i32
    %dma_wait3A_215 = tpu.memref_slice %arg12[%dma_wait3A_213, %dma_wait3A_214] : memref<10240x128xf32, #tpu.memory_space<vmem_shared>> -> memref<128x128xf32, #tpu.memory_space<vmem_shared>>
    tpu.wait_dma2 semaphore(%arg16 : memref<!tpu.dma_semaphore, #tpu.memory_space<semaphore_mem>>) src(%dma_wait3A_215 : memref<128x128xf32, #tpu.memory_space<vmem_shared>>) dst(%arg11 : memref<128x128xf32, #tpu.memory_space<vmem>>)
    %mul3A_216 = arith.constant 640 : i32
    %mul3A_217 = arith.muli %arg1, %mul3A_216 : i32
    %add3A_218 = arith.constant 512 : i32
    %add3A_219 = arith.addi %mul3A_217, %add3A_218 : i32
    %dma_start3A_220 = arith.constant 0 : i32
    %dma_start3A_221 = tpu.memref_slice %arg12[%add3A_219, %dma_start3A_220] : memref<10240x128xf32, #tpu.memory_space<vmem_shared>> -> memref<128x128xf32, #tpu.memory_space<vmem_shared>>
    %dma_start3A_222 = arith.constant 0 : i32
    %dma_start3A_223 = tpu.memref_slice %arg12[%add3A_219, %dma_start3A_222] : memref<10240x128xf32, #tpu.memory_space<vmem_shared>> -> memref<128x128xf32, #tpu.memory_space<vmem_shared>>
    tpu.enqueue_dma source(%dma_start3A_223 : memref<128x128xf32, #tpu.memory_space<vmem_shared>>) target(%arg10 : memref<128x128xf32, #tpu.memory_space<vmem>>) target_semaphore(%arg15 : memref<!tpu.dma_semaphore, #tpu.memory_space<semaphore_mem>>)
    %mul3A_224 = arith.constant 640 : i32
    %mul3A_225 = arith.muli %arg1, %mul3A_224 : i32
    %add3A_226 = arith.constant 384 : i32
    %add3A_227 = arith.addi %mul3A_225, %add3A_226 : i32
    "tpu.region"() ({
      %run_scoped3A_238 = tpu.sem_alloc : memref<!tpu.dma_semaphore, #tpu.memory_space<semaphore_mem>>
      %dma_start3A_239 = arith.constant 0 : i32
      %dma_start3A_240 = tpu.memref_slice %arg6[%arg0, %add3A_227, %dma_start3A_239] : memref<2x10240x128xf32, #tpu.memory_space<hbm>> -> memref<1x128x128xf32, #tpu.memory_space<hbm>>
      %dma_start3A_241 = tpu.memref_squeeze %dma_start3A_240 : memref<1x128x128xf32, #tpu.memory_space<hbm>> -> memref<128x128xf32, #tpu.memory_space<hbm>>
      %dma_start3A_242 = arith.constant 0 : i32
      %dma_start3A_243 = tpu.memref_slice %arg6[%arg0, %add3A_227, %dma_start3A_242] : memref<2x10240x128xf32, #tpu.memory_space<hbm>> -> memref<1x128x128xf32, #tpu.memory_space<hbm>>
      %dma_start3A_244 = tpu.memref_squeeze %dma_start3A_243 : memref<1x128x128xf32, #tpu.memory_space<hbm>> -> memref<128x128xf32, #tpu.memory_space<hbm>>
      tpu.enqueue_dma source(%arg11 : memref<128x128xf32, #tpu.memory_space<vmem>>) target(%dma_start3A_244 : memref<128x128xf32, #tpu.memory_space<hbm>>) target_semaphore(%run_scoped3A_238 : memref<!tpu.dma_semaphore, #tpu.memory_space<semaphore_mem>>)
      %dma_wait3A_245 = arith.constant 0 : i32
      %dma_wait3A_246 = tpu.memref_slice %arg6[%arg0, %add3A_227, %dma_wait3A_245] : memref<2x10240x128xf32, #tpu.memory_space<hbm>> -> memref<1x128x128xf32, #tpu.memory_space<hbm>>
      %dma_wait3A_247 = tpu.memref_squeeze %dma_wait3A_246 : memref<1x128x128xf32, #tpu.memory_space<hbm>> -> memref<128x128xf32, #tpu.memory_space<hbm>>
      %dma_wait3A_248 = arith.constant 0 : i32
      %dma_wait3A_249 = tpu.memref_slice %arg6[%arg0, %add3A_227, %dma_wait3A_248] : memref<2x10240x128xf32, #tpu.memory_space<hbm>> -> memref<1x128x128xf32, #tpu.memory_space<hbm>>
      %dma_wait3A_250 = tpu.memref_squeeze %dma_wait3A_249 : memref<1x128x128xf32, #tpu.memory_space<hbm>> -> memref<128x128xf32, #tpu.memory_space<hbm>>
      tpu.wait_dma2 semaphore(%run_scoped3A_238 : memref<!tpu.dma_semaphore, #tpu.memory_space<semaphore_mem>>) src(%arg11 : memref<128x128xf32, #tpu.memory_space<vmem>>) dst(%dma_wait3A_250 : memref<128x128xf32, #tpu.memory_space<hbm>>)
      tpu.yield
    }) : () -> ()
    %dma_wait3A_228 = arith.constant 0 : i32
    %dma_wait3A_229 = arith.constant 0 : i32
    %dma_wait3A_230 = tpu.memref_slice %arg12[%dma_wait3A_228, %dma_wait3A_229] : memref<10240x128xf32, #tpu.memory_space<vmem_shared>> -> memref<128x128xf32, #tpu.memory_space<vmem_shared>>
    %dma_wait3A_231 = arith.constant 0 : i32
    %dma_wait3A_232 = arith.constant 0 : i32
    %dma_wait3A_233 = tpu.memref_slice %arg12[%dma_wait3A_231, %dma_wait3A_232] : memref<10240x128xf32, #tpu.memory_space<vmem_shared>> -> memref<128x128xf32, #tpu.memory_space<vmem_shared>>
    tpu.wait_dma2 semaphore(%arg15 : memref<!tpu.dma_semaphore, #tpu.memory_space<semaphore_mem>>) src(%dma_wait3A_233 : memref<128x128xf32, #tpu.memory_space<vmem_shared>>) dst(%arg10 : memref<128x128xf32, #tpu.memory_space<vmem>>)
    %mul3A_234 = arith.constant 640 : i32
    %mul3A_235 = arith.muli %arg1, %mul3A_234 : i32
    %add3A_236 = arith.constant 512 : i32
    %add3A_237 = arith.addi %mul3A_235, %add3A_236 : i32
    "tpu.region"() ({
      %run_scoped3A_238 = tpu.sem_alloc : memref<!tpu.dma_semaphore, #tpu.memory_space<semaphore_mem>>
      %dma_start3A_239 = arith.constant 0 : i32
      %dma_start3A_240 = tpu.memref_slice %arg6[%arg0, %add3A_237, %dma_start3A_239] : memref<2x10240x128xf32, #tpu.memory_space<hbm>> -> memref<1x128x128xf32, #tpu.memory_space<hbm>>
      %dma_start3A_241 = tpu.memref_squeeze %dma_start3A_240 : memref<1x128x128xf32, #tpu.memory_space<hbm>> -> memref<128x128xf32, #tpu.memory_space<hbm>>
      %dma_start3A_242 = arith.constant 0 : i32
      %dma_start3A_243 = tpu.memref_slice %arg6[%arg0, %add3A_237, %dma_start3A_242] : memref<2x10240x128xf32, #tpu.memory_space<hbm>> -> memref<1x128x128xf32, #tpu.memory_space<hbm>>
      %dma_start3A_244 = tpu.memref_squeeze %dma_start3A_243 : memref<1x128x128xf32, #tpu.memory_space<hbm>> -> memref<128x128xf32, #tpu.memory_space<hbm>>
      tpu.enqueue_dma source(%arg10 : memref<128x128xf32, #tpu.memory_space<vmem>>) target(%dma_start3A_244 : memref<128x128xf32, #tpu.memory_space<hbm>>) target_semaphore(%run_scoped3A_238 : memref<!tpu.dma_semaphore, #tpu.memory_space<semaphore_mem>>)
      %dma_wait3A_245 = arith.constant 0 : i32
      %dma_wait3A_246 = tpu.memref_slice %arg6[%arg0, %add3A_237, %dma_wait3A_245] : memref<2x10240x128xf32, #tpu.memory_space<hbm>> -> memref<1x128x128xf32, #tpu.memory_space<hbm>>
      %dma_wait3A_247 = tpu.memref_squeeze %dma_wait3A_246 : memref<1x128x128xf32, #tpu.memory_space<hbm>> -> memref<128x128xf32, #tpu.memory_space<hbm>>
      %dma_wait3A_248 = arith.constant 0 : i32
      %dma_wait3A_249 = tpu.memref_slice %arg6[%arg0, %add3A_237, %dma_wait3A_248] : memref<2x10240x128xf32, #tpu.memory_space<hbm>> -> memref<1x128x128xf32, #tpu.memory_space<hbm>>
      %dma_wait3A_250 = tpu.memref_squeeze %dma_wait3A_249 : memref<1x128x128xf32, #tpu.memory_space<hbm>> -> memref<128x128xf32, #tpu.memory_space<hbm>>
      tpu.wait_dma2 semaphore(%run_scoped3A_238 : memref<!tpu.dma_semaphore, #tpu.memory_space<semaphore_mem>>) src(%arg10 : memref<128x128xf32, #tpu.memory_space<vmem>>) dst(%dma_wait3A_250 : memref<128x128xf32, #tpu.memory_space<hbm>>)
      tpu.yield
    }) : () -> ()
    return
  }
}

#map = affine_map<(d0, d1) -> (0, 0, 0, 0)>
#map1 = affine_map<(d0, d1) -> (0, 0, 0)>
#map2 = affine_map<(d0, d1) -> (0)>
module attributes {stable_mosaic.version = 14 : i64} {
  func.func @_deg_body(%arg0: i32, %arg1: i32, %arg2: memref<32x78x2x128xi32, #tpu.memory_space<hbm>>, %arg3: memref<32x2x16xi32, #tpu.memory_space<hbm>>, %arg4: memref<640xf32, #tpu.memory_space<hbm>>, %arg5: memref<20480xf32, #tpu.memory_space<hbm>>, %arg6: memref<78x2x128xi32, #tpu.memory_space<vmem>>, %arg7: memref<2x16xi32, #tpu.memory_space<vmem>>, %arg8: memref<128xf32, #tpu.memory_space<vmem>>, %arg9: memref<16xf32, #tpu.memory_space<vmem>>, %arg10: memref<640xf32, #tpu.memory_space<vmem>>, %arg11: memref<10240xf32, #tpu.memory_space<vmem_shared>>, %arg12: memref<!tpu.dma_semaphore, #tpu.memory_space<semaphore_mem>>) attributes {dimension_semantics = [#tpu.dimension_semantics<core_parallel>, #tpu.dimension_semantics<subcore_parallel>], iteration_bounds = array<i64: 2, 16>, scalar_prefetch = 0 : i64, scratch_operands = 7 : i64, tpu.core_type = #tpu.core_type<sc_vector_subcore>, window_params = [{transform_indices = #map}, {transform_indices = #map1}, {transform_indices = #map2}, {transform_indices = #map2}]} {
    %mul3A = arith.constant 2 : i32
    %mul3A_0 = arith.muli %arg1, %mul3A : i32
    %add3A = arith.addi %mul3A_0, %arg0 : i32
    %broadcast_in_dim3A = arith.constant 1.000000e+00 : f32
    %broadcast_in_dim3A_1 = vector.broadcast %broadcast_in_dim3A : f32 to vector<16xf32>
    %swap3A = arith.constant 0 : index
    %swap3A_2 = tpu.vector_load %arg8[%swap3A] {strides = array<i32>} : memref<128xf32, #tpu.memory_space<vmem>>, vector<16xf32>,
    %swap3A_3 = vector.shape_cast %swap3A_2 : vector<16xf32> to vector<16xf32>
    %swap3A_4 = vector.shape_cast %broadcast_in_dim3A_1 : vector<16xf32> to vector<16xf32>
    tpu.vector_store %arg8[%swap3A], %swap3A_4 {strides = array<i32>} : memref<128xf32, #tpu.memory_space<vmem>>, vector<16xf32>,
    %broadcast_in_dim3A_5 = arith.constant 1.000000e+00 : f32
    %broadcast_in_dim3A_6 = vector.broadcast %broadcast_in_dim3A_5 : f32 to vector<16xf32>
    %swap3A_7 = arith.constant 16 : index
    %swap3A_8 = tpu.vector_load %arg8[%swap3A_7] {strides = array<i32>} : memref<128xf32, #tpu.memory_space<vmem>>, vector<16xf32>,
    %swap3A_9 = vector.shape_cast %swap3A_8 : vector<16xf32> to vector<16xf32>
    %swap3A_10 = vector.shape_cast %broadcast_in_dim3A_6 : vector<16xf32> to vector<16xf32>
    tpu.vector_store %arg8[%swap3A_7], %swap3A_10 {strides = array<i32>} : memref<128xf32, #tpu.memory_space<vmem>>, vector<16xf32>,
    %broadcast_in_dim3A_11 = arith.constant 1.000000e+00 : f32
    %broadcast_in_dim3A_12 = vector.broadcast %broadcast_in_dim3A_11 : f32 to vector<16xf32>
    %swap3A_13 = arith.constant 32 : index
    %swap3A_14 = tpu.vector_load %arg8[%swap3A_13] {strides = array<i32>} : memref<128xf32, #tpu.memory_space<vmem>>, vector<16xf32>,
    %swap3A_15 = vector.shape_cast %swap3A_14 : vector<16xf32> to vector<16xf32>
    %swap3A_16 = vector.shape_cast %broadcast_in_dim3A_12 : vector<16xf32> to vector<16xf32>
    tpu.vector_store %arg8[%swap3A_13], %swap3A_16 {strides = array<i32>} : memref<128xf32, #tpu.memory_space<vmem>>, vector<16xf32>,
    %broadcast_in_dim3A_17 = arith.constant 1.000000e+00 : f32
    %broadcast_in_dim3A_18 = vector.broadcast %broadcast_in_dim3A_17 : f32 to vector<16xf32>
    %swap3A_19 = arith.constant 48 : index
    %swap3A_20 = tpu.vector_load %arg8[%swap3A_19] {strides = array<i32>} : memref<128xf32, #tpu.memory_space<vmem>>, vector<16xf32>,
    %swap3A_21 = vector.shape_cast %swap3A_20 : vector<16xf32> to vector<16xf32>
    %swap3A_22 = vector.shape_cast %broadcast_in_dim3A_18 : vector<16xf32> to vector<16xf32>
    tpu.vector_store %arg8[%swap3A_19], %swap3A_22 {strides = array<i32>} : memref<128xf32, #tpu.memory_space<vmem>>, vector<16xf32>,
    %broadcast_in_dim3A_23 = arith.constant 1.000000e+00 : f32
    %broadcast_in_dim3A_24 = vector.broadcast %broadcast_in_dim3A_23 : f32 to vector<16xf32>
    %swap3A_25 = arith.constant 64 : index
    %swap3A_26 = tpu.vector_load %arg8[%swap3A_25] {strides = array<i32>} : memref<128xf32, #tpu.memory_space<vmem>>, vector<16xf32>,
    %swap3A_27 = vector.shape_cast %swap3A_26 : vector<16xf32> to vector<16xf32>
    %swap3A_28 = vector.shape_cast %broadcast_in_dim3A_24 : vector<16xf32> to vector<16xf32>
    tpu.vector_store %arg8[%swap3A_25], %swap3A_28 {strides = array<i32>} : memref<128xf32, #tpu.memory_space<vmem>>, vector<16xf32>,
    %broadcast_in_dim3A_29 = arith.constant 1.000000e+00 : f32
    %broadcast_in_dim3A_30 = vector.broadcast %broadcast_in_dim3A_29 : f32 to vector<16xf32>
    %swap3A_31 = arith.constant 80 : index
    %swap3A_32 = tpu.vector_load %arg8[%swap3A_31] {strides = array<i32>} : memref<128xf32, #tpu.memory_space<vmem>>, vector<16xf32>,
    %swap3A_33 = vector.shape_cast %swap3A_32 : vector<16xf32> to vector<16xf32>
    %swap3A_34 = vector.shape_cast %broadcast_in_dim3A_30 : vector<16xf32> to vector<16xf32>
    tpu.vector_store %arg8[%swap3A_31], %swap3A_34 {strides = array<i32>} : memref<128xf32, #tpu.memory_space<vmem>>, vector<16xf32>,
    %broadcast_in_dim3A_35 = arith.constant 1.000000e+00 : f32
    %broadcast_in_dim3A_36 = vector.broadcast %broadcast_in_dim3A_35 : f32 to vector<16xf32>
    %swap3A_37 = arith.constant 96 : index
    %swap3A_38 = tpu.vector_load %arg8[%swap3A_37] {strides = array<i32>} : memref<128xf32, #tpu.memory_space<vmem>>, vector<16xf32>,
    %swap3A_39 = vector.shape_cast %swap3A_38 : vector<16xf32> to vector<16xf32>
    %swap3A_40 = vector.shape_cast %broadcast_in_dim3A_36 : vector<16xf32> to vector<16xf32>
    tpu.vector_store %arg8[%swap3A_37], %swap3A_40 {strides = array<i32>} : memref<128xf32, #tpu.memory_space<vmem>>, vector<16xf32>,
    %broadcast_in_dim3A_41 = arith.constant 1.000000e+00 : f32
    %broadcast_in_dim3A_42 = vector.broadcast %broadcast_in_dim3A_41 : f32 to vector<16xf32>
    %swap3A_43 = arith.constant 112 : index
    %swap3A_44 = tpu.vector_load %arg8[%swap3A_43] {strides = array<i32>} : memref<128xf32, #tpu.memory_space<vmem>>, vector<16xf32>,
    %swap3A_45 = vector.shape_cast %swap3A_44 : vector<16xf32> to vector<16xf32>
    %swap3A_46 = vector.shape_cast %broadcast_in_dim3A_42 : vector<16xf32> to vector<16xf32>
    tpu.vector_store %arg8[%swap3A_43], %swap3A_46 {strides = array<i32>} : memref<128xf32, #tpu.memory_space<vmem>>, vector<16xf32>,
    %broadcast_in_dim3A_47 = arith.constant 1.000000e+00 : f32
    %broadcast_in_dim3A_48 = vector.broadcast %broadcast_in_dim3A_47 : f32 to vector<16xf32>
    %swap3A_49 = arith.constant 0 : index
    %swap3A_50 = tpu.vector_load %arg9[%swap3A_49] {strides = array<i32>} : memref<16xf32, #tpu.memory_space<vmem>>, vector<16xf32>,
    %swap3A_51 = vector.shape_cast %swap3A_50 : vector<16xf32> to vector<16xf32>
    %swap3A_52 = vector.shape_cast %broadcast_in_dim3A_48 : vector<16xf32> to vector<16xf32>
    tpu.vector_store %arg9[%swap3A_49], %swap3A_52 {strides = array<i32>} : memref<16xf32, #tpu.memory_space<vmem>>, vector<16xf32>,
    "tpu.region"() ({
      %run_scoped3A_122 = tpu.sem_alloc : memref<!tpu.dma_semaphore, #tpu.memory_space<semaphore_mem>>
      %dma_start3A_123 = arith.constant 0 : i32
      %dma_start3A_124 = arith.constant 0 : i32
      %dma_start3A_125 = arith.constant 0 : i32
      %dma_start3A_126 = tpu.memref_slice %arg2[%add3A, %dma_start3A_123, %dma_start3A_124, %dma_start3A_125] : memref<32x78x2x128xi32, #tpu.memory_space<hbm>> -> memref<1x78x2x128xi32, #tpu.memory_space<hbm>>
      %dma_start3A_127 = tpu.memref_squeeze %dma_start3A_126 : memref<1x78x2x128xi32, #tpu.memory_space<hbm>> -> memref<78x2x128xi32, #tpu.memory_space<hbm>>
      %dma_start3A_128 = arith.constant 0 : i32
      %dma_start3A_129 = arith.constant 0 : i32
      %dma_start3A_130 = arith.constant 0 : i32
      %dma_start3A_131 = tpu.memref_slice %arg2[%add3A, %dma_start3A_128, %dma_start3A_129, %dma_start3A_130] : memref<32x78x2x128xi32, #tpu.memory_space<hbm>> -> memref<1x78x2x128xi32, #tpu.memory_space<hbm>>
      %dma_start3A_132 = tpu.memref_squeeze %dma_start3A_131 : memref<1x78x2x128xi32, #tpu.memory_space<hbm>> -> memref<78x2x128xi32, #tpu.memory_space<hbm>>
      tpu.enqueue_dma source(%dma_start3A_132 : memref<78x2x128xi32, #tpu.memory_space<hbm>>) target(%arg6 : memref<78x2x128xi32, #tpu.memory_space<vmem>>) target_semaphore(%run_scoped3A_122 : memref<!tpu.dma_semaphore, #tpu.memory_space<semaphore_mem>>)
      %dma_wait3A_133 = arith.constant 0 : i32
      %dma_wait3A_134 = arith.constant 0 : i32
      %dma_wait3A_135 = arith.constant 0 : i32
      %dma_wait3A_136 = tpu.memref_slice %arg2[%add3A, %dma_wait3A_133, %dma_wait3A_134, %dma_wait3A_135] : memref<32x78x2x128xi32, #tpu.memory_space<hbm>> -> memref<1x78x2x128xi32, #tpu.memory_space<hbm>>
      %dma_wait3A_137 = tpu.memref_squeeze %dma_wait3A_136 : memref<1x78x2x128xi32, #tpu.memory_space<hbm>> -> memref<78x2x128xi32, #tpu.memory_space<hbm>>
      %dma_wait3A_138 = arith.constant 0 : i32
      %dma_wait3A_139 = arith.constant 0 : i32
      %dma_wait3A_140 = arith.constant 0 : i32
      %dma_wait3A_141 = tpu.memref_slice %arg2[%add3A, %dma_wait3A_138, %dma_wait3A_139, %dma_wait3A_140] : memref<32x78x2x128xi32, #tpu.memory_space<hbm>> -> memref<1x78x2x128xi32, #tpu.memory_space<hbm>>
      %dma_wait3A_142 = tpu.memref_squeeze %dma_wait3A_141 : memref<1x78x2x128xi32, #tpu.memory_space<hbm>> -> memref<78x2x128xi32, #tpu.memory_space<hbm>>
      tpu.wait_dma2 semaphore(%run_scoped3A_122 : memref<!tpu.dma_semaphore, #tpu.memory_space<semaphore_mem>>) src(%dma_wait3A_142 : memref<78x2x128xi32, #tpu.memory_space<hbm>>) dst(%arg6 : memref<78x2x128xi32, #tpu.memory_space<vmem>>)
      tpu.yield
    }) : () -> ()
    "tpu.region"() ({
      %run_scoped3A_122 = tpu.sem_alloc : memref<!tpu.dma_semaphore, #tpu.memory_space<semaphore_mem>>
      %dma_start3A_123 = arith.constant 0 : i32
      %dma_start3A_124 = arith.constant 0 : i32
      %dma_start3A_125 = tpu.memref_slice %arg3[%add3A, %dma_start3A_123, %dma_start3A_124] : memref<32x2x16xi32, #tpu.memory_space<hbm>> -> memref<1x2x16xi32, #tpu.memory_space<hbm>>
      %dma_start3A_126 = tpu.memref_squeeze %dma_start3A_125 : memref<1x2x16xi32, #tpu.memory_space<hbm>> -> memref<2x16xi32, #tpu.memory_space<hbm>>
      %dma_start3A_127 = arith.constant 0 : i32
      %dma_start3A_128 = arith.constant 0 : i32
      %dma_start3A_129 = tpu.memref_slice %arg3[%add3A, %dma_start3A_127, %dma_start3A_128] : memref<32x2x16xi32, #tpu.memory_space<hbm>> -> memref<1x2x16xi32, #tpu.memory_space<hbm>>
      %dma_start3A_130 = tpu.memref_squeeze %dma_start3A_129 : memref<1x2x16xi32, #tpu.memory_space<hbm>> -> memref<2x16xi32, #tpu.memory_space<hbm>>
      tpu.enqueue_dma source(%dma_start3A_130 : memref<2x16xi32, #tpu.memory_space<hbm>>) target(%arg7 : memref<2x16xi32, #tpu.memory_space<vmem>>) target_semaphore(%run_scoped3A_122 : memref<!tpu.dma_semaphore, #tpu.memory_space<semaphore_mem>>)
      %dma_wait3A_131 = arith.constant 0 : i32
      %dma_wait3A_132 = arith.constant 0 : i32
      %dma_wait3A_133 = tpu.memref_slice %arg3[%add3A, %dma_wait3A_131, %dma_wait3A_132] : memref<32x2x16xi32, #tpu.memory_space<hbm>> -> memref<1x2x16xi32, #tpu.memory_space<hbm>>
      %dma_wait3A_134 = tpu.memref_squeeze %dma_wait3A_133 : memref<1x2x16xi32, #tpu.memory_space<hbm>> -> memref<2x16xi32, #tpu.memory_space<hbm>>
      %dma_wait3A_135 = arith.constant 0 : i32
      %dma_wait3A_136 = arith.constant 0 : i32
      %dma_wait3A_137 = tpu.memref_slice %arg3[%add3A, %dma_wait3A_135, %dma_wait3A_136] : memref<32x2x16xi32, #tpu.memory_space<hbm>> -> memref<1x2x16xi32, #tpu.memory_space<hbm>>
      %dma_wait3A_138 = tpu.memref_squeeze %dma_wait3A_137 : memref<1x2x16xi32, #tpu.memory_space<hbm>> -> memref<2x16xi32, #tpu.memory_space<hbm>>
      tpu.wait_dma2 semaphore(%run_scoped3A_122 : memref<!tpu.dma_semaphore, #tpu.memory_space<semaphore_mem>>) src(%dma_wait3A_138 : memref<2x16xi32, #tpu.memory_space<hbm>>) dst(%arg7 : memref<2x16xi32, #tpu.memory_space<vmem>>)
      tpu.yield
    }) : () -> ()
    "tpu.region"() ({
      %run_scoped3A_122 = tpu.sem_alloc : memref<!tpu.dma_semaphore, #tpu.memory_space<semaphore_mem>>
      tpu.enqueue_dma source(%arg4 : memref<640xf32, #tpu.memory_space<hbm>>) target(%arg10 : memref<640xf32, #tpu.memory_space<vmem>>) target_semaphore(%run_scoped3A_122 : memref<!tpu.dma_semaphore, #tpu.memory_space<semaphore_mem>>)
      tpu.wait_dma2 semaphore(%run_scoped3A_122 : memref<!tpu.dma_semaphore, #tpu.memory_space<semaphore_mem>>) src(%arg4 : memref<640xf32, #tpu.memory_space<hbm>>) dst(%arg10 : memref<640xf32, #tpu.memory_space<vmem>>)
      tpu.yield
    }) : () -> ()
    %mul3A_53 = arith.constant 640 : i32
    %mul3A_54 = arith.muli %arg1, %mul3A_53 : i32
    "tpu.region"() ({
      %run_scoped3A_122 = tpu.sem_alloc : memref<!tpu.dma_semaphore, #tpu.memory_space<semaphore_mem>>
      %dma_start3A_123 = tpu.memref_slice %arg11[%mul3A_54] : memref<10240xf32, #tpu.memory_space<vmem_shared>> -> memref<640xf32, #tpu.memory_space<vmem_shared>>
      %dma_start3A_124 = tpu.memref_slice %arg11[%mul3A_54] : memref<10240xf32, #tpu.memory_space<vmem_shared>> -> memref<640xf32, #tpu.memory_space<vmem_shared>>
      tpu.enqueue_dma source(%arg10 : memref<640xf32, #tpu.memory_space<vmem>>) target(%dma_start3A_124 : memref<640xf32, #tpu.memory_space<vmem_shared>>) target_semaphore(%run_scoped3A_122 : memref<!tpu.dma_semaphore, #tpu.memory_space<semaphore_mem>>)
      %dma_wait3A_125 = tpu.memref_slice %arg11[%mul3A_54] : memref<10240xf32, #tpu.memory_space<vmem_shared>> -> memref<640xf32, #tpu.memory_space<vmem_shared>>
      %dma_wait3A_126 = tpu.memref_slice %arg11[%mul3A_54] : memref<10240xf32, #tpu.memory_space<vmem_shared>> -> memref<640xf32, #tpu.memory_space<vmem_shared>>
      tpu.wait_dma2 semaphore(%run_scoped3A_122 : memref<!tpu.dma_semaphore, #tpu.memory_space<semaphore_mem>>) src(%arg10 : memref<640xf32, #tpu.memory_space<vmem>>) dst(%dma_wait3A_126 : memref<640xf32, #tpu.memory_space<vmem_shared>>)
      tpu.yield
    }) : () -> ()
    %barrier3A = arith.constant 0 : index
    tpu.barrier barrier_id(%barrier3A)
    %dma_start3A = arith.constant 0 : i32
    %dma_start3A_55 = arith.constant 1 : i32
    %dma_start3A_56 = arith.constant 0 : i32
    %dma_start3A_57 = tpu.memref_slice %arg6[%dma_start3A, %dma_start3A_55, %dma_start3A_56] : memref<78x2x128xi32, #tpu.memory_space<vmem>> -> memref<1x1x128xi32, #tpu.memory_space<vmem>>
    %dma_start3A_58 = tpu.memref_squeeze %dma_start3A_57 : memref<1x1x128xi32, #tpu.memory_space<vmem>> -> memref<128xi32, #tpu.memory_space<vmem>>
    %dma_start3A_59 = arith.constant 0 : i32
    %dma_start3A_60 = tpu.memref_slice %arg11[%dma_start3A_59] : memref<10240xf32, #tpu.memory_space<vmem_shared>> -> memref<10240xf32, #tpu.memory_space<vmem_shared>>
    tpu.enqueue_indirect_dma source(%arg8 : memref<128xf32, #tpu.memory_space<vmem>>) target(%dma_start3A_60 : memref<10240xf32, #tpu.memory_space<vmem_shared>>) offsets(%dma_start3A_58 : memref<128xi32, #tpu.memory_space<vmem>>) semaphore(%arg12 : memref<!tpu.dma_semaphore, #tpu.memory_space<semaphore_mem>>) {add = true}
    %dma_start3A_61 = arith.constant 1 : i32
    %dma_start3A_62 = arith.constant 1 : i32
    %dma_start3A_63 = arith.constant 0 : i32
    %dma_start3A_64 = tpu.memref_slice %arg6[%dma_start3A_61, %dma_start3A_62, %dma_start3A_63] : memref<78x2x128xi32, #tpu.memory_space<vmem>> -> memref<1x1x128xi32, #tpu.memory_space<vmem>>
    %dma_start3A_65 = tpu.memref_squeeze %dma_start3A_64 : memref<1x1x128xi32, #tpu.memory_space<vmem>> -> memref<128xi32, #tpu.memory_space<vmem>>
    %dma_start3A_66 = arith.constant 0 : i32
    %dma_start3A_67 = tpu.memref_slice %arg11[%dma_start3A_66] : memref<10240xf32, #tpu.memory_space<vmem_shared>> -> memref<10240xf32, #tpu.memory_space<vmem_shared>>
    tpu.enqueue_indirect_dma source(%arg8 : memref<128xf32, #tpu.memory_space<vmem>>) target(%dma_start3A_67 : memref<10240xf32, #tpu.memory_space<vmem_shared>>) offsets(%dma_start3A_65 : memref<128xi32, #tpu.memory_space<vmem>>) semaphore(%arg12 : memref<!tpu.dma_semaphore, #tpu.memory_space<semaphore_mem>>) {add = true}
    %dma_start3A_68 = arith.constant 2 : i32
    %dma_start3A_69 = arith.constant 1 : i32
    %dma_start3A_70 = arith.constant 0 : i32
    %dma_start3A_71 = tpu.memref_slice %arg6[%dma_start3A_68, %dma_start3A_69, %dma_start3A_70] : memref<78x2x128xi32, #tpu.memory_space<vmem>> -> memref<1x1x128xi32, #tpu.memory_space<vmem>>
    %dma_start3A_72 = tpu.memref_squeeze %dma_start3A_71 : memref<1x1x128xi32, #tpu.memory_space<vmem>> -> memref<128xi32, #tpu.memory_space<vmem>>
    %dma_start3A_73 = arith.constant 0 : i32
    %dma_start3A_74 = tpu.memref_slice %arg11[%dma_start3A_73] : memref<10240xf32, #tpu.memory_space<vmem_shared>> -> memref<10240xf32, #tpu.memory_space<vmem_shared>>
    tpu.enqueue_indirect_dma source(%arg8 : memref<128xf32, #tpu.memory_space<vmem>>) target(%dma_start3A_74 : memref<10240xf32, #tpu.memory_space<vmem_shared>>) offsets(%dma_start3A_72 : memref<128xi32, #tpu.memory_space<vmem>>) semaphore(%arg12 : memref<!tpu.dma_semaphore, #tpu.memory_space<semaphore_mem>>) {add = true}
    %dma_start3A_75 = arith.constant 3 : i32
    %dma_start3A_76 = arith.constant 1 : i32
    %dma_start3A_77 = arith.constant 0 : i32
    %dma_start3A_78 = tpu.memref_slice %arg6[%dma_start3A_75, %dma_start3A_76, %dma_start3A_77] : memref<78x2x128xi32, #tpu.memory_space<vmem>> -> memref<1x1x128xi32, #tpu.memory_space<vmem>>
    %dma_start3A_79 = tpu.memref_squeeze %dma_start3A_78 : memref<1x1x128xi32, #tpu.memory_space<vmem>> -> memref<128xi32, #tpu.memory_space<vmem>>
    %dma_start3A_80 = arith.constant 0 : i32
    %dma_start3A_81 = tpu.memref_slice %arg11[%dma_start3A_80] : memref<10240xf32, #tpu.memory_space<vmem_shared>> -> memref<10240xf32, #tpu.memory_space<vmem_shared>>
    tpu.enqueue_indirect_dma source(%arg8 : memref<128xf32, #tpu.memory_space<vmem>>) target(%dma_start3A_81 : memref<10240xf32, #tpu.memory_space<vmem_shared>>) offsets(%dma_start3A_79 : memref<128xi32, #tpu.memory_space<vmem>>) semaphore(%arg12 : memref<!tpu.dma_semaphore, #tpu.memory_space<semaphore_mem>>) {add = true}
    %scan3A = arith.constant 0 : i32
    %scan3A_82 = arith.constant 0 : i32
    %scan3A_83 = arith.constant 74 : i32
    %scan3A_84 = arith.addi %scan3A_82, %scan3A_83 : i32
    %scan3A_85 = arith.constant 1 : i32
    scf.for %scan3A_122 = %scan3A_82 to %scan3A_84 step %scan3A_85  : i32 {
      %dma_wait3A_123 = arith.constant 0 : i32
      %dma_wait3A_124 = arith.constant 1 : i32
      %dma_wait3A_125 = arith.constant 0 : i32
      %dma_wait3A_126 = tpu.memref_slice %arg6[%dma_wait3A_123, %dma_wait3A_124, %dma_wait3A_125] : memref<78x2x128xi32, #tpu.memory_space<vmem>> -> memref<1x1x128xi32, #tpu.memory_space<vmem>>
      %dma_wait3A_127 = tpu.memref_squeeze %dma_wait3A_126 : memref<1x1x128xi32, #tpu.memory_space<vmem>> -> memref<128xi32, #tpu.memory_space<vmem>>
      %dma_wait3A_128 = arith.constant 0 : i32
      %dma_wait3A_129 = tpu.memref_slice %arg11[%dma_wait3A_128] : memref<10240xf32, #tpu.memory_space<vmem_shared>> -> memref<10240xf32, #tpu.memory_space<vmem_shared>>
      tpu.wait_indirect_dma semaphore(%arg12 : memref<!tpu.dma_semaphore, #tpu.memory_space<semaphore_mem>>) src(%arg8 : memref<128xf32, #tpu.memory_space<vmem>>) dst(%dma_wait3A_129 : memref<10240xf32, #tpu.memory_space<vmem_shared>>)
      %add3A_130 = arith.constant 4 : i32
      %add3A_131 = arith.addi %scan3A_122, %add3A_130 : i32
      %dma_start3A_132 = arith.constant 1 : i32
      %dma_start3A_133 = arith.constant 0 : i32
      %dma_start3A_134 = tpu.memref_slice %arg6[%add3A_131, %dma_start3A_132, %dma_start3A_133] : memref<78x2x128xi32, #tpu.memory_space<vmem>> -> memref<1x1x128xi32, #tpu.memory_space<vmem>>
      %dma_start3A_135 = tpu.memref_squeeze %dma_start3A_134 : memref<1x1x128xi32, #tpu.memory_space<vmem>> -> memref<128xi32, #tpu.memory_space<vmem>>
      %dma_start3A_136 = arith.constant 0 : i32
      %dma_start3A_137 = tpu.memref_slice %arg11[%dma_start3A_136] : memref<10240xf32, #tpu.memory_space<vmem_shared>> -> memref<10240xf32, #tpu.memory_space<vmem_shared>>
      tpu.enqueue_indirect_dma source(%arg8 : memref<128xf32, #tpu.memory_space<vmem>>) target(%dma_start3A_137 : memref<10240xf32, #tpu.memory_space<vmem_shared>>) offsets(%dma_start3A_135 : memref<128xi32, #tpu.memory_space<vmem>>) semaphore(%arg12 : memref<!tpu.dma_semaphore, #tpu.memory_space<semaphore_mem>>) {add = true}
    }
    %scan3A_86 = arith.constant 74 : i32
    %dma_wait3A = arith.constant 0 : i32
    %dma_wait3A_87 = arith.constant 1 : i32
    %dma_wait3A_88 = arith.constant 0 : i32
    %dma_wait3A_89 = tpu.memref_slice %arg6[%dma_wait3A, %dma_wait3A_87, %dma_wait3A_88] : memref<78x2x128xi32, #tpu.memory_space<vmem>> -> memref<1x1x128xi32, #tpu.memory_space<vmem>>
    %dma_wait3A_90 = tpu.memref_squeeze %dma_wait3A_89 : memref<1x1x128xi32, #tpu.memory_space<vmem>> -> memref<128xi32, #tpu.memory_space<vmem>>
    %dma_wait3A_91 = arith.constant 0 : i32
    %dma_wait3A_92 = tpu.memref_slice %arg11[%dma_wait3A_91] : memref<10240xf32, #tpu.memory_space<vmem_shared>> -> memref<10240xf32, #tpu.memory_space<vmem_shared>>
    tpu.wait_indirect_dma semaphore(%arg12 : memref<!tpu.dma_semaphore, #tpu.memory_space<semaphore_mem>>) src(%arg8 : memref<128xf32, #tpu.memory_space<vmem>>) dst(%dma_wait3A_92 : memref<10240xf32, #tpu.memory_space<vmem_shared>>)
    %dma_wait3A_93 = arith.constant 0 : i32
    %dma_wait3A_94 = arith.constant 1 : i32
    %dma_wait3A_95 = arith.constant 0 : i32
    %dma_wait3A_96 = tpu.memref_slice %arg6[%dma_wait3A_93, %dma_wait3A_94, %dma_wait3A_95] : memref<78x2x128xi32, #tpu.memory_space<vmem>> -> memref<1x1x128xi32, #tpu.memory_space<vmem>>
    %dma_wait3A_97 = tpu.memref_squeeze %dma_wait3A_96 : memref<1x1x128xi32, #tpu.memory_space<vmem>> -> memref<128xi32, #tpu.memory_space<vmem>>
    %dma_wait3A_98 = arith.constant 0 : i32
    %dma_wait3A_99 = tpu.memref_slice %arg11[%dma_wait3A_98] : memref<10240xf32, #tpu.memory_space<vmem_shared>> -> memref<10240xf32, #tpu.memory_space<vmem_shared>>
    tpu.wait_indirect_dma semaphore(%arg12 : memref<!tpu.dma_semaphore, #tpu.memory_space<semaphore_mem>>) src(%arg8 : memref<128xf32, #tpu.memory_space<vmem>>) dst(%dma_wait3A_99 : memref<10240xf32, #tpu.memory_space<vmem_shared>>)
    %dma_wait3A_100 = arith.constant 0 : i32
    %dma_wait3A_101 = arith.constant 1 : i32
    %dma_wait3A_102 = arith.constant 0 : i32
    %dma_wait3A_103 = tpu.memref_slice %arg6[%dma_wait3A_100, %dma_wait3A_101, %dma_wait3A_102] : memref<78x2x128xi32, #tpu.memory_space<vmem>> -> memref<1x1x128xi32, #tpu.memory_space<vmem>>
    %dma_wait3A_104 = tpu.memref_squeeze %dma_wait3A_103 : memref<1x1x128xi32, #tpu.memory_space<vmem>> -> memref<128xi32, #tpu.memory_space<vmem>>
    %dma_wait3A_105 = arith.constant 0 : i32
    %dma_wait3A_106 = tpu.memref_slice %arg11[%dma_wait3A_105] : memref<10240xf32, #tpu.memory_space<vmem_shared>> -> memref<10240xf32, #tpu.memory_space<vmem_shared>>
    tpu.wait_indirect_dma semaphore(%arg12 : memref<!tpu.dma_semaphore, #tpu.memory_space<semaphore_mem>>) src(%arg8 : memref<128xf32, #tpu.memory_space<vmem>>) dst(%dma_wait3A_106 : memref<10240xf32, #tpu.memory_space<vmem_shared>>)
    %dma_wait3A_107 = arith.constant 0 : i32
    %dma_wait3A_108 = arith.constant 1 : i32
    %dma_wait3A_109 = arith.constant 0 : i32
    %dma_wait3A_110 = tpu.memref_slice %arg6[%dma_wait3A_107, %dma_wait3A_108, %dma_wait3A_109] : memref<78x2x128xi32, #tpu.memory_space<vmem>> -> memref<1x1x128xi32, #tpu.memory_space<vmem>>
    %dma_wait3A_111 = tpu.memref_squeeze %dma_wait3A_110 : memref<1x1x128xi32, #tpu.memory_space<vmem>> -> memref<128xi32, #tpu.memory_space<vmem>>
    %dma_wait3A_112 = arith.constant 0 : i32
    %dma_wait3A_113 = tpu.memref_slice %arg11[%dma_wait3A_112] : memref<10240xf32, #tpu.memory_space<vmem_shared>> -> memref<10240xf32, #tpu.memory_space<vmem_shared>>
    tpu.wait_indirect_dma semaphore(%arg12 : memref<!tpu.dma_semaphore, #tpu.memory_space<semaphore_mem>>) src(%arg8 : memref<128xf32, #tpu.memory_space<vmem>>) dst(%dma_wait3A_113 : memref<10240xf32, #tpu.memory_space<vmem_shared>>)
    %run_scoped3A = arith.constant 1 : i32
    "tpu.region"() ({
      %run_scoped3A_122 = tpu.sem_alloc : memref<!tpu.dma_semaphore, #tpu.memory_space<semaphore_mem>>
      %dma_start3A_123 = arith.constant 0 : i32
      %dma_start3A_124 = tpu.memref_slice %arg7[%run_scoped3A, %dma_start3A_123] : memref<2x16xi32, #tpu.memory_space<vmem>> -> memref<1x16xi32, #tpu.memory_space<vmem>>
      %dma_start3A_125 = tpu.memref_squeeze %dma_start3A_124 : memref<1x16xi32, #tpu.memory_space<vmem>> -> memref<16xi32, #tpu.memory_space<vmem>>
      %dma_start3A_126 = arith.constant 0 : i32
      %dma_start3A_127 = tpu.memref_slice %arg11[%dma_start3A_126] : memref<10240xf32, #tpu.memory_space<vmem_shared>> -> memref<10240xf32, #tpu.memory_space<vmem_shared>>
      tpu.enqueue_indirect_dma source(%arg9 : memref<16xf32, #tpu.memory_space<vmem>>) target(%dma_start3A_127 : memref<10240xf32, #tpu.memory_space<vmem_shared>>) offsets(%dma_start3A_125 : memref<16xi32, #tpu.memory_space<vmem>>) semaphore(%run_scoped3A_122 : memref<!tpu.dma_semaphore, #tpu.memory_space<semaphore_mem>>) {add = true}
      %dma_wait3A_128 = arith.constant 0 : i32
      %dma_wait3A_129 = tpu.memref_slice %arg7[%run_scoped3A, %dma_wait3A_128] : memref<2x16xi32, #tpu.memory_space<vmem>> -> memref<1x16xi32, #tpu.memory_space<vmem>>
      %dma_wait3A_130 = tpu.memref_squeeze %dma_wait3A_129 : memref<1x16xi32, #tpu.memory_space<vmem>> -> memref<16xi32, #tpu.memory_space<vmem>>
      %dma_wait3A_131 = arith.constant 0 : i32
      %dma_wait3A_132 = tpu.memref_slice %arg11[%dma_wait3A_131] : memref<10240xf32, #tpu.memory_space<vmem_shared>> -> memref<10240xf32, #tpu.memory_space<vmem_shared>>
      tpu.wait_indirect_dma semaphore(%run_scoped3A_122 : memref<!tpu.dma_semaphore, #tpu.memory_space<semaphore_mem>>) src(%arg9 : memref<16xf32, #tpu.memory_space<vmem>>) dst(%dma_wait3A_132 : memref<10240xf32, #tpu.memory_space<vmem_shared>>)
      tpu.yield
    }) : () -> ()
    %barrier3A_114 = arith.constant 0 : index
    tpu.barrier barrier_id(%barrier3A_114)
    %mul3A_115 = arith.constant 640 : i32
    %mul3A_116 = arith.muli %arg1, %mul3A_115 : i32
    "tpu.region"() ({
      %run_scoped3A_122 = tpu.sem_alloc : memref<!tpu.dma_semaphore, #tpu.memory_space<semaphore_mem>>
      %dma_start3A_123 = tpu.memref_slice %arg11[%mul3A_116] : memref<10240xf32, #tpu.memory_space<vmem_shared>> -> memref<640xf32, #tpu.memory_space<vmem_shared>>
      %dma_start3A_124 = tpu.memref_slice %arg11[%mul3A_116] : memref<10240xf32, #tpu.memory_space<vmem_shared>> -> memref<640xf32, #tpu.memory_space<vmem_shared>>
      tpu.enqueue_dma source(%dma_start3A_124 : memref<640xf32, #tpu.memory_space<vmem_shared>>) target(%arg10 : memref<640xf32, #tpu.memory_space<vmem>>) target_semaphore(%run_scoped3A_122 : memref<!tpu.dma_semaphore, #tpu.memory_space<semaphore_mem>>)
      %dma_wait3A_125 = tpu.memref_slice %arg11[%mul3A_116] : memref<10240xf32, #tpu.memory_space<vmem_shared>> -> memref<640xf32, #tpu.memory_space<vmem_shared>>
      %dma_wait3A_126 = tpu.memref_slice %arg11[%mul3A_116] : memref<10240xf32, #tpu.memory_space<vmem_shared>> -> memref<640xf32, #tpu.memory_space<vmem_shared>>
      tpu.wait_dma2 semaphore(%run_scoped3A_122 : memref<!tpu.dma_semaphore, #tpu.memory_space<semaphore_mem>>) src(%dma_wait3A_126 : memref<640xf32, #tpu.memory_space<vmem_shared>>) dst(%arg10 : memref<640xf32, #tpu.memory_space<vmem>>)
      tpu.yield
    }) : () -> ()
    %mul3A_117 = arith.constant 10240 : i32
    %mul3A_118 = arith.muli %arg0, %mul3A_117 : i32
    %mul3A_119 = arith.constant 640 : i32
    %mul3A_120 = arith.muli %arg1, %mul3A_119 : i32
    %add3A_121 = arith.addi %mul3A_118, %mul3A_120 : i32
    "tpu.region"() ({
      %run_scoped3A_122 = tpu.sem_alloc : memref<!tpu.dma_semaphore, #tpu.memory_space<semaphore_mem>>
      %dma_start3A_123 = tpu.memref_slice %arg5[%add3A_121] : memref<20480xf32, #tpu.memory_space<hbm>> -> memref<640xf32, #tpu.memory_space<hbm>>
      %dma_start3A_124 = tpu.memref_slice %arg5[%add3A_121] : memref<20480xf32, #tpu.memory_space<hbm>> -> memref<640xf32, #tpu.memory_space<hbm>>
      tpu.enqueue_dma source(%arg10 : memref<640xf32, #tpu.memory_space<vmem>>) target(%dma_start3A_124 : memref<640xf32, #tpu.memory_space<hbm>>) target_semaphore(%run_scoped3A_122 : memref<!tpu.dma_semaphore, #tpu.memory_space<semaphore_mem>>)
      %dma_wait3A_125 = tpu.memref_slice %arg5[%add3A_121] : memref<20480xf32, #tpu.memory_space<hbm>> -> memref<640xf32, #tpu.memory_space<hbm>>
      %dma_wait3A_126 = tpu.memref_slice %arg5[%add3A_121] : memref<20480xf32, #tpu.memory_space<hbm>> -> memref<640xf32, #tpu.memory_space<hbm>>
      tpu.wait_dma2 semaphore(%run_scoped3A_122 : memref<!tpu.dma_semaphore, #tpu.memory_space<semaphore_mem>>) src(%arg10 : memref<640xf32, #tpu.memory_space<vmem>>) dst(%dma_wait3A_126 : memref<640xf32, #tpu.memory_space<hbm>>)
      tpu.yield
    }) : () -> ()
    return
  }
}

#map = affine_map<(d0, d1) -> (0, 0)>
#map1 = affine_map<(d0, d1) -> (0, 0, 0, 0)>
#map2 = affine_map<(d0, d1) -> (0, 0, 0)>
module attributes {stable_mosaic.version = 14 : i64} {
  func.func @_agg_body(%arg0: i32, %arg1: i32, %arg2: memref<10000x128xf32, #tpu.memory_space<hbm>>, %arg3: memref<32x78x2x128xi32, #tpu.memory_space<hbm>>, %arg4: memref<32x2x16xi32, #tpu.memory_space<hbm>>, %arg5: memref<128x128xf32, #tpu.memory_space<hbm>>, %arg6: memref<2x10240x128xf32, #tpu.memory_space<hbm>>, %arg7: memref<2x128xi32, #tpu.memory_space<vmem>>, %arg8: memref<2x128xi32, #tpu.memory_space<vmem>>, %arg9: memref<2x16xi32, #tpu.memory_space<vmem>>, %arg10: memref<128x128xf32, #tpu.memory_space<vmem>>, %arg11: memref<128x128xf32, #tpu.memory_space<vmem>>, %arg12: memref<10240x128xf32, #tpu.memory_space<vmem_shared>>, %arg13: memref<!tpu.dma_semaphore, #tpu.memory_space<semaphore_mem>>, %arg14: memref<!tpu.dma_semaphore, #tpu.memory_space<semaphore_mem>>, %arg15: memref<!tpu.dma_semaphore, #tpu.memory_space<semaphore_mem>>, %arg16: memref<!tpu.dma_semaphore, #tpu.memory_space<semaphore_mem>>) attributes {dimension_semantics = [#tpu.dimension_semantics<core_parallel>, #tpu.dimension_semantics<subcore_parallel>], iteration_bounds = array<i64: 2, 16>, scalar_prefetch = 0 : i64, scratch_operands = 10 : i64, tpu.core_type = #tpu.core_type<sc_vector_subcore>, window_params = [{transform_indices = #map}, {transform_indices = #map1}, {transform_indices = #map2}, {transform_indices = #map}, {transform_indices = #map2}]} {
    %mul3A = arith.constant 2 : i32
    %mul3A_0 = arith.muli %arg1, %mul3A : i32
    %add3A = arith.addi %mul3A_0, %arg0 : i32
    "tpu.region"() ({
      %run_scoped3A_238 = tpu.sem_alloc : memref<!tpu.dma_semaphore, #tpu.memory_space<semaphore_mem>>
      tpu.enqueue_dma source(%arg5 : memref<128x128xf32, #tpu.memory_space<hbm>>) target(%arg10 : memref<128x128xf32, #tpu.memory_space<vmem>>) target_semaphore(%run_scoped3A_238 : memref<!tpu.dma_semaphore, #tpu.memory_space<semaphore_mem>>)
      tpu.wait_dma2 semaphore(%run_scoped3A_238 : memref<!tpu.dma_semaphore, #tpu.memory_space<semaphore_mem>>) src(%arg5 : memref<128x128xf32, #tpu.memory_space<hbm>>) dst(%arg10 : memref<128x128xf32, #tpu.memory_space<vmem>>)
      tpu.yield
    }) : () -> ()
    %mul3A_1 = arith.constant 640 : i32
    %mul3A_2 = arith.muli %arg1, %mul3A_1 : i32
    %add3A_3 = arith.constant 0 : i32
    %add3A_4 = arith.addi %mul3A_2, %add3A_3 : i32
    %dma_start3A = arith.constant 0 : i32
    %dma_start3A_5 = tpu.memref_slice %arg12[%add3A_4, %dma_start3A] : memref<10240x128xf32, #tpu.memory_space<vmem_shared>> -> memref<128x128xf32, #tpu.memory_space<vmem_shared>>
    %dma_start3A_6 = arith.constant 0 : i32
    %dma_start3A_7 = tpu.memref_slice %arg12[%add3A_4, %dma_start3A_6] : memref<10240x128xf32, #tpu.memory_space<vmem_shared>> -> memref<128x128xf32, #tpu.memory_space<vmem_shared>>
    tpu.enqueue_dma source(%arg10 : memref<128x128xf32, #tpu.memory_space<vmem>>) target(%dma_start3A_7 : memref<128x128xf32, #tpu.memory_space<vmem_shared>>) target_semaphore(%arg15 : memref<!tpu.dma_semaphore, #tpu.memory_space<semaphore_mem>>)
    %mul3A_8 = arith.constant 640 : i32
    %mul3A_9 = arith.muli %arg1, %mul3A_8 : i32
    %add3A_10 = arith.constant 128 : i32
    %add3A_11 = arith.addi %mul3A_9, %add3A_10 : i32
    %dma_start3A_12 = arith.constant 0 : i32
    %dma_start3A_13 = tpu.memref_slice %arg12[%add3A_11, %dma_start3A_12] : memref<10240x128xf32, #tpu.memory_space<vmem_shared>> -> memref<128x128xf32, #tpu.memory_space<vmem_shared>>
    %dma_start3A_14 = arith.constant 0 : i32
    %dma_start3A_15 = tpu.memref_slice %arg12[%add3A_11, %dma_start3A_14] : memref<10240x128xf32, #tpu.memory_space<vmem_shared>> -> memref<128x128xf32, #tpu.memory_space<vmem_shared>>
    tpu.enqueue_dma source(%arg10 : memref<128x128xf32, #tpu.memory_space<vmem>>) target(%dma_start3A_15 : memref<128x128xf32, #tpu.memory_space<vmem_shared>>) target_semaphore(%arg15 : memref<!tpu.dma_semaphore, #tpu.memory_space<semaphore_mem>>)
    %mul3A_16 = arith.constant 640 : i32
    %mul3A_17 = arith.muli %arg1, %mul3A_16 : i32
    %add3A_18 = arith.constant 256 : i32
    %add3A_19 = arith.addi %mul3A_17, %add3A_18 : i32
    %dma_start3A_20 = arith.constant 0 : i32
    %dma_start3A_21 = tpu.memref_slice %arg12[%add3A_19, %dma_start3A_20] : memref<10240x128xf32, #tpu.memory_space<vmem_shared>> -> memref<128x128xf32, #tpu.memory_space<vmem_shared>>
    %dma_start3A_22 = arith.constant 0 : i32
    %dma_start3A_23 = tpu.memref_slice %arg12[%add3A_19, %dma_start3A_22] : memref<10240x128xf32, #tpu.memory_space<vmem_shared>> -> memref<128x128xf32, #tpu.memory_space<vmem_shared>>
    tpu.enqueue_dma source(%arg10 : memref<128x128xf32, #tpu.memory_space<vmem>>) target(%dma_start3A_23 : memref<128x128xf32, #tpu.memory_space<vmem_shared>>) target_semaphore(%arg15 : memref<!tpu.dma_semaphore, #tpu.memory_space<semaphore_mem>>)
    %mul3A_24 = arith.constant 640 : i32
    %mul3A_25 = arith.muli %arg1, %mul3A_24 : i32
    %add3A_26 = arith.constant 384 : i32
    %add3A_27 = arith.addi %mul3A_25, %add3A_26 : i32
    %dma_start3A_28 = arith.constant 0 : i32
    %dma_start3A_29 = tpu.memref_slice %arg12[%add3A_27, %dma_start3A_28] : memref<10240x128xf32, #tpu.memory_space<vmem_shared>> -> memref<128x128xf32, #tpu.memory_space<vmem_shared>>
    %dma_start3A_30 = arith.constant 0 : i32
    %dma_start3A_31 = tpu.memref_slice %arg12[%add3A_27, %dma_start3A_30] : memref<10240x128xf32, #tpu.memory_space<vmem_shared>> -> memref<128x128xf32, #tpu.memory_space<vmem_shared>>
    tpu.enqueue_dma source(%arg10 : memref<128x128xf32, #tpu.memory_space<vmem>>) target(%dma_start3A_31 : memref<128x128xf32, #tpu.memory_space<vmem_shared>>) target_semaphore(%arg15 : memref<!tpu.dma_semaphore, #tpu.memory_space<semaphore_mem>>)
    %mul3A_32 = arith.constant 640 : i32
    %mul3A_33 = arith.muli %arg1, %mul3A_32 : i32
    %add3A_34 = arith.constant 512 : i32
    %add3A_35 = arith.addi %mul3A_33, %add3A_34 : i32
    %dma_start3A_36 = arith.constant 0 : i32
    %dma_start3A_37 = tpu.memref_slice %arg12[%add3A_35, %dma_start3A_36] : memref<10240x128xf32, #tpu.memory_space<vmem_shared>> -> memref<128x128xf32, #tpu.memory_space<vmem_shared>>
    %dma_start3A_38 = arith.constant 0 : i32
    %dma_start3A_39 = tpu.memref_slice %arg12[%add3A_35, %dma_start3A_38] : memref<10240x128xf32, #tpu.memory_space<vmem_shared>> -> memref<128x128xf32, #tpu.memory_space<vmem_shared>>
    tpu.enqueue_dma source(%arg10 : memref<128x128xf32, #tpu.memory_space<vmem>>) target(%dma_start3A_39 : memref<128x128xf32, #tpu.memory_space<vmem_shared>>) target_semaphore(%arg15 : memref<!tpu.dma_semaphore, #tpu.memory_space<semaphore_mem>>)
    %dma_wait3A = arith.constant 0 : i32
    %dma_wait3A_40 = arith.constant 0 : i32
    %dma_wait3A_41 = tpu.memref_slice %arg12[%dma_wait3A, %dma_wait3A_40] : memref<10240x128xf32, #tpu.memory_space<vmem_shared>> -> memref<128x128xf32, #tpu.memory_space<vmem_shared>>
    %dma_wait3A_42 = arith.constant 0 : i32
    %dma_wait3A_43 = arith.constant 0 : i32
    %dma_wait3A_44 = tpu.memref_slice %arg12[%dma_wait3A_42, %dma_wait3A_43] : memref<10240x128xf32, #tpu.memory_space<vmem_shared>> -> memref<128x128xf32, #tpu.memory_space<vmem_shared>>
    tpu.wait_dma2 semaphore(%arg15 : memref<!tpu.dma_semaphore, #tpu.memory_space<semaphore_mem>>) src(%arg10 : memref<128x128xf32, #tpu.memory_space<vmem>>) dst(%dma_wait3A_44 : memref<128x128xf32, #tpu.memory_space<vmem_shared>>)
    %dma_wait3A_45 = arith.constant 0 : i32
    %dma_wait3A_46 = arith.constant 0 : i32
    %dma_wait3A_47 = tpu.memref_slice %arg12[%dma_wait3A_45, %dma_wait3A_46] : memref<10240x128xf32, #tpu.memory_space<vmem_shared>> -> memref<128x128xf32, #tpu.memory_space<vmem_shared>>
    %dma_wait3A_48 = arith.constant 0 : i32
    %dma_wait3A_49 = arith.constant 0 : i32
    %dma_wait3A_50 = tpu.memref_slice %arg12[%dma_wait3A_48, %dma_wait3A_49] : memref<10240x128xf32, #tpu.memory_space<vmem_shared>> -> memref<128x128xf32, #tpu.memory_space<vmem_shared>>
    tpu.wait_dma2 semaphore(%arg15 : memref<!tpu.dma_semaphore, #tpu.memory_space<semaphore_mem>>) src(%arg10 : memref<128x128xf32, #tpu.memory_space<vmem>>) dst(%dma_wait3A_50 : memref<128x128xf32, #tpu.memory_space<vmem_shared>>)
    %dma_wait3A_51 = arith.constant 0 : i32
    %dma_wait3A_52 = arith.constant 0 : i32
    %dma_wait3A_53 = tpu.memref_slice %arg12[%dma_wait3A_51, %dma_wait3A_52] : memref<10240x128xf32, #tpu.memory_space<vmem_shared>> -> memref<128x128xf32, #tpu.memory_space<vmem_shared>>
    %dma_wait3A_54 = arith.constant 0 : i32
    %dma_wait3A_55 = arith.constant 0 : i32
    %dma_wait3A_56 = tpu.memref_slice %arg12[%dma_wait3A_54, %dma_wait3A_55] : memref<10240x128xf32, #tpu.memory_space<vmem_shared>> -> memref<128x128xf32, #tpu.memory_space<vmem_shared>>
    tpu.wait_dma2 semaphore(%arg15 : memref<!tpu.dma_semaphore, #tpu.memory_space<semaphore_mem>>) src(%arg10 : memref<128x128xf32, #tpu.memory_space<vmem>>) dst(%dma_wait3A_56 : memref<128x128xf32, #tpu.memory_space<vmem_shared>>)
    %dma_wait3A_57 = arith.constant 0 : i32
    %dma_wait3A_58 = arith.constant 0 : i32
    %dma_wait3A_59 = tpu.memref_slice %arg12[%dma_wait3A_57, %dma_wait3A_58] : memref<10240x128xf32, #tpu.memory_space<vmem_shared>> -> memref<128x128xf32, #tpu.memory_space<vmem_shared>>
    %dma_wait3A_60 = arith.constant 0 : i32
    %dma_wait3A_61 = arith.constant 0 : i32
    %dma_wait3A_62 = tpu.memref_slice %arg12[%dma_wait3A_60, %dma_wait3A_61] : memref<10240x128xf32, #tpu.memory_space<vmem_shared>> -> memref<128x128xf32, #tpu.memory_space<vmem_shared>>
    tpu.wait_dma2 semaphore(%arg15 : memref<!tpu.dma_semaphore, #tpu.memory_space<semaphore_mem>>) src(%arg10 : memref<128x128xf32, #tpu.memory_space<vmem>>) dst(%dma_wait3A_62 : memref<128x128xf32, #tpu.memory_space<vmem_shared>>)
    %dma_wait3A_63 = arith.constant 0 : i32
    %dma_wait3A_64 = arith.constant 0 : i32
    %dma_wait3A_65 = tpu.memref_slice %arg12[%dma_wait3A_63, %dma_wait3A_64] : memref<10240x128xf32, #tpu.memory_space<vmem_shared>> -> memref<128x128xf32, #tpu.memory_space<vmem_shared>>
    %dma_wait3A_66 = arith.constant 0 : i32
    %dma_wait3A_67 = arith.constant 0 : i32
    %dma_wait3A_68 = tpu.memref_slice %arg12[%dma_wait3A_66, %dma_wait3A_67] : memref<10240x128xf32, #tpu.memory_space<vmem_shared>> -> memref<128x128xf32, #tpu.memory_space<vmem_shared>>
    tpu.wait_dma2 semaphore(%arg15 : memref<!tpu.dma_semaphore, #tpu.memory_space<semaphore_mem>>) src(%arg10 : memref<128x128xf32, #tpu.memory_space<vmem>>) dst(%dma_wait3A_68 : memref<128x128xf32, #tpu.memory_space<vmem_shared>>)
    %barrier3A = arith.constant 0 : index
    tpu.barrier barrier_id(%barrier3A)
    %min3A = arith.constant 0 : i32
    %min3A_69 = arith.constant 77 : i32
    %min3A_70 = arith.minsi %min3A, %min3A_69 : i32
    %dma_start3A_71 = arith.constant 0 : i32
    %dma_start3A_72 = arith.constant 0 : i32
    %dma_start3A_73 = tpu.memref_slice %arg3[%add3A, %min3A_70, %dma_start3A_71, %dma_start3A_72] : memref<32x78x2x128xi32, #tpu.memory_space<hbm>> -> memref<1x1x2x128xi32, #tpu.memory_space<hbm>>
    %dma_start3A_74 = tpu.memref_squeeze %dma_start3A_73 : memref<1x1x2x128xi32, #tpu.memory_space<hbm>> -> memref<2x128xi32, #tpu.memory_space<hbm>>
    %dma_start3A_75 = arith.constant 0 : i32
    %dma_start3A_76 = arith.constant 0 : i32
    %dma_start3A_77 = tpu.memref_slice %arg3[%add3A, %min3A_70, %dma_start3A_75, %dma_start3A_76] : memref<32x78x2x128xi32, #tpu.memory_space<hbm>> -> memref<1x1x2x128xi32, #tpu.memory_space<hbm>>
    %dma_start3A_78 = tpu.memref_squeeze %dma_start3A_77 : memref<1x1x2x128xi32, #tpu.memory_space<hbm>> -> memref<2x128xi32, #tpu.memory_space<hbm>>
    tpu.enqueue_dma source(%dma_start3A_78 : memref<2x128xi32, #tpu.memory_space<hbm>>) target(%arg7 : memref<2x128xi32, #tpu.memory_space<vmem>>) target_semaphore(%arg13 : memref<!tpu.dma_semaphore, #tpu.memory_space<semaphore_mem>>)
    %dma_wait3A_79 = arith.constant 0 : i32
    %dma_wait3A_80 = arith.constant 0 : i32
    %dma_wait3A_81 = arith.constant 0 : i32
    %dma_wait3A_82 = arith.constant 0 : i32
    %dma_wait3A_83 = tpu.memref_slice %arg3[%dma_wait3A_79, %dma_wait3A_80, %dma_wait3A_81, %dma_wait3A_82] : memref<32x78x2x128xi32, #tpu.memory_space<hbm>> -> memref<1x1x2x128xi32, #tpu.memory_space<hbm>>
    %dma_wait3A_84 = tpu.memref_squeeze %dma_wait3A_83 : memref<1x1x2x128xi32, #tpu.memory_space<hbm>> -> memref<2x128xi32, #tpu.memory_space<hbm>>
    %dma_wait3A_85 = arith.constant 0 : i32
    %dma_wait3A_86 = arith.constant 0 : i32
    %dma_wait3A_87 = tpu.memref_slice %arg3[%dma_wait3A_79, %dma_wait3A_80, %dma_wait3A_85, %dma_wait3A_86] : memref<32x78x2x128xi32, #tpu.memory_space<hbm>> -> memref<1x1x2x128xi32, #tpu.memory_space<hbm>>
    %dma_wait3A_88 = tpu.memref_squeeze %dma_wait3A_87 : memref<1x1x2x128xi32, #tpu.memory_space<hbm>> -> memref<2x128xi32, #tpu.memory_space<hbm>>
    tpu.wait_dma2 semaphore(%arg13 : memref<!tpu.dma_semaphore, #tpu.memory_space<semaphore_mem>>) src(%dma_wait3A_88 : memref<2x128xi32, #tpu.memory_space<hbm>>) dst(%arg7 : memref<2x128xi32, #tpu.memory_space<vmem>>)
    %dma_start3A_89 = arith.constant 0 : i32
    %dma_start3A_90 = arith.constant 0 : i32
    %dma_start3A_91 = tpu.memref_slice %arg7[%dma_start3A_89, %dma_start3A_90] : memref<2x128xi32, #tpu.memory_space<vmem>> -> memref<1x128xi32, #tpu.memory_space<vmem>>
    %dma_start3A_92 = tpu.memref_squeeze %dma_start3A_91 : memref<1x128xi32, #tpu.memory_space<vmem>> -> memref<128xi32, #tpu.memory_space<vmem>>
    %dma_start3A_93 = arith.constant 0 : i32
    %dma_start3A_94 = arith.constant 0 : i32
    %dma_start3A_95 = tpu.memref_slice %arg2[%dma_start3A_93, %dma_start3A_94] : memref<10000x128xf32, #tpu.memory_space<hbm>> -> memref<10000x128xf32, #tpu.memory_space<hbm>>
    tpu.enqueue_indirect_dma source(%dma_start3A_95 : memref<10000x128xf32, #tpu.memory_space<hbm>>) target(%arg10 : memref<128x128xf32, #tpu.memory_space<vmem>>) offsets(%dma_start3A_92 : memref<128xi32, #tpu.memory_space<vmem>>) semaphore(%arg15 : memref<!tpu.dma_semaphore, #tpu.memory_space<semaphore_mem>>)
    %min3A_96 = arith.constant 1 : i32
    %min3A_97 = arith.constant 77 : i32
    %min3A_98 = arith.minsi %min3A_96, %min3A_97 : i32
    %dma_start3A_99 = arith.constant 0 : i32
    %dma_start3A_100 = arith.constant 0 : i32
    %dma_start3A_101 = tpu.memref_slice %arg3[%add3A, %min3A_98, %dma_start3A_99, %dma_start3A_100] : memref<32x78x2x128xi32, #tpu.memory_space<hbm>> -> memref<1x1x2x128xi32, #tpu.memory_space<hbm>>
    %dma_start3A_102 = tpu.memref_squeeze %dma_start3A_101 : memref<1x1x2x128xi32, #tpu.memory_space<hbm>> -> memref<2x128xi32, #tpu.memory_space<hbm>>
    %dma_start3A_103 = arith.constant 0 : i32
    %dma_start3A_104 = arith.constant 0 : i32
    %dma_start3A_105 = tpu.memref_slice %arg3[%add3A, %min3A_98, %dma_start3A_103, %dma_start3A_104] : memref<32x78x2x128xi32, #tpu.memory_space<hbm>> -> memref<1x1x2x128xi32, #tpu.memory_space<hbm>>
    %dma_start3A_106 = tpu.memref_squeeze %dma_start3A_105 : memref<1x1x2x128xi32, #tpu.memory_space<hbm>> -> memref<2x128xi32, #tpu.memory_space<hbm>>
    tpu.enqueue_dma source(%dma_start3A_106 : memref<2x128xi32, #tpu.memory_space<hbm>>) target(%arg8 : memref<2x128xi32, #tpu.memory_space<vmem>>) target_semaphore(%arg14 : memref<!tpu.dma_semaphore, #tpu.memory_space<semaphore_mem>>)
    %scan3A = arith.constant 0 : i32
    %scan3A_107 = arith.constant 0 : i32
    %scan3A_108 = arith.constant 39 : i32
    %scan3A_109 = arith.addi %scan3A_107, %scan3A_108 : i32
    %scan3A_110 = arith.constant 1 : i32
    scf.for %scan3A_238 = %scan3A_107 to %scan3A_109 step %scan3A_110  : i32 {
      %mul3A_239 = arith.constant 2 : i32
      %mul3A_240 = arith.muli %mul3A_239, %scan3A_238 : i32
      %dma_wait3A_241 = arith.constant 0 : i32
      %dma_wait3A_242 = arith.constant 0 : i32
      %dma_wait3A_243 = tpu.memref_slice %arg7[%dma_wait3A_241, %dma_wait3A_242] : memref<2x128xi32, #tpu.memory_space<vmem>> -> memref<1x128xi32, #tpu.memory_space<vmem>>
      %dma_wait3A_244 = tpu.memref_squeeze %dma_wait3A_243 : memref<1x128xi32, #tpu.memory_space<vmem>> -> memref<128xi32, #tpu.memory_space<vmem>>
      %dma_wait3A_245 = arith.constant 0 : i32
      %dma_wait3A_246 = arith.constant 0 : i32
      %dma_wait3A_247 = tpu.memref_slice %arg2[%dma_wait3A_245, %dma_wait3A_246] : memref<10000x128xf32, #tpu.memory_space<hbm>> -> memref<10000x128xf32, #tpu.memory_space<hbm>>
      tpu.wait_indirect_dma semaphore(%arg15 : memref<!tpu.dma_semaphore, #tpu.memory_space<semaphore_mem>>) src(%dma_wait3A_247 : memref<10000x128xf32, #tpu.memory_space<hbm>>) dst(%arg10 : memref<128x128xf32, #tpu.memory_space<vmem>>)
      %dma_wait3A_248 = arith.constant 0 : i32
      %dma_wait3A_249 = arith.constant 0 : i32
      %dma_wait3A_250 = arith.constant 0 : i32
      %dma_wait3A_251 = arith.constant 0 : i32
      %dma_wait3A_252 = tpu.memref_slice %arg3[%dma_wait3A_248, %dma_wait3A_249, %dma_wait3A_250, %dma_wait3A_251] : memref<32x78x2x128xi32, #tpu.memory_space<hbm>> -> memref<1x1x2x128xi32, #tpu.memory_space<hbm>>
      %dma_wait3A_253 = tpu.memref_squeeze %dma_wait3A_252 : memref<1x1x2x128xi32, #tpu.memory_space<hbm>> -> memref<2x128xi32, #tpu.memory_space<hbm>>
      %dma_wait3A_254 = arith.constant 0 : i32
      %dma_wait3A_255 = arith.constant 0 : i32
      %dma_wait3A_256 = tpu.memref_slice %arg3[%dma_wait3A_248, %dma_wait3A_249, %dma_wait3A_254, %dma_wait3A_255] : memref<32x78x2x128xi32, #tpu.memory_space<hbm>> -> memref<1x1x2x128xi32, #tpu.memory_space<hbm>>
      %dma_wait3A_257 = tpu.memref_squeeze %dma_wait3A_256 : memref<1x1x2x128xi32, #tpu.memory_space<hbm>> -> memref<2x128xi32, #tpu.memory_space<hbm>>
      tpu.wait_dma2 semaphore(%arg14 : memref<!tpu.dma_semaphore, #tpu.memory_space<semaphore_mem>>) src(%dma_wait3A_257 : memref<2x128xi32, #tpu.memory_space<hbm>>) dst(%arg8 : memref<2x128xi32, #tpu.memory_space<vmem>>)
      %dma_start3A_258 = arith.constant 0 : i32
      %dma_start3A_259 = arith.constant 0 : i32
      %dma_start3A_260 = tpu.memref_slice %arg8[%dma_start3A_258, %dma_start3A_259] : memref<2x128xi32, #tpu.memory_space<vmem>> -> memref<1x128xi32, #tpu.memory_space<vmem>>
      %dma_start3A_261 = tpu.memref_squeeze %dma_start3A_260 : memref<1x128xi32, #tpu.memory_space<vmem>> -> memref<128xi32, #tpu.memory_space<vmem>>
      %dma_start3A_262 = arith.constant 0 : i32
      %dma_start3A_263 = arith.constant 0 : i32
      %dma_start3A_264 = tpu.memref_slice %arg2[%dma_start3A_262, %dma_start3A_263] : memref<10000x128xf32, #tpu.memory_space<hbm>> -> memref<10000x128xf32, #tpu.memory_space<hbm>>
      tpu.enqueue_indirect_dma source(%dma_start3A_264 : memref<10000x128xf32, #tpu.memory_space<hbm>>) target(%arg11 : memref<128x128xf32, #tpu.memory_space<vmem>>) offsets(%dma_start3A_261 : memref<128xi32, #tpu.memory_space<vmem>>) semaphore(%arg16 : memref<!tpu.dma_semaphore, #tpu.memory_space<semaphore_mem>>)
      %run_scoped3A_265 = arith.constant 1 : i32
      "tpu.region"() ({
        %run_scoped3A_315 = tpu.sem_alloc : memref<!tpu.dma_semaphore, #tpu.memory_space<semaphore_mem>>
        %dma_start3A_316 = arith.constant 0 : i32
        %dma_start3A_317 = tpu.memref_slice %arg7[%run_scoped3A_265, %dma_start3A_316] : memref<2x128xi32, #tpu.memory_space<vmem>> -> memref<1x128xi32, #tpu.memory_space<vmem>>
        %dma_start3A_318 = tpu.memref_squeeze %dma_start3A_317 : memref<1x128xi32, #tpu.memory_space<vmem>> -> memref<128xi32, #tpu.memory_space<vmem>>
        %dma_start3A_319 = arith.constant 0 : i32
        %dma_start3A_320 = arith.constant 0 : i32
        %dma_start3A_321 = tpu.memref_slice %arg12[%dma_start3A_319, %dma_start3A_320] : memref<10240x128xf32, #tpu.memory_space<vmem_shared>> -> memref<10240x128xf32, #tpu.memory_space<vmem_shared>>
        tpu.enqueue_indirect_dma source(%arg10 : memref<128x128xf32, #tpu.memory_space<vmem>>) target(%dma_start3A_321 : memref<10240x128xf32, #tpu.memory_space<vmem_shared>>) offsets(%dma_start3A_318 : memref<128xi32, #tpu.memory_space<vmem>>) semaphore(%run_scoped3A_315 : memref<!tpu.dma_semaphore, #tpu.memory_space<semaphore_mem>>) {add = true}
        %dma_wait3A_322 = arith.constant 0 : i32
        %dma_wait3A_323 = tpu.memref_slice %arg7[%run_scoped3A_265, %dma_wait3A_322] : memref<2x128xi32, #tpu.memory_space<vmem>> -> memref<1x128xi32, #tpu.memory_space<vmem>>
        %dma_wait3A_324 = tpu.memref_squeeze %dma_wait3A_323 : memref<1x128xi32, #tpu.memory_space<vmem>> -> memref<128xi32, #tpu.memory_space<vmem>>
        %dma_wait3A_325 = arith.constant 0 : i32
        %dma_wait3A_326 = arith.constant 0 : i32
        %dma_wait3A_327 = tpu.memref_slice %arg12[%dma_wait3A_325, %dma_wait3A_326] : memref<10240x128xf32, #tpu.memory_space<vmem_shared>> -> memref<10240x128xf32, #tpu.memory_space<vmem_shared>>
        tpu.wait_indirect_dma semaphore(%run_scoped3A_315 : memref<!tpu.dma_semaphore, #tpu.memory_space<semaphore_mem>>) src(%arg10 : memref<128x128xf32, #tpu.memory_space<vmem>>) dst(%dma_wait3A_327 : memref<10240x128xf32, #tpu.memory_space<vmem_shared>>)
        tpu.yield
      }) : () -> ()
      %add3A_266 = arith.constant 2 : i32
      %add3A_267 = arith.addi %mul3A_240, %add3A_266 : i32
      %min3A_268 = arith.constant 77 : i32
      %min3A_269 = arith.minsi %add3A_267, %min3A_268 : i32
      %dma_start3A_270 = arith.constant 0 : i32
      %dma_start3A_271 = arith.constant 0 : i32
      %dma_start3A_272 = tpu.memref_slice %arg3[%add3A, %min3A_269, %dma_start3A_270, %dma_start3A_271] : memref<32x78x2x128xi32, #tpu.memory_space<hbm>> -> memref<1x1x2x128xi32, #tpu.memory_space<hbm>>
      %dma_start3A_273 = tpu.memref_squeeze %dma_start3A_272 : memref<1x1x2x128xi32, #tpu.memory_space<hbm>> -> memref<2x128xi32, #tpu.memory_space<hbm>>
      %dma_start3A_274 = arith.constant 0 : i32
      %dma_start3A_275 = arith.constant 0 : i32
      %dma_start3A_276 = tpu.memref_slice %arg3[%add3A, %min3A_269, %dma_start3A_274, %dma_start3A_275] : memref<32x78x2x128xi32, #tpu.memory_space<hbm>> -> memref<1x1x2x128xi32, #tpu.memory_space<hbm>>
      %dma_start3A_277 = tpu.memref_squeeze %dma_start3A_276 : memref<1x1x2x128xi32, #tpu.memory_space<hbm>> -> memref<2x128xi32, #tpu.memory_space<hbm>>
      tpu.enqueue_dma source(%dma_start3A_277 : memref<2x128xi32, #tpu.memory_space<hbm>>) target(%arg7 : memref<2x128xi32, #tpu.memory_space<vmem>>) target_semaphore(%arg13 : memref<!tpu.dma_semaphore, #tpu.memory_space<semaphore_mem>>)
      %dma_wait3A_278 = arith.constant 0 : i32
      %dma_wait3A_279 = arith.constant 0 : i32
      %dma_wait3A_280 = tpu.memref_slice %arg8[%dma_wait3A_278, %dma_wait3A_279] : memref<2x128xi32, #tpu.memory_space<vmem>> -> memref<1x128xi32, #tpu.memory_space<vmem>>
      %dma_wait3A_281 = tpu.memref_squeeze %dma_wait3A_280 : memref<1x128xi32, #tpu.memory_space<vmem>> -> memref<128xi32, #tpu.memory_space<vmem>>
      %dma_wait3A_282 = arith.constant 0 : i32
      %dma_wait3A_283 = arith.constant 0 : i32
      %dma_wait3A_284 = tpu.memref_slice %arg2[%dma_wait3A_282, %dma_wait3A_283] : memref<10000x128xf32, #tpu.memory_space<hbm>> -> memref<10000x128xf32, #tpu.memory_space<hbm>>
      tpu.wait_indirect_dma semaphore(%arg16 : memref<!tpu.dma_semaphore, #tpu.memory_space<semaphore_mem>>) src(%dma_wait3A_284 : memref<10000x128xf32, #tpu.memory_space<hbm>>) dst(%arg11 : memref<128x128xf32, #tpu.memory_space<vmem>>)
      %dma_wait3A_285 = arith.constant 0 : i32
      %dma_wait3A_286 = arith.constant 0 : i32
      %dma_wait3A_287 = arith.constant 0 : i32
      %dma_wait3A_288 = arith.constant 0 : i32
      %dma_wait3A_289 = tpu.memref_slice %arg3[%dma_wait3A_285, %dma_wait3A_286, %dma_wait3A_287, %dma_wait3A_288] : memref<32x78x2x128xi32, #tpu.memory_space<hbm>> -> memref<1x1x2x128xi32, #tpu.memory_space<hbm>>
      %dma_wait3A_290 = tpu.memref_squeeze %dma_wait3A_289 : memref<1x1x2x128xi32, #tpu.memory_space<hbm>> -> memref<2x128xi32, #tpu.memory_space<hbm>>
      %dma_wait3A_291 = arith.constant 0 : i32
      %dma_wait3A_292 = arith.constant 0 : i32
      %dma_wait3A_293 = tpu.memref_slice %arg3[%dma_wait3A_285, %dma_wait3A_286, %dma_wait3A_291, %dma_wait3A_292] : memref<32x78x2x128xi32, #tpu.memory_space<hbm>> -> memref<1x1x2x128xi32, #tpu.memory_space<hbm>>
      %dma_wait3A_294 = tpu.memref_squeeze %dma_wait3A_293 : memref<1x1x2x128xi32, #tpu.memory_space<hbm>> -> memref<2x128xi32, #tpu.memory_space<hbm>>
      tpu.wait_dma2 semaphore(%arg13 : memref<!tpu.dma_semaphore, #tpu.memory_space<semaphore_mem>>) src(%dma_wait3A_294 : memref<2x128xi32, #tpu.memory_space<hbm>>) dst(%arg7 : memref<2x128xi32, #tpu.memory_space<vmem>>)
      %dma_start3A_295 = arith.constant 0 : i32
      %dma_start3A_296 = arith.constant 0 : i32
      %dma_start3A_297 = tpu.memref_slice %arg7[%dma_start3A_295, %dma_start3A_296] : memref<2x128xi32, #tpu.memory_space<vmem>> -> memref<1x128xi32, #tpu.memory_space<vmem>>
      %dma_start3A_298 = tpu.memref_squeeze %dma_start3A_297 : memref<1x128xi32, #tpu.memory_space<vmem>> -> memref<128xi32, #tpu.memory_space<vmem>>
      %dma_start3A_299 = arith.constant 0 : i32
      %dma_start3A_300 = arith.constant 0 : i32
      %dma_start3A_301 = tpu.memref_slice %arg2[%dma_start3A_299, %dma_start3A_300] : memref<10000x128xf32, #tpu.memory_space<hbm>> -> memref<10000x128xf32, #tpu.memory_space<hbm>>
      tpu.enqueue_indirect_dma source(%dma_start3A_301 : memref<10000x128xf32, #tpu.memory_space<hbm>>) target(%arg10 : memref<128x128xf32, #tpu.memory_space<vmem>>) offsets(%dma_start3A_298 : memref<128xi32, #tpu.memory_space<vmem>>) semaphore(%arg15 : memref<!tpu.dma_semaphore, #tpu.memory_space<semaphore_mem>>)
      %run_scoped3A_302 = arith.constant 1 : i32
      "tpu.region"() ({
        %run_scoped3A_315 = tpu.sem_alloc : memref<!tpu.dma_semaphore, #tpu.memory_space<semaphore_mem>>
        %dma_start3A_316 = arith.constant 0 : i32
        %dma_start3A_317 = tpu.memref_slice %arg8[%run_scoped3A_302, %dma_start3A_316] : memref<2x128xi32, #tpu.memory_space<vmem>> -> memref<1x128xi32, #tpu.memory_space<vmem>>
        %dma_start3A_318 = tpu.memref_squeeze %dma_start3A_317 : memref<1x128xi32, #tpu.memory_space<vmem>> -> memref<128xi32, #tpu.memory_space<vmem>>
        %dma_start3A_319 = arith.constant 0 : i32
        %dma_start3A_320 = arith.constant 0 : i32
        %dma_start3A_321 = tpu.memref_slice %arg12[%dma_start3A_319, %dma_start3A_320] : memref<10240x128xf32, #tpu.memory_space<vmem_shared>> -> memref<10240x128xf32, #tpu.memory_space<vmem_shared>>
        tpu.enqueue_indirect_dma source(%arg11 : memref<128x128xf32, #tpu.memory_space<vmem>>) target(%dma_start3A_321 : memref<10240x128xf32, #tpu.memory_space<vmem_shared>>) offsets(%dma_start3A_318 : memref<128xi32, #tpu.memory_space<vmem>>) semaphore(%run_scoped3A_315 : memref<!tpu.dma_semaphore, #tpu.memory_space<semaphore_mem>>) {add = true}
        %dma_wait3A_322 = arith.constant 0 : i32
        %dma_wait3A_323 = tpu.memref_slice %arg8[%run_scoped3A_302, %dma_wait3A_322] : memref<2x128xi32, #tpu.memory_space<vmem>> -> memref<1x128xi32, #tpu.memory_space<vmem>>
        %dma_wait3A_324 = tpu.memref_squeeze %dma_wait3A_323 : memref<1x128xi32, #tpu.memory_space<vmem>> -> memref<128xi32, #tpu.memory_space<vmem>>
        %dma_wait3A_325 = arith.constant 0 : i32
        %dma_wait3A_326 = arith.constant 0 : i32
        %dma_wait3A_327 = tpu.memref_slice %arg12[%dma_wait3A_325, %dma_wait3A_326] : memref<10240x128xf32, #tpu.memory_space<vmem_shared>> -> memref<10240x128xf32, #tpu.memory_space<vmem_shared>>
        tpu.wait_indirect_dma semaphore(%run_scoped3A_315 : memref<!tpu.dma_semaphore, #tpu.memory_space<semaphore_mem>>) src(%arg11 : memref<128x128xf32, #tpu.memory_space<vmem>>) dst(%dma_wait3A_327 : memref<10240x128xf32, #tpu.memory_space<vmem_shared>>)
        tpu.yield
      }) : () -> ()
      %add3A_303 = arith.constant 3 : i32
      %add3A_304 = arith.addi %mul3A_240, %add3A_303 : i32
      %min3A_305 = arith.constant 77 : i32
      %min3A_306 = arith.minsi %add3A_304, %min3A_305 : i32
      %dma_start3A_307 = arith.constant 0 : i32
      %dma_start3A_308 = arith.constant 0 : i32
      %dma_start3A_309 = tpu.memref_slice %arg3[%add3A, %min3A_306, %dma_start3A_307, %dma_start3A_308] : memref<32x78x2x128xi32, #tpu.memory_space<hbm>> -> memref<1x1x2x128xi32, #tpu.memory_space<hbm>>
      %dma_start3A_310 = tpu.memref_squeeze %dma_start3A_309 : memref<1x1x2x128xi32, #tpu.memory_space<hbm>> -> memref<2x128xi32, #tpu.memory_space<hbm>>
      %dma_start3A_311 = arith.constant 0 : i32
      %dma_start3A_312 = arith.constant 0 : i32
      %dma_start3A_313 = tpu.memref_slice %arg3[%add3A, %min3A_306, %dma_start3A_311, %dma_start3A_312] : memref<32x78x2x128xi32, #tpu.memory_space<hbm>> -> memref<1x1x2x128xi32, #tpu.memory_space<hbm>>
      %dma_start3A_314 = tpu.memref_squeeze %dma_start3A_313 : memref<1x1x2x128xi32, #tpu.memory_space<hbm>> -> memref<2x128xi32, #tpu.memory_space<hbm>>
      tpu.enqueue_dma source(%dma_start3A_314 : memref<2x128xi32, #tpu.memory_space<hbm>>) target(%arg8 : memref<2x128xi32, #tpu.memory_space<vmem>>) target_semaphore(%arg14 : memref<!tpu.dma_semaphore, #tpu.memory_space<semaphore_mem>>)
    }
    %scan3A_111 = arith.constant 39 : i32
    %dma_wait3A_112 = arith.constant 0 : i32
    %dma_wait3A_113 = arith.constant 0 : i32
    %dma_wait3A_114 = tpu.memref_slice %arg7[%dma_wait3A_112, %dma_wait3A_113] : memref<2x128xi32, #tpu.memory_space<vmem>> -> memref<1x128xi32, #tpu.memory_space<vmem>>
    %dma_wait3A_115 = tpu.memref_squeeze %dma_wait3A_114 : memref<1x128xi32, #tpu.memory_space<vmem>> -> memref<128xi32, #tpu.memory_space<vmem>>
    %dma_wait3A_116 = arith.constant 0 : i32
    %dma_wait3A_117 = arith.constant 0 : i32
    %dma_wait3A_118 = tpu.memref_slice %arg2[%dma_wait3A_116, %dma_wait3A_117] : memref<10000x128xf32, #tpu.memory_space<hbm>> -> memref<10000x128xf32, #tpu.memory_space<hbm>>
    tpu.wait_indirect_dma semaphore(%arg15 : memref<!tpu.dma_semaphore, #tpu.memory_space<semaphore_mem>>) src(%dma_wait3A_118 : memref<10000x128xf32, #tpu.memory_space<hbm>>) dst(%arg10 : memref<128x128xf32, #tpu.memory_space<vmem>>)
    %dma_wait3A_119 = arith.constant 0 : i32
    %dma_wait3A_120 = arith.constant 0 : i32
    %dma_wait3A_121 = arith.constant 0 : i32
    %dma_wait3A_122 = arith.constant 0 : i32
    %dma_wait3A_123 = tpu.memref_slice %arg3[%dma_wait3A_119, %dma_wait3A_120, %dma_wait3A_121, %dma_wait3A_122] : memref<32x78x2x128xi32, #tpu.memory_space<hbm>> -> memref<1x1x2x128xi32, #tpu.memory_space<hbm>>
    %dma_wait3A_124 = tpu.memref_squeeze %dma_wait3A_123 : memref<1x1x2x128xi32, #tpu.memory_space<hbm>> -> memref<2x128xi32, #tpu.memory_space<hbm>>
    %dma_wait3A_125 = arith.constant 0 : i32
    %dma_wait3A_126 = arith.constant 0 : i32
    %dma_wait3A_127 = tpu.memref_slice %arg3[%dma_wait3A_119, %dma_wait3A_120, %dma_wait3A_125, %dma_wait3A_126] : memref<32x78x2x128xi32, #tpu.memory_space<hbm>> -> memref<1x1x2x128xi32, #tpu.memory_space<hbm>>
    %dma_wait3A_128 = tpu.memref_squeeze %dma_wait3A_127 : memref<1x1x2x128xi32, #tpu.memory_space<hbm>> -> memref<2x128xi32, #tpu.memory_space<hbm>>
    tpu.wait_dma2 semaphore(%arg14 : memref<!tpu.dma_semaphore, #tpu.memory_space<semaphore_mem>>) src(%dma_wait3A_128 : memref<2x128xi32, #tpu.memory_space<hbm>>) dst(%arg8 : memref<2x128xi32, #tpu.memory_space<vmem>>)
    "tpu.region"() ({
      %run_scoped3A_238 = tpu.sem_alloc : memref<!tpu.dma_semaphore, #tpu.memory_space<semaphore_mem>>
      %dma_start3A_239 = arith.constant 0 : i32
      %dma_start3A_240 = arith.constant 0 : i32
      %dma_start3A_241 = tpu.memref_slice %arg4[%add3A, %dma_start3A_239, %dma_start3A_240] : memref<32x2x16xi32, #tpu.memory_space<hbm>> -> memref<1x2x16xi32, #tpu.memory_space<hbm>>
      %dma_start3A_242 = tpu.memref_squeeze %dma_start3A_241 : memref<1x2x16xi32, #tpu.memory_space<hbm>> -> memref<2x16xi32, #tpu.memory_space<hbm>>
      %dma_start3A_243 = arith.constant 0 : i32
      %dma_start3A_244 = arith.constant 0 : i32
      %dma_start3A_245 = tpu.memref_slice %arg4[%add3A, %dma_start3A_243, %dma_start3A_244] : memref<32x2x16xi32, #tpu.memory_space<hbm>> -> memref<1x2x16xi32, #tpu.memory_space<hbm>>
      %dma_start3A_246 = tpu.memref_squeeze %dma_start3A_245 : memref<1x2x16xi32, #tpu.memory_space<hbm>> -> memref<2x16xi32, #tpu.memory_space<hbm>>
      tpu.enqueue_dma source(%dma_start3A_246 : memref<2x16xi32, #tpu.memory_space<hbm>>) target(%arg9 : memref<2x16xi32, #tpu.memory_space<vmem>>) target_semaphore(%run_scoped3A_238 : memref<!tpu.dma_semaphore, #tpu.memory_space<semaphore_mem>>)
      %dma_wait3A_247 = arith.constant 0 : i32
      %dma_wait3A_248 = arith.constant 0 : i32
      %dma_wait3A_249 = tpu.memref_slice %arg4[%add3A, %dma_wait3A_247, %dma_wait3A_248] : memref<32x2x16xi32, #tpu.memory_space<hbm>> -> memref<1x2x16xi32, #tpu.memory_space<hbm>>
      %dma_wait3A_250 = tpu.memref_squeeze %dma_wait3A_249 : memref<1x2x16xi32, #tpu.memory_space<hbm>> -> memref<2x16xi32, #tpu.memory_space<hbm>>
      %dma_wait3A_251 = arith.constant 0 : i32
      %dma_wait3A_252 = arith.constant 0 : i32
      %dma_wait3A_253 = tpu.memref_slice %arg4[%add3A, %dma_wait3A_251, %dma_wait3A_252] : memref<32x2x16xi32, #tpu.memory_space<hbm>> -> memref<1x2x16xi32, #tpu.memory_space<hbm>>
      %dma_wait3A_254 = tpu.memref_squeeze %dma_wait3A_253 : memref<1x2x16xi32, #tpu.memory_space<hbm>> -> memref<2x16xi32, #tpu.memory_space<hbm>>
      tpu.wait_dma2 semaphore(%run_scoped3A_238 : memref<!tpu.dma_semaphore, #tpu.memory_space<semaphore_mem>>) src(%dma_wait3A_254 : memref<2x16xi32, #tpu.memory_space<hbm>>) dst(%arg9 : memref<2x16xi32, #tpu.memory_space<vmem>>)
      tpu.yield
    }) : () -> ()
    %dma_start3A_129 = arith.constant 0 : i32
    %dma_start3A_130 = arith.constant 0 : i32
    %dma_start3A_131 = arith.constant 0 : i32
    %dma_start3A_132 = tpu.memref_slice %arg10[%dma_start3A_130, %dma_start3A_131] : memref<128x128xf32, #tpu.memory_space<vmem>> -> memref<16x128xf32, #tpu.memory_space<vmem>>
    %dma_start3A_133 = arith.constant 0 : i32
    %dma_start3A_134 = tpu.memref_slice %arg9[%dma_start3A_129, %dma_start3A_133] : memref<2x16xi32, #tpu.memory_space<vmem>> -> memref<1x16xi32, #tpu.memory_space<vmem>>
    %dma_start3A_135 = tpu.memref_squeeze %dma_start3A_134 : memref<1x16xi32, #tpu.memory_space<vmem>> -> memref<16xi32, #tpu.memory_space<vmem>>
    %dma_start3A_136 = arith.constant 0 : i32
    %dma_start3A_137 = arith.constant 0 : i32
    %dma_start3A_138 = tpu.memref_slice %arg2[%dma_start3A_136, %dma_start3A_137] : memref<10000x128xf32, #tpu.memory_space<hbm>> -> memref<10000x128xf32, #tpu.memory_space<hbm>>
    tpu.enqueue_indirect_dma source(%dma_start3A_138 : memref<10000x128xf32, #tpu.memory_space<hbm>>) target(%dma_start3A_132 : memref<16x128xf32, #tpu.memory_space<vmem>>) offsets(%dma_start3A_135 : memref<16xi32, #tpu.memory_space<vmem>>) semaphore(%arg15 : memref<!tpu.dma_semaphore, #tpu.memory_space<semaphore_mem>>)
    %dma_wait3A_139 = arith.constant 0 : i32
    %dma_wait3A_140 = arith.constant 0 : i32
    %dma_wait3A_141 = arith.constant 0 : i32
    %dma_wait3A_142 = tpu.memref_slice %arg10[%dma_wait3A_140, %dma_wait3A_141] : memref<128x128xf32, #tpu.memory_space<vmem>> -> memref<16x128xf32, #tpu.memory_space<vmem>>
    %dma_wait3A_143 = arith.constant 0 : i32
    %dma_wait3A_144 = tpu.memref_slice %arg9[%dma_wait3A_139, %dma_wait3A_143] : memref<2x16xi32, #tpu.memory_space<vmem>> -> memref<1x16xi32, #tpu.memory_space<vmem>>
    %dma_wait3A_145 = tpu.memref_squeeze %dma_wait3A_144 : memref<1x16xi32, #tpu.memory_space<vmem>> -> memref<16xi32, #tpu.memory_space<vmem>>
    %dma_wait3A_146 = arith.constant 0 : i32
    %dma_wait3A_147 = arith.constant 0 : i32
    %dma_wait3A_148 = tpu.memref_slice %arg2[%dma_wait3A_146, %dma_wait3A_147] : memref<10000x128xf32, #tpu.memory_space<hbm>> -> memref<10000x128xf32, #tpu.memory_space<hbm>>
    tpu.wait_indirect_dma semaphore(%arg15 : memref<!tpu.dma_semaphore, #tpu.memory_space<semaphore_mem>>) src(%dma_wait3A_148 : memref<10000x128xf32, #tpu.memory_space<hbm>>) dst(%dma_wait3A_142 : memref<16x128xf32, #tpu.memory_space<vmem>>)
    %run_scoped3A = arith.constant 1 : i32
    "tpu.region"() ({
      %run_scoped3A_238 = tpu.sem_alloc : memref<!tpu.dma_semaphore, #tpu.memory_space<semaphore_mem>>
      %dma_start3A_239 = arith.constant 0 : i32
      %dma_start3A_240 = arith.constant 0 : i32
      %dma_start3A_241 = tpu.memref_slice %arg10[%dma_start3A_239, %dma_start3A_240] : memref<128x128xf32, #tpu.memory_space<vmem>> -> memref<16x128xf32, #tpu.memory_space<vmem>>
      %dma_start3A_242 = arith.constant 0 : i32
      %dma_start3A_243 = tpu.memref_slice %arg9[%run_scoped3A, %dma_start3A_242] : memref<2x16xi32, #tpu.memory_space<vmem>> -> memref<1x16xi32, #tpu.memory_space<vmem>>
      %dma_start3A_244 = tpu.memref_squeeze %dma_start3A_243 : memref<1x16xi32, #tpu.memory_space<vmem>> -> memref<16xi32, #tpu.memory_space<vmem>>
      %dma_start3A_245 = arith.constant 0 : i32
      %dma_start3A_246 = arith.constant 0 : i32
      %dma_start3A_247 = tpu.memref_slice %arg12[%dma_start3A_245, %dma_start3A_246] : memref<10240x128xf32, #tpu.memory_space<vmem_shared>> -> memref<10240x128xf32, #tpu.memory_space<vmem_shared>>
      tpu.enqueue_indirect_dma source(%dma_start3A_241 : memref<16x128xf32, #tpu.memory_space<vmem>>) target(%dma_start3A_247 : memref<10240x128xf32, #tpu.memory_space<vmem_shared>>) offsets(%dma_start3A_244 : memref<16xi32, #tpu.memory_space<vmem>>) semaphore(%run_scoped3A_238 : memref<!tpu.dma_semaphore, #tpu.memory_space<semaphore_mem>>) {add = true}
      %dma_wait3A_248 = arith.constant 0 : i32
      %dma_wait3A_249 = arith.constant 0 : i32
      %dma_wait3A_250 = tpu.memref_slice %arg10[%dma_wait3A_248, %dma_wait3A_249] : memref<128x128xf32, #tpu.memory_space<vmem>> -> memref<16x128xf32, #tpu.memory_space<vmem>>
      %dma_wait3A_251 = arith.constant 0 : i32
      %dma_wait3A_252 = tpu.memref_slice %arg9[%run_scoped3A, %dma_wait3A_251] : memref<2x16xi32, #tpu.memory_space<vmem>> -> memref<1x16xi32, #tpu.memory_space<vmem>>
      %dma_wait3A_253 = tpu.memref_squeeze %dma_wait3A_252 : memref<1x16xi32, #tpu.memory_space<vmem>> -> memref<16xi32, #tpu.memory_space<vmem>>
      %dma_wait3A_254 = arith.constant 0 : i32
      %dma_wait3A_255 = arith.constant 0 : i32
      %dma_wait3A_256 = tpu.memref_slice %arg12[%dma_wait3A_254, %dma_wait3A_255] : memref<10240x128xf32, #tpu.memory_space<vmem_shared>> -> memref<10240x128xf32, #tpu.memory_space<vmem_shared>>
      tpu.wait_indirect_dma semaphore(%run_scoped3A_238 : memref<!tpu.dma_semaphore, #tpu.memory_space<semaphore_mem>>) src(%dma_wait3A_250 : memref<16x128xf32, #tpu.memory_space<vmem>>) dst(%dma_wait3A_256 : memref<10240x128xf32, #tpu.memory_space<vmem_shared>>)
      tpu.yield
    }) : () -> ()
    %barrier3A_149 = arith.constant 0 : index
    tpu.barrier barrier_id(%barrier3A_149)
    %mul3A_150 = arith.constant 640 : i32
    %mul3A_151 = arith.muli %arg1, %mul3A_150 : i32
    %dma_start3A_152 = arith.constant 0 : i32
    %dma_start3A_153 = tpu.memref_slice %arg12[%mul3A_151, %dma_start3A_152] : memref<10240x128xf32, #tpu.memory_space<vmem_shared>> -> memref<128x128xf32, #tpu.memory_space<vmem_shared>>
    %dma_start3A_154 = arith.constant 0 : i32
    %dma_start3A_155 = tpu.memref_slice %arg12[%mul3A_151, %dma_start3A_154] : memref<10240x128xf32, #tpu.memory_space<vmem_shared>> -> memref<128x128xf32, #tpu.memory_space<vmem_shared>>
    tpu.enqueue_dma source(%dma_start3A_155 : memref<128x128xf32, #tpu.memory_space<vmem_shared>>) target(%arg10 : memref<128x128xf32, #tpu.memory_space<vmem>>) target_semaphore(%arg15 : memref<!tpu.dma_semaphore, #tpu.memory_space<semaphore_mem>>)
    %dma_wait3A_156 = arith.constant 0 : i32
    %dma_wait3A_157 = arith.constant 0 : i32
    %dma_wait3A_158 = tpu.memref_slice %arg12[%dma_wait3A_156, %dma_wait3A_157] : memref<10240x128xf32, #tpu.memory_space<vmem_shared>> -> memref<128x128xf32, #tpu.memory_space<vmem_shared>>
    %dma_wait3A_159 = arith.constant 0 : i32
    %dma_wait3A_160 = arith.constant 0 : i32
    %dma_wait3A_161 = tpu.memref_slice %arg12[%dma_wait3A_159, %dma_wait3A_160] : memref<10240x128xf32, #tpu.memory_space<vmem_shared>> -> memref<128x128xf32, #tpu.memory_space<vmem_shared>>
    tpu.wait_dma2 semaphore(%arg15 : memref<!tpu.dma_semaphore, #tpu.memory_space<semaphore_mem>>) src(%dma_wait3A_161 : memref<128x128xf32, #tpu.memory_space<vmem_shared>>) dst(%arg10 : memref<128x128xf32, #tpu.memory_space<vmem>>)
    %mul3A_162 = arith.constant 640 : i32
    %mul3A_163 = arith.muli %arg1, %mul3A_162 : i32
    %add3A_164 = arith.constant 128 : i32
    %add3A_165 = arith.addi %mul3A_163, %add3A_164 : i32
    %dma_start3A_166 = arith.constant 0 : i32
    %dma_start3A_167 = tpu.memref_slice %arg12[%add3A_165, %dma_start3A_166] : memref<10240x128xf32, #tpu.memory_space<vmem_shared>> -> memref<128x128xf32, #tpu.memory_space<vmem_shared>>
    %dma_start3A_168 = arith.constant 0 : i32
    %dma_start3A_169 = tpu.memref_slice %arg12[%add3A_165, %dma_start3A_168] : memref<10240x128xf32, #tpu.memory_space<vmem_shared>> -> memref<128x128xf32, #tpu.memory_space<vmem_shared>>
    tpu.enqueue_dma source(%dma_start3A_169 : memref<128x128xf32, #tpu.memory_space<vmem_shared>>) target(%arg11 : memref<128x128xf32, #tpu.memory_space<vmem>>) target_semaphore(%arg16 : memref<!tpu.dma_semaphore, #tpu.memory_space<semaphore_mem>>)
    %mul3A_170 = arith.constant 640 : i32
    %mul3A_171 = arith.muli %arg1, %mul3A_170 : i32
    %add3A_172 = arith.constant 0 : i32
    %add3A_173 = arith.addi %mul3A_171, %add3A_172 : i32
    "tpu.region"() ({
      %run_scoped3A_238 = tpu.sem_alloc : memref<!tpu.dma_semaphore, #tpu.memory_space<semaphore_mem>>
      %dma_start3A_239 = arith.constant 0 : i32
      %dma_start3A_240 = tpu.memref_slice %arg6[%arg0, %add3A_173, %dma_start3A_239] : memref<2x10240x128xf32, #tpu.memory_space<hbm>> -> memref<1x128x128xf32, #tpu.memory_space<hbm>>
      %dma_start3A_241 = tpu.memref_squeeze %dma_start3A_240 : memref<1x128x128xf32, #tpu.memory_space<hbm>> -> memref<128x128xf32, #tpu.memory_space<hbm>>
      %dma_start3A_242 = arith.constant 0 : i32
      %dma_start3A_243 = tpu.memref_slice %arg6[%arg0, %add3A_173, %dma_start3A_242] : memref<2x10240x128xf32, #tpu.memory_space<hbm>> -> memref<1x128x128xf32, #tpu.memory_space<hbm>>
      %dma_start3A_244 = tpu.memref_squeeze %dma_start3A_243 : memref<1x128x128xf32, #tpu.memory_space<hbm>> -> memref<128x128xf32, #tpu.memory_space<hbm>>
      tpu.enqueue_dma source(%arg10 : memref<128x128xf32, #tpu.memory_space<vmem>>) target(%dma_start3A_244 : memref<128x128xf32, #tpu.memory_space<hbm>>) target_semaphore(%run_scoped3A_238 : memref<!tpu.dma_semaphore, #tpu.memory_space<semaphore_mem>>)
      %dma_wait3A_245 = arith.constant 0 : i32
      %dma_wait3A_246 = tpu.memref_slice %arg6[%arg0, %add3A_173, %dma_wait3A_245] : memref<2x10240x128xf32, #tpu.memory_space<hbm>> -> memref<1x128x128xf32, #tpu.memory_space<hbm>>
      %dma_wait3A_247 = tpu.memref_squeeze %dma_wait3A_246 : memref<1x128x128xf32, #tpu.memory_space<hbm>> -> memref<128x128xf32, #tpu.memory_space<hbm>>
      %dma_wait3A_248 = arith.constant 0 : i32
      %dma_wait3A_249 = tpu.memref_slice %arg6[%arg0, %add3A_173, %dma_wait3A_248] : memref<2x10240x128xf32, #tpu.memory_space<hbm>> -> memref<1x128x128xf32, #tpu.memory_space<hbm>>
      %dma_wait3A_250 = tpu.memref_squeeze %dma_wait3A_249 : memref<1x128x128xf32, #tpu.memory_space<hbm>> -> memref<128x128xf32, #tpu.memory_space<hbm>>
      tpu.wait_dma2 semaphore(%run_scoped3A_238 : memref<!tpu.dma_semaphore, #tpu.memory_space<semaphore_mem>>) src(%arg10 : memref<128x128xf32, #tpu.memory_space<vmem>>) dst(%dma_wait3A_250 : memref<128x128xf32, #tpu.memory_space<hbm>>)
      tpu.yield
    }) : () -> ()
    %dma_wait3A_174 = arith.constant 0 : i32
    %dma_wait3A_175 = arith.constant 0 : i32
    %dma_wait3A_176 = tpu.memref_slice %arg12[%dma_wait3A_174, %dma_wait3A_175] : memref<10240x128xf32, #tpu.memory_space<vmem_shared>> -> memref<128x128xf32, #tpu.memory_space<vmem_shared>>
    %dma_wait3A_177 = arith.constant 0 : i32
    %dma_wait3A_178 = arith.constant 0 : i32
    %dma_wait3A_179 = tpu.memref_slice %arg12[%dma_wait3A_177, %dma_wait3A_178] : memref<10240x128xf32, #tpu.memory_space<vmem_shared>> -> memref<128x128xf32, #tpu.memory_space<vmem_shared>>
    tpu.wait_dma2 semaphore(%arg16 : memref<!tpu.dma_semaphore, #tpu.memory_space<semaphore_mem>>) src(%dma_wait3A_179 : memref<128x128xf32, #tpu.memory_space<vmem_shared>>) dst(%arg11 : memref<128x128xf32, #tpu.memory_space<vmem>>)
    %mul3A_180 = arith.constant 640 : i32
    %mul3A_181 = arith.muli %arg1, %mul3A_180 : i32
    %add3A_182 = arith.constant 256 : i32
    %add3A_183 = arith.addi %mul3A_181, %add3A_182 : i32
    %dma_start3A_184 = arith.constant 0 : i32
    %dma_start3A_185 = tpu.memref_slice %arg12[%add3A_183, %dma_start3A_184] : memref<10240x128xf32, #tpu.memory_space<vmem_shared>> -> memref<128x128xf32, #tpu.memory_space<vmem_shared>>
    %dma_start3A_186 = arith.constant 0 : i32
    %dma_start3A_187 = tpu.memref_slice %arg12[%add3A_183, %dma_start3A_186] : memref<10240x128xf32, #tpu.memory_space<vmem_shared>> -> memref<128x128xf32, #tpu.memory_space<vmem_shared>>
    tpu.enqueue_dma source(%dma_start3A_187 : memref<128x128xf32, #tpu.memory_space<vmem_shared>>) target(%arg10 : memref<128x128xf32, #tpu.memory_space<vmem>>) target_semaphore(%arg15 : memref<!tpu.dma_semaphore, #tpu.memory_space<semaphore_mem>>)
    %mul3A_188 = arith.constant 640 : i32
    %mul3A_189 = arith.muli %arg1, %mul3A_188 : i32
    %add3A_190 = arith.constant 128 : i32
    %add3A_191 = arith.addi %mul3A_189, %add3A_190 : i32
    "tpu.region"() ({
      %run_scoped3A_238 = tpu.sem_alloc : memref<!tpu.dma_semaphore, #tpu.memory_space<semaphore_mem>>
      %dma_start3A_239 = arith.constant 0 : i32
      %dma_start3A_240 = tpu.memref_slice %arg6[%arg0, %add3A_191, %dma_start3A_239] : memref<2x10240x128xf32, #tpu.memory_space<hbm>> -> memref<1x128x128xf32, #tpu.memory_space<hbm>>
      %dma_start3A_241 = tpu.memref_squeeze %dma_start3A_240 : memref<1x128x128xf32, #tpu.memory_space<hbm>> -> memref<128x128xf32, #tpu.memory_space<hbm>>
      %dma_start3A_242 = arith.constant 0 : i32
      %dma_start3A_243 = tpu.memref_slice %arg6[%arg0, %add3A_191, %dma_start3A_242] : memref<2x10240x128xf32, #tpu.memory_space<hbm>> -> memref<1x128x128xf32, #tpu.memory_space<hbm>>
      %dma_start3A_244 = tpu.memref_squeeze %dma_start3A_243 : memref<1x128x128xf32, #tpu.memory_space<hbm>> -> memref<128x128xf32, #tpu.memory_space<hbm>>
      tpu.enqueue_dma source(%arg11 : memref<128x128xf32, #tpu.memory_space<vmem>>) target(%dma_start3A_244 : memref<128x128xf32, #tpu.memory_space<hbm>>) target_semaphore(%run_scoped3A_238 : memref<!tpu.dma_semaphore, #tpu.memory_space<semaphore_mem>>)
      %dma_wait3A_245 = arith.constant 0 : i32
      %dma_wait3A_246 = tpu.memref_slice %arg6[%arg0, %add3A_191, %dma_wait3A_245] : memref<2x10240x128xf32, #tpu.memory_space<hbm>> -> memref<1x128x128xf32, #tpu.memory_space<hbm>>
      %dma_wait3A_247 = tpu.memref_squeeze %dma_wait3A_246 : memref<1x128x128xf32, #tpu.memory_space<hbm>> -> memref<128x128xf32, #tpu.memory_space<hbm>>
      %dma_wait3A_248 = arith.constant 0 : i32
      %dma_wait3A_249 = tpu.memref_slice %arg6[%arg0, %add3A_191, %dma_wait3A_248] : memref<2x10240x128xf32, #tpu.memory_space<hbm>> -> memref<1x128x128xf32, #tpu.memory_space<hbm>>
      %dma_wait3A_250 = tpu.memref_squeeze %dma_wait3A_249 : memref<1x128x128xf32, #tpu.memory_space<hbm>> -> memref<128x128xf32, #tpu.memory_space<hbm>>
      tpu.wait_dma2 semaphore(%run_scoped3A_238 : memref<!tpu.dma_semaphore, #tpu.memory_space<semaphore_mem>>) src(%arg11 : memref<128x128xf32, #tpu.memory_space<vmem>>) dst(%dma_wait3A_250 : memref<128x128xf32, #tpu.memory_space<hbm>>)
      tpu.yield
    }) : () -> ()
    %dma_wait3A_192 = arith.constant 0 : i32
    %dma_wait3A_193 = arith.constant 0 : i32
    %dma_wait3A_194 = tpu.memref_slice %arg12[%dma_wait3A_192, %dma_wait3A_193] : memref<10240x128xf32, #tpu.memory_space<vmem_shared>> -> memref<128x128xf32, #tpu.memory_space<vmem_shared>>
    %dma_wait3A_195 = arith.constant 0 : i32
    %dma_wait3A_196 = arith.constant 0 : i32
    %dma_wait3A_197 = tpu.memref_slice %arg12[%dma_wait3A_195, %dma_wait3A_196] : memref<10240x128xf32, #tpu.memory_space<vmem_shared>> -> memref<128x128xf32, #tpu.memory_space<vmem_shared>>
    tpu.wait_dma2 semaphore(%arg15 : memref<!tpu.dma_semaphore, #tpu.memory_space<semaphore_mem>>) src(%dma_wait3A_197 : memref<128x128xf32, #tpu.memory_space<vmem_shared>>) dst(%arg10 : memref<128x128xf32, #tpu.memory_space<vmem>>)
    %mul3A_198 = arith.constant 640 : i32
    %mul3A_199 = arith.muli %arg1, %mul3A_198 : i32
    %add3A_200 = arith.constant 384 : i32
    %add3A_201 = arith.addi %mul3A_199, %add3A_200 : i32
    %dma_start3A_202 = arith.constant 0 : i32
    %dma_start3A_203 = tpu.memref_slice %arg12[%add3A_201, %dma_start3A_202] : memref<10240x128xf32, #tpu.memory_space<vmem_shared>> -> memref<128x128xf32, #tpu.memory_space<vmem_shared>>
    %dma_start3A_204 = arith.constant 0 : i32
    %dma_start3A_205 = tpu.memref_slice %arg12[%add3A_201, %dma_start3A_204] : memref<10240x128xf32, #tpu.memory_space<vmem_shared>> -> memref<128x128xf32, #tpu.memory_space<vmem_shared>>
    tpu.enqueue_dma source(%dma_start3A_205 : memref<128x128xf32, #tpu.memory_space<vmem_shared>>) target(%arg11 : memref<128x128xf32, #tpu.memory_space<vmem>>) target_semaphore(%arg16 : memref<!tpu.dma_semaphore, #tpu.memory_space<semaphore_mem>>)
    %mul3A_206 = arith.constant 640 : i32
    %mul3A_207 = arith.muli %arg1, %mul3A_206 : i32
    %add3A_208 = arith.constant 256 : i32
    %add3A_209 = arith.addi %mul3A_207, %add3A_208 : i32
    "tpu.region"() ({
      %run_scoped3A_238 = tpu.sem_alloc : memref<!tpu.dma_semaphore, #tpu.memory_space<semaphore_mem>>
      %dma_start3A_239 = arith.constant 0 : i32
      %dma_start3A_240 = tpu.memref_slice %arg6[%arg0, %add3A_209, %dma_start3A_239] : memref<2x10240x128xf32, #tpu.memory_space<hbm>> -> memref<1x128x128xf32, #tpu.memory_space<hbm>>
      %dma_start3A_241 = tpu.memref_squeeze %dma_start3A_240 : memref<1x128x128xf32, #tpu.memory_space<hbm>> -> memref<128x128xf32, #tpu.memory_space<hbm>>
      %dma_start3A_242 = arith.constant 0 : i32
      %dma_start3A_243 = tpu.memref_slice %arg6[%arg0, %add3A_209, %dma_start3A_242] : memref<2x10240x128xf32, #tpu.memory_space<hbm>> -> memref<1x128x128xf32, #tpu.memory_space<hbm>>
      %dma_start3A_244 = tpu.memref_squeeze %dma_start3A_243 : memref<1x128x128xf32, #tpu.memory_space<hbm>> -> memref<128x128xf32, #tpu.memory_space<hbm>>
      tpu.enqueue_dma source(%arg10 : memref<128x128xf32, #tpu.memory_space<vmem>>) target(%dma_start3A_244 : memref<128x128xf32, #tpu.memory_space<hbm>>) target_semaphore(%run_scoped3A_238 : memref<!tpu.dma_semaphore, #tpu.memory_space<semaphore_mem>>)
      %dma_wait3A_245 = arith.constant 0 : i32
      %dma_wait3A_246 = tpu.memref_slice %arg6[%arg0, %add3A_209, %dma_wait3A_245] : memref<2x10240x128xf32, #tpu.memory_space<hbm>> -> memref<1x128x128xf32, #tpu.memory_space<hbm>>
      %dma_wait3A_247 = tpu.memref_squeeze %dma_wait3A_246 : memref<1x128x128xf32, #tpu.memory_space<hbm>> -> memref<128x128xf32, #tpu.memory_space<hbm>>
      %dma_wait3A_248 = arith.constant 0 : i32
      %dma_wait3A_249 = tpu.memref_slice %arg6[%arg0, %add3A_209, %dma_wait3A_248] : memref<2x10240x128xf32, #tpu.memory_space<hbm>> -> memref<1x128x128xf32, #tpu.memory_space<hbm>>
      %dma_wait3A_250 = tpu.memref_squeeze %dma_wait3A_249 : memref<1x128x128xf32, #tpu.memory_space<hbm>> -> memref<128x128xf32, #tpu.memory_space<hbm>>
      tpu.wait_dma2 semaphore(%run_scoped3A_238 : memref<!tpu.dma_semaphore, #tpu.memory_space<semaphore_mem>>) src(%arg10 : memref<128x128xf32, #tpu.memory_space<vmem>>) dst(%dma_wait3A_250 : memref<128x128xf32, #tpu.memory_space<hbm>>)
      tpu.yield
    }) : () -> ()
    %dma_wait3A_210 = arith.constant 0 : i32
    %dma_wait3A_211 = arith.constant 0 : i32
    %dma_wait3A_212 = tpu.memref_slice %arg12[%dma_wait3A_210, %dma_wait3A_211] : memref<10240x128xf32, #tpu.memory_space<vmem_shared>> -> memref<128x128xf32, #tpu.memory_space<vmem_shared>>
    %dma_wait3A_213 = arith.constant 0 : i32
    %dma_wait3A_214 = arith.constant 0 : i32
    %dma_wait3A_215 = tpu.memref_slice %arg12[%dma_wait3A_213, %dma_wait3A_214] : memref<10240x128xf32, #tpu.memory_space<vmem_shared>> -> memref<128x128xf32, #tpu.memory_space<vmem_shared>>
    tpu.wait_dma2 semaphore(%arg16 : memref<!tpu.dma_semaphore, #tpu.memory_space<semaphore_mem>>) src(%dma_wait3A_215 : memref<128x128xf32, #tpu.memory_space<vmem_shared>>) dst(%arg11 : memref<128x128xf32, #tpu.memory_space<vmem>>)
    %mul3A_216 = arith.constant 640 : i32
    %mul3A_217 = arith.muli %arg1, %mul3A_216 : i32
    %add3A_218 = arith.constant 512 : i32
    %add3A_219 = arith.addi %mul3A_217, %add3A_218 : i32
    %dma_start3A_220 = arith.constant 0 : i32
    %dma_start3A_221 = tpu.memref_slice %arg12[%add3A_219, %dma_start3A_220] : memref<10240x128xf32, #tpu.memory_space<vmem_shared>> -> memref<128x128xf32, #tpu.memory_space<vmem_shared>>
    %dma_start3A_222 = arith.constant 0 : i32
    %dma_start3A_223 = tpu.memref_slice %arg12[%add3A_219, %dma_start3A_222] : memref<10240x128xf32, #tpu.memory_space<vmem_shared>> -> memref<128x128xf32, #tpu.memory_space<vmem_shared>>
    tpu.enqueue_dma source(%dma_start3A_223 : memref<128x128xf32, #tpu.memory_space<vmem_shared>>) target(%arg10 : memref<128x128xf32, #tpu.memory_space<vmem>>) target_semaphore(%arg15 : memref<!tpu.dma_semaphore, #tpu.memory_space<semaphore_mem>>)
    %mul3A_224 = arith.constant 640 : i32
    %mul3A_225 = arith.muli %arg1, %mul3A_224 : i32
    %add3A_226 = arith.constant 384 : i32
    %add3A_227 = arith.addi %mul3A_225, %add3A_226 : i32
    "tpu.region"() ({
      %run_scoped3A_238 = tpu.sem_alloc : memref<!tpu.dma_semaphore, #tpu.memory_space<semaphore_mem>>
      %dma_start3A_239 = arith.constant 0 : i32
      %dma_start3A_240 = tpu.memref_slice %arg6[%arg0, %add3A_227, %dma_start3A_239] : memref<2x10240x128xf32, #tpu.memory_space<hbm>> -> memref<1x128x128xf32, #tpu.memory_space<hbm>>
      %dma_start3A_241 = tpu.memref_squeeze %dma_start3A_240 : memref<1x128x128xf32, #tpu.memory_space<hbm>> -> memref<128x128xf32, #tpu.memory_space<hbm>>
      %dma_start3A_242 = arith.constant 0 : i32
      %dma_start3A_243 = tpu.memref_slice %arg6[%arg0, %add3A_227, %dma_start3A_242] : memref<2x10240x128xf32, #tpu.memory_space<hbm>> -> memref<1x128x128xf32, #tpu.memory_space<hbm>>
      %dma_start3A_244 = tpu.memref_squeeze %dma_start3A_243 : memref<1x128x128xf32, #tpu.memory_space<hbm>> -> memref<128x128xf32, #tpu.memory_space<hbm>>
      tpu.enqueue_dma source(%arg11 : memref<128x128xf32, #tpu.memory_space<vmem>>) target(%dma_start3A_244 : memref<128x128xf32, #tpu.memory_space<hbm>>) target_semaphore(%run_scoped3A_238 : memref<!tpu.dma_semaphore, #tpu.memory_space<semaphore_mem>>)
      %dma_wait3A_245 = arith.constant 0 : i32
      %dma_wait3A_246 = tpu.memref_slice %arg6[%arg0, %add3A_227, %dma_wait3A_245] : memref<2x10240x128xf32, #tpu.memory_space<hbm>> -> memref<1x128x128xf32, #tpu.memory_space<hbm>>
      %dma_wait3A_247 = tpu.memref_squeeze %dma_wait3A_246 : memref<1x128x128xf32, #tpu.memory_space<hbm>> -> memref<128x128xf32, #tpu.memory_space<hbm>>
      %dma_wait3A_248 = arith.constant 0 : i32
      %dma_wait3A_249 = tpu.memref_slice %arg6[%arg0, %add3A_227, %dma_wait3A_248] : memref<2x10240x128xf32, #tpu.memory_space<hbm>> -> memref<1x128x128xf32, #tpu.memory_space<hbm>>
      %dma_wait3A_250 = tpu.memref_squeeze %dma_wait3A_249 : memref<1x128x128xf32, #tpu.memory_space<hbm>> -> memref<128x128xf32, #tpu.memory_space<hbm>>
      tpu.wait_dma2 semaphore(%run_scoped3A_238 : memref<!tpu.dma_semaphore, #tpu.memory_space<semaphore_mem>>) src(%arg11 : memref<128x128xf32, #tpu.memory_space<vmem>>) dst(%dma_wait3A_250 : memref<128x128xf32, #tpu.memory_space<hbm>>)
      tpu.yield
    }) : () -> ()
    %dma_wait3A_228 = arith.constant 0 : i32
    %dma_wait3A_229 = arith.constant 0 : i32
    %dma_wait3A_230 = tpu.memref_slice %arg12[%dma_wait3A_228, %dma_wait3A_229] : memref<10240x128xf32, #tpu.memory_space<vmem_shared>> -> memref<128x128xf32, #tpu.memory_space<vmem_shared>>
    %dma_wait3A_231 = arith.constant 0 : i32
    %dma_wait3A_232 = arith.constant 0 : i32
    %dma_wait3A_233 = tpu.memref_slice %arg12[%dma_wait3A_231, %dma_wait3A_232] : memref<10240x128xf32, #tpu.memory_space<vmem_shared>> -> memref<128x128xf32, #tpu.memory_space<vmem_shared>>
    tpu.wait_dma2 semaphore(%arg15 : memref<!tpu.dma_semaphore, #tpu.memory_space<semaphore_mem>>) src(%dma_wait3A_233 : memref<128x128xf32, #tpu.memory_space<vmem_shared>>) dst(%arg10 : memref<128x128xf32, #tpu.memory_space<vmem>>)
    %mul3A_234 = arith.constant 640 : i32
    %mul3A_235 = arith.muli %arg1, %mul3A_234 : i32
    %add3A_236 = arith.constant 512 : i32
    %add3A_237 = arith.addi %mul3A_235, %add3A_236 : i32
    "tpu.region"() ({
      %run_scoped3A_238 = tpu.sem_alloc : memref<!tpu.dma_semaphore, #tpu.memory_space<semaphore_mem>>
      %dma_start3A_239 = arith.constant 0 : i32
      %dma_start3A_240 = tpu.memref_slice %arg6[%arg0, %add3A_237, %dma_start3A_239] : memref<2x10240x128xf32, #tpu.memory_space<hbm>> -> memref<1x128x128xf32, #tpu.memory_space<hbm>>
      %dma_start3A_241 = tpu.memref_squeeze %dma_start3A_240 : memref<1x128x128xf32, #tpu.memory_space<hbm>> -> memref<128x128xf32, #tpu.memory_space<hbm>>
      %dma_start3A_242 = arith.constant 0 : i32
      %dma_start3A_243 = tpu.memref_slice %arg6[%arg0, %add3A_237, %dma_start3A_242] : memref<2x10240x128xf32, #tpu.memory_space<hbm>> -> memref<1x128x128xf32, #tpu.memory_space<hbm>>
      %dma_start3A_244 = tpu.memref_squeeze %dma_start3A_243 : memref<1x128x128xf32, #tpu.memory_space<hbm>> -> memref<128x128xf32, #tpu.memory_space<hbm>>
      tpu.enqueue_dma source(%arg10 : memref<128x128xf32, #tpu.memory_space<vmem>>) target(%dma_start3A_244 : memref<128x128xf32, #tpu.memory_space<hbm>>) target_semaphore(%run_scoped3A_238 : memref<!tpu.dma_semaphore, #tpu.memory_space<semaphore_mem>>)
      %dma_wait3A_245 = arith.constant 0 : i32
      %dma_wait3A_246 = tpu.memref_slice %arg6[%arg0, %add3A_237, %dma_wait3A_245] : memref<2x10240x128xf32, #tpu.memory_space<hbm>> -> memref<1x128x128xf32, #tpu.memory_space<hbm>>
      %dma_wait3A_247 = tpu.memref_squeeze %dma_wait3A_246 : memref<1x128x128xf32, #tpu.memory_space<hbm>> -> memref<128x128xf32, #tpu.memory_space<hbm>>
      %dma_wait3A_248 = arith.constant 0 : i32
      %dma_wait3A_249 = tpu.memref_slice %arg6[%arg0, %add3A_237, %dma_wait3A_248] : memref<2x10240x128xf32, #tpu.memory_space<hbm>> -> memref<1x128x128xf32, #tpu.memory_space<hbm>>
      %dma_wait3A_250 = tpu.memref_squeeze %dma_wait3A_249 : memref<1x128x128xf32, #tpu.memory_space<hbm>> -> memref<128x128xf32, #tpu.memory_space<hbm>>
      tpu.wait_dma2 semaphore(%run_scoped3A_238 : memref<!tpu.dma_semaphore, #tpu.memory_space<semaphore_mem>>) src(%arg10 : memref<128x128xf32, #tpu.memory_space<vmem>>) dst(%dma_wait3A_250 : memref<128x128xf32, #tpu.memory_space<hbm>>)
      tpu.yield
    }) : () -> ()
    return
  }
}

module attributes {stable_mosaic.version = 14 : i64} {
  func.func @_pre_body(%arg0: i32, %arg1: memref<1000x128xf32, #tpu.memory_space<vmem>>, %arg2: memref<128x128xf32, #tpu.memory_space<vmem>>, %arg3: memref<2x1000x1xf32, #tpu.memory_space<vmem>>, %arg4: memref<1000x128xf32, #tpu.memory_space<vmem>>, %arg5: memref<1000x128xf32, #tpu.memory_space<vmem>>) attributes {dimension_semantics = [#tpu.dimension_semantics<arbitrary>], iteration_bounds = array<i64: 10>, scalar_prefetch = 0 : i64, scratch_operands = 0 : i64, tpu.core_type = #tpu.core_type<tc>, window_params = [{transform_indices = @transform_0, window_bounds = array<i64: 1000, 128>}, {pipeline_mode = #tpu.pipeline_mode<synchronous>, transform_indices = @transform_1, window_bounds = array<i64: 128, 128>}, {transform_indices = @transform_2, window_bounds = array<i64: 2, 1000, 1>}, {transform_indices = @transform_3, window_bounds = array<i64: 1000, 128>}, {transform_indices = @transform_4, window_bounds = array<i64: 1000, 128>}]} {
    %get3A = arith.constant 0 : index
    %get3A_0 = arith.constant 0 : index
    %get3A_1 = arith.constant 0 : index
    %get3A_2 = vector.load %arg3[%get3A, %get3A_0, %get3A_1] : memref<2x1000x1xf32, #tpu.memory_space<vmem>>, vector<1x1000x1xf32>
    %get3A_3 = vector.shape_cast %get3A_2 : vector<1x1000x1xf32> to vector<1000x1xf32>
    %get3A_4 = arith.constant 1 : index
    %get3A_5 = arith.constant 0 : index
    %get3A_6 = arith.constant 0 : index
    %get3A_7 = vector.load %arg3[%get3A_4, %get3A_5, %get3A_6] : memref<2x1000x1xf32, #tpu.memory_space<vmem>>, vector<1x1000x1xf32>
    %get3A_8 = vector.shape_cast %get3A_7 : vector<1x1000x1xf32> to vector<1000x1xf32>
    %add3A = arith.addf %get3A_3, %get3A_8 : vector<1000x1xf32>
    %add3A_9 = arith.constant 1.000000e+00 : f32
    %add3A_10 = vector.broadcast %add3A_9 : f32 to vector<1000x1xf32>
    %add3A_11 = arith.addf %add3A, %add3A_10 : vector<1000x1xf32>
    %rsqrt3A = math.rsqrt %add3A_11 : vector<1000x1xf32>
    %get3A_12 = arith.constant 0 : index
    %get3A_13 = arith.constant 0 : index
    %get3A_14 = vector.load %arg1[%get3A_12, %get3A_13] : memref<1000x128xf32, #tpu.memory_space<vmem>>, vector<1000x128xf32>
    %get3A_15 = arith.constant 0 : index
    %get3A_16 = arith.constant 0 : index
    %get3A_17 = vector.load %arg2[%get3A_15, %get3A_16] : memref<128x128xf32, #tpu.memory_space<vmem>>, vector<128x128xf32>
    %dot_general3A = arith.constant dense<0.000000e+00> : vector<1000x128xf32>
    %dot_general3A_18 = tpu.matmul %get3A_14, %get3A_17, %dot_general3A {dimension_numbers = #tpu.dot_dimension_numbers<[1], [0], [0], [1], [0, 0, 1, 1], [], []>, transpose_lhs_hint = false} : vector<1000x128xf32>, vector<128x128xf32>, vector<1000x128xf32> -> vector<1000x128xf32>
    %swap3A = arith.constant 0 : index
    %swap3A_19 = arith.constant 0 : index
    %swap3A_20 = vector.load %arg4[%swap3A, %swap3A_19] : memref<1000x128xf32, #tpu.memory_space<vmem>>, vector<1000x128xf32>
    tpu.vector_store %arg4[%swap3A, %swap3A_19], %dot_general3A_18 {strides = array<i32>} : memref<1000x128xf32, #tpu.memory_space<vmem>>, vector<1000x128xf32>,
    %mul3A = vector.broadcast %rsqrt3A : vector<1000x1xf32> to vector<1000x128xf32>
    %mul3A_21 = arith.mulf %dot_general3A_18, %mul3A : vector<1000x128xf32>
    %swap3A_22 = arith.constant 0 : index
    %swap3A_23 = arith.constant 0 : index
    %swap3A_24 = vector.load %arg5[%swap3A_22, %swap3A_23] : memref<1000x128xf32, #tpu.memory_space<vmem>>, vector<1000x128xf32>
    tpu.vector_store %arg5[%swap3A_22, %swap3A_23], %mul3A_21 {strides = array<i32>} : memref<1000x128xf32, #tpu.memory_space<vmem>>, vector<1000x128xf32>,
    return
  }
  func.func @transform_0(%arg0: i32) -> (i32, i32) {
    %c0_i32 = arith.constant 0 : i32
    %c0_i32_0 = arith.constant 0 : i32
    return %arg0, %c0_i32 : i32, i32
  }
  func.func @transform_1(%arg0: i32) -> (i32, i32) {
    %c0_i32 = arith.constant 0 : i32
    %c0_i32_0 = arith.constant 0 : i32
    %c0_i32_1 = arith.constant 0 : i32
    return %c0_i32, %c0_i32_0 : i32, i32
  }
  func.func @transform_2(%arg0: i32) -> (i32, i32, i32) {
    %c0_i32 = arith.constant 0 : i32
    %c0_i32_0 = arith.constant 0 : i32
    %c0_i32_1 = arith.constant 0 : i32
    return %c0_i32, %arg0, %c0_i32_0 : i32, i32, i32
  }
  func.func @transform_3(%arg0: i32) -> (i32, i32) {
    %c0_i32 = arith.constant 0 : i32
    %c0_i32_0 = arith.constant 0 : i32
    return %arg0, %c0_i32 : i32, i32
  }
  func.func @transform_4(%arg0: i32) -> (i32, i32) {
    %c0_i32 = arith.constant 0 : i32
    %c0_i32_0 = arith.constant 0 : i32
    return %arg0, %c0_i32 : i32, i32
  }
}

module attributes {stable_mosaic.version = 14 : i64} {
  func.func @_mid_body(%arg0: i32, %arg1: memref<2x1000x128xf32, #tpu.memory_space<vmem>>, %arg2: memref<1000x128xf32, #tpu.memory_space<vmem>>, %arg3: memref<2x1000x1xf32, #tpu.memory_space<vmem>>, %arg4: memref<1x128xf32, #tpu.memory_space<vmem>>, %arg5: memref<128x128xf32, #tpu.memory_space<vmem>>, %arg6: memref<1000x128xf32, #tpu.memory_space<vmem>>, %arg7: memref<1000x128xf32, #tpu.memory_space<vmem>>) attributes {dimension_semantics = [#tpu.dimension_semantics<arbitrary>], iteration_bounds = array<i64: 10>, scalar_prefetch = 0 : i64, scratch_operands = 0 : i64, tpu.core_type = #tpu.core_type<tc>, window_params = [{transform_indices = @transform_0, window_bounds = array<i64: 2, 1000, 128>}, {transform_indices = @transform_1, window_bounds = array<i64: 1000, 128>}, {transform_indices = @transform_2, window_bounds = array<i64: 2, 1000, 1>}, {pipeline_mode = #tpu.pipeline_mode<synchronous>, transform_indices = @transform_3, window_bounds = array<i64: 1, 128>}, {pipeline_mode = #tpu.pipeline_mode<synchronous>, transform_indices = @transform_4, window_bounds = array<i64: 128, 128>}, {transform_indices = @transform_5, window_bounds = array<i64: 1000, 128>}, {transform_indices = @transform_6, window_bounds = array<i64: 1000, 128>}]} {
    %get3A = arith.constant 0 : index
    %get3A_0 = arith.constant 0 : index
    %get3A_1 = arith.constant 0 : index
    %get3A_2 = vector.load %arg3[%get3A, %get3A_0, %get3A_1] : memref<2x1000x1xf32, #tpu.memory_space<vmem>>, vector<1x1000x1xf32>
    %get3A_3 = vector.shape_cast %get3A_2 : vector<1x1000x1xf32> to vector<1000x1xf32>
    %get3A_4 = arith.constant 1 : index
    %get3A_5 = arith.constant 0 : index
    %get3A_6 = arith.constant 0 : index
    %get3A_7 = vector.load %arg3[%get3A_4, %get3A_5, %get3A_6] : memref<2x1000x1xf32, #tpu.memory_space<vmem>>, vector<1x1000x1xf32>
    %get3A_8 = vector.shape_cast %get3A_7 : vector<1x1000x1xf32> to vector<1000x1xf32>
    %add3A = arith.addf %get3A_3, %get3A_8 : vector<1000x1xf32>
    %add3A_9 = arith.constant 1.000000e+00 : f32
    %add3A_10 = vector.broadcast %add3A_9 : f32 to vector<1000x1xf32>
    %add3A_11 = arith.addf %add3A, %add3A_10 : vector<1000x1xf32>
    %rsqrt3A = math.rsqrt %add3A_11 : vector<1000x1xf32>
    %get3A_12 = arith.constant 0 : index
    %get3A_13 = arith.constant 0 : index
    %get3A_14 = arith.constant 0 : index
    %get3A_15 = vector.load %arg1[%get3A_12, %get3A_13, %get3A_14] : memref<2x1000x128xf32, #tpu.memory_space<vmem>>, vector<1x1000x128xf32>
    %get3A_16 = vector.shape_cast %get3A_15 : vector<1x1000x128xf32> to vector<1000x128xf32>
    %get3A_17 = arith.constant 1 : index
    %get3A_18 = arith.constant 0 : index
    %get3A_19 = arith.constant 0 : index
    %get3A_20 = vector.load %arg1[%get3A_17, %get3A_18, %get3A_19] : memref<2x1000x128xf32, #tpu.memory_space<vmem>>, vector<1x1000x128xf32>
    %get3A_21 = vector.shape_cast %get3A_20 : vector<1x1000x128xf32> to vector<1000x128xf32>
    %add3A_22 = arith.addf %get3A_16, %get3A_21 : vector<1000x128xf32>
    %mul3A = vector.broadcast %rsqrt3A : vector<1000x1xf32> to vector<1000x128xf32>
    %mul3A_23 = arith.mulf %add3A_22, %mul3A : vector<1000x128xf32>
    %get3A_24 = arith.constant 0 : index
    %get3A_25 = arith.constant 0 : index
    %get3A_26 = vector.load %arg2[%get3A_24, %get3A_25] : memref<1000x128xf32, #tpu.memory_space<vmem>>, vector<1000x128xf32>
    %mul3A_27 = arith.mulf %rsqrt3A, %rsqrt3A : vector<1000x1xf32>
    %mul3A_28 = vector.broadcast %mul3A_27 : vector<1000x1xf32> to vector<1000x128xf32>
    %mul3A_29 = arith.mulf %get3A_26, %mul3A_28 : vector<1000x128xf32>
    %add3A_30 = arith.addf %mul3A_23, %mul3A_29 : vector<1000x128xf32>
    %get3A_31 = arith.constant 0 : index
    %get3A_32 = arith.constant 0 : index
    %get3A_33 = vector.load %arg4[%get3A_31, %get3A_32] : memref<1x128xf32, #tpu.memory_space<vmem>>, vector<1x128xf32>
    %add3A_34 = vector.broadcast %get3A_33 : vector<1x128xf32> to vector<1000x128xf32>
    %add3A_35 = arith.addf %add3A_30, %add3A_34 : vector<1000x128xf32>
    %max3A = arith.constant 0.000000e+00 : f32
    %max3A_36 = vector.broadcast %max3A : f32 to vector<1000x128xf32>
    %max3A_37 = arith.maximumf %add3A_35, %max3A_36 : vector<1000x128xf32>
    %get3A_38 = arith.constant 0 : index
    %get3A_39 = arith.constant 0 : index
    %get3A_40 = vector.load %arg5[%get3A_38, %get3A_39] : memref<128x128xf32, #tpu.memory_space<vmem>>, vector<128x128xf32>
    %dot_general3A = arith.constant dense<0.000000e+00> : vector<1000x128xf32>
    %dot_general3A_41 = tpu.matmul %max3A_37, %get3A_40, %dot_general3A {dimension_numbers = #tpu.dot_dimension_numbers<[1], [0], [0], [1], [0, 0, 1, 1], [], []>, transpose_lhs_hint = false} : vector<1000x128xf32>, vector<128x128xf32>, vector<1000x128xf32> -> vector<1000x128xf32>
    %swap3A = arith.constant 0 : index
    %swap3A_42 = arith.constant 0 : index
    %swap3A_43 = vector.load %arg6[%swap3A, %swap3A_42] : memref<1000x128xf32, #tpu.memory_space<vmem>>, vector<1000x128xf32>
    tpu.vector_store %arg6[%swap3A, %swap3A_42], %dot_general3A_41 {strides = array<i32>} : memref<1000x128xf32, #tpu.memory_space<vmem>>, vector<1000x128xf32>,
    %mul3A_44 = vector.broadcast %rsqrt3A : vector<1000x1xf32> to vector<1000x128xf32>
    %mul3A_45 = arith.mulf %dot_general3A_41, %mul3A_44 : vector<1000x128xf32>
    %swap3A_46 = arith.constant 0 : index
    %swap3A_47 = arith.constant 0 : index
    %swap3A_48 = vector.load %arg7[%swap3A_46, %swap3A_47] : memref<1000x128xf32, #tpu.memory_space<vmem>>, vector<1000x128xf32>
    tpu.vector_store %arg7[%swap3A_46, %swap3A_47], %mul3A_45 {strides = array<i32>} : memref<1000x128xf32, #tpu.memory_space<vmem>>, vector<1000x128xf32>,
    return
  }
  func.func @transform_0(%arg0: i32) -> (i32, i32, i32) {
    %c0_i32 = arith.constant 0 : i32
    %c0_i32_0 = arith.constant 0 : i32
    %c0_i32_1 = arith.constant 0 : i32
    return %c0_i32, %arg0, %c0_i32_0 : i32, i32, i32
  }
  func.func @transform_1(%arg0: i32) -> (i32, i32) {
    %c0_i32 = arith.constant 0 : i32
    %c0_i32_0 = arith.constant 0 : i32
    return %arg0, %c0_i32 : i32, i32
  }
  func.func @transform_2(%arg0: i32) -> (i32, i32, i32) {
    %c0_i32 = arith.constant 0 : i32
    %c0_i32_0 = arith.constant 0 : i32
    %c0_i32_1 = arith.constant 0 : i32
    return %c0_i32, %arg0, %c0_i32_0 : i32, i32, i32
  }
  func.func @transform_3(%arg0: i32) -> (i32, i32) {
    %c0_i32 = arith.constant 0 : i32
    %c0_i32_0 = arith.constant 0 : i32
    %c0_i32_1 = arith.constant 0 : i32
    return %c0_i32, %c0_i32_0 : i32, i32
  }
  func.func @transform_4(%arg0: i32) -> (i32, i32) {
    %c0_i32 = arith.constant 0 : i32
    %c0_i32_0 = arith.constant 0 : i32
    %c0_i32_1 = arith.constant 0 : i32
    return %c0_i32, %c0_i32_0 : i32, i32
  }
  func.func @transform_5(%arg0: i32) -> (i32, i32) {
    %c0_i32 = arith.constant 0 : i32
    %c0_i32_0 = arith.constant 0 : i32
    return %arg0, %c0_i32 : i32, i32
  }
  func.func @transform_6(%arg0: i32) -> (i32, i32) {
    %c0_i32 = arith.constant 0 : i32
    %c0_i32_0 = arith.constant 0 : i32
    return %arg0, %c0_i32 : i32, i32
  }
}

module attributes {stable_mosaic.version = 14 : i64} {
  func.func @_fin_body(%arg0: i32, %arg1: memref<2x1000x128xf32, #tpu.memory_space<vmem>>, %arg2: memref<1000x128xf32, #tpu.memory_space<vmem>>, %arg3: memref<2x1000x1xf32, #tpu.memory_space<vmem>>, %arg4: memref<1x128xf32, #tpu.memory_space<vmem>>, %arg5: memref<1000x128xf32, #tpu.memory_space<vmem>>) attributes {dimension_semantics = [#tpu.dimension_semantics<arbitrary>], iteration_bounds = array<i64: 10>, scalar_prefetch = 0 : i64, scratch_operands = 0 : i64, tpu.core_type = #tpu.core_type<tc>, window_params = [{transform_indices = @transform_0, window_bounds = array<i64: 2, 1000, 128>}, {transform_indices = @transform_1, window_bounds = array<i64: 1000, 128>}, {transform_indices = @transform_2, window_bounds = array<i64: 2, 1000, 1>}, {pipeline_mode = #tpu.pipeline_mode<synchronous>, transform_indices = @transform_3, window_bounds = array<i64: 1, 128>}, {transform_indices = @transform_4, window_bounds = array<i64: 1000, 128>}]} {
    %get3A = arith.constant 0 : index
    %get3A_0 = arith.constant 0 : index
    %get3A_1 = arith.constant 0 : index
    %get3A_2 = vector.load %arg3[%get3A, %get3A_0, %get3A_1] : memref<2x1000x1xf32, #tpu.memory_space<vmem>>, vector<1x1000x1xf32>
    %get3A_3 = vector.shape_cast %get3A_2 : vector<1x1000x1xf32> to vector<1000x1xf32>
    %get3A_4 = arith.constant 1 : index
    %get3A_5 = arith.constant 0 : index
    %get3A_6 = arith.constant 0 : index
    %get3A_7 = vector.load %arg3[%get3A_4, %get3A_5, %get3A_6] : memref<2x1000x1xf32, #tpu.memory_space<vmem>>, vector<1x1000x1xf32>
    %get3A_8 = vector.shape_cast %get3A_7 : vector<1x1000x1xf32> to vector<1000x1xf32>
    %add3A = arith.addf %get3A_3, %get3A_8 : vector<1000x1xf32>
    %add3A_9 = arith.constant 1.000000e+00 : f32
    %add3A_10 = vector.broadcast %add3A_9 : f32 to vector<1000x1xf32>
    %add3A_11 = arith.addf %add3A, %add3A_10 : vector<1000x1xf32>
    %rsqrt3A = math.rsqrt %add3A_11 : vector<1000x1xf32>
    %get3A_12 = arith.constant 0 : index
    %get3A_13 = arith.constant 0 : index
    %get3A_14 = arith.constant 0 : index
    %get3A_15 = vector.load %arg1[%get3A_12, %get3A_13, %get3A_14] : memref<2x1000x128xf32, #tpu.memory_space<vmem>>, vector<1x1000x128xf32>
    %get3A_16 = vector.shape_cast %get3A_15 : vector<1x1000x128xf32> to vector<1000x128xf32>
    %get3A_17 = arith.constant 1 : index
    %get3A_18 = arith.constant 0 : index
    %get3A_19 = arith.constant 0 : index
    %get3A_20 = vector.load %arg1[%get3A_17, %get3A_18, %get3A_19] : memref<2x1000x128xf32, #tpu.memory_space<vmem>>, vector<1x1000x128xf32>
    %get3A_21 = vector.shape_cast %get3A_20 : vector<1x1000x128xf32> to vector<1000x128xf32>
    %add3A_22 = arith.addf %get3A_16, %get3A_21 : vector<1000x128xf32>
    %mul3A = vector.broadcast %rsqrt3A : vector<1000x1xf32> to vector<1000x128xf32>
    %mul3A_23 = arith.mulf %add3A_22, %mul3A : vector<1000x128xf32>
    %get3A_24 = arith.constant 0 : index
    %get3A_25 = arith.constant 0 : index
    %get3A_26 = vector.load %arg2[%get3A_24, %get3A_25] : memref<1000x128xf32, #tpu.memory_space<vmem>>, vector<1000x128xf32>
    %mul3A_27 = arith.mulf %rsqrt3A, %rsqrt3A : vector<1000x1xf32>
    %mul3A_28 = vector.broadcast %mul3A_27 : vector<1000x1xf32> to vector<1000x128xf32>
    %mul3A_29 = arith.mulf %get3A_26, %mul3A_28 : vector<1000x128xf32>
    %add3A_30 = arith.addf %mul3A_23, %mul3A_29 : vector<1000x128xf32>
    %get3A_31 = arith.constant 0 : index
    %get3A_32 = arith.constant 0 : index
    %get3A_33 = vector.load %arg4[%get3A_31, %get3A_32] : memref<1x128xf32, #tpu.memory_space<vmem>>, vector<1x128xf32>
    %add3A_34 = vector.broadcast %get3A_33 : vector<1x128xf32> to vector<1000x128xf32>
    %add3A_35 = arith.addf %add3A_30, %add3A_34 : vector<1000x128xf32>
    %swap3A = arith.constant 0 : index
    %swap3A_36 = arith.constant 0 : index
    %swap3A_37 = vector.load %arg5[%swap3A, %swap3A_36] : memref<1000x128xf32, #tpu.memory_space<vmem>>, vector<1000x128xf32>
    tpu.vector_store %arg5[%swap3A, %swap3A_36], %add3A_35 {strides = array<i32>} : memref<1000x128xf32, #tpu.memory_space<vmem>>, vector<1000x128xf32>,
    return
  }
  func.func @transform_0(%arg0: i32) -> (i32, i32, i32) {
    %c0_i32 = arith.constant 0 : i32
    %c0_i32_0 = arith.constant 0 : i32
    %c0_i32_1 = arith.constant 0 : i32
    return %c0_i32, %arg0, %c0_i32_0 : i32, i32, i32
  }
  func.func @transform_1(%arg0: i32) -> (i32, i32) {
    %c0_i32 = arith.constant 0 : i32
    %c0_i32_0 = arith.constant 0 : i32
    return %arg0, %c0_i32 : i32, i32
  }
  func.func @transform_2(%arg0: i32) -> (i32, i32, i32) {
    %c0_i32 = arith.constant 0 : i32
    %c0_i32_0 = arith.constant 0 : i32
    %c0_i32_1 = arith.constant 0 : i32
    return %c0_i32, %arg0, %c0_i32_0 : i32, i32, i32
  }
  func.func @transform_3(%arg0: i32) -> (i32, i32) {
    %c0_i32 = arith.constant 0 : i32
    %c0_i32_0 = arith.constant 0 : i32
    %c0_i32_1 = arith.constant 0 : i32
    return %c0_i32, %c0_i32_0 : i32, i32
  }
  func.func @transform_4(%arg0: i32) -> (i32, i32) {
    %c0_i32 = arith.constant 0 : i32
    %c0_i32_0 = arith.constant 0 : i32
    return %arg0, %c0_i32 : i32, i32
  }
}

</mosaic_0001>

<sc_bundles>
// kernel: kernel.11.cloned.1.call-start
scs
__scs_entry_jumppad:
0x0: {  	(pc) =	sbr.rel $0x88, $3  }
0x1: {  	(tag) =	ssettag $0x0;
	lr =	simm.s32 $0x1  }
0x2: {  	[smem:$0x3F9B] =	sst lr;
	_ =	strace $0xD0000000  }
0x3: {  	_ = 	snop  }
0x4: {  	_ = 	snop  }
0x5: {  	_ = 	snop  }
0x6: {  	_ = 	snop  }
0x7: {  	_ = 	snop  }
__scs_overlays_trampoline_lowered:
0x8: {  	[smem:$0x3FAA] =	sst s0  }
0x9: {  	[smem:$0x3FAB] =	sst s1  }
0xa: {  	[smem:$0x3FAC] =	sst s2  }
0xb: {  	[smem:$0x3FAD] =	sst s3  }
0xc: {  	[smem:$0x3FAE] =	sst s4  }
0xd: {  	[smem:$0x3FAF] =	sst s5  }
0xe: {  	[smem:$0x3FB0] =	sst s6  }
0xf: {  	[smem:$0x3FB1] =	sst s7  }
0x10: {  	[smem:$0x3FB2] =	sst s8  }
0x11: {  	[smem:$0x3FB3] =	sst s9;
	s0 =	simm.s32 @!p0 $0x0  }
0x12: {  	s1 =	sld [smem:$0x3F99];
	s0 =	simm.s32 @p0 $0x1  }
0x13: {  	[smem:$0x3FB4] =	sst s0;
	s0 =	simm.s32 @!p1 $0x0  }
0x14: {  	s2 =	sld [smem:$0x3F98];
	s0 =	simm.s32 @p1 $0x1  }
0x15: {  	[smem:$0x3FB5] =	sst s0;
	s0 =	simm.s32 @!p2 $0x0  }
0x16: {  	s3 =	sld [smem:$0x3FDB];
	s0 =	simm.s32 @p2 $0x1  }
0x17: {  	s4 =	simm.s32 $0x1BF5;
	[smem:$0x3FB7] =	sst s0  }
0x18: {  	s0 =	sld [smem:$0x3F9A];
	_ =	swait.ge [sflag:s4], $0x0  }
0x19: {  	s7 =	sld [smem:$0x3F9B]  }
0x1a: {  	s8 =	sadd.s32 $0xFFFFE003, lr  }
0x1b: {  	s9 =	sadd.s32 $0xFFFFFEF7, lr;
	s5 =	simm.s32 $0xFFFFFFFF;
	p2 =	slt.u32 s8, $0xFFFFF086  }
0x1c: {  	p1 =	slt.u32 s9, $0xF7A;
	s5 =	simm.s32 @!p2 $0x0  }
0x1d: {  	s5 =	simm.s32 @p1 $0x1;
	p0 =	seq.s32 s7, s2  }
0x1e: {  	s7 =	smul.u32 @!p0 $0xF7A, s2;
	p2 =	seq.s32 @!p0 s5, $0x0  }
0x1f: {  	s9 =	smul.u32 $0xF7A, s1;
	s8 =	simm.s32 @!p0 $0x1BF5;
	p2 =	por !p2, p0  }
0x20: {  	[sflag:s8] =	ssyncset.s32 @!p0 $0xFFFFF086;
	s6 =	sadd.s32 @!p0 s3, s7;
	s7 =	simm.s32 @!p0 $0x108  }
0x21: {  	s3 =	sadd.s32 s3, s9;
	s6 =	sadd.s32 @!p0 $0x88, s6;
	s7 =	simm.s32 @p2 $0x1082  }
0x22: {  	[simem:s7], [sflag:s8] =	dma.local @!p0 [hbm:s6], $0xF7A  }
0x23: {  	s9 =	sor.u32 $0xD0000000, s2;
	s6 =	simm.s32 $0x108;
	_ =	swait.ge @!p0 [sflag:s8], $0x0  }
0x24: {  	s3 =	sadd.s32 $0x88, s3;
	s6 =	simm.s32 @!p1 $0x1082;
	[sflag:s4] =	ssyncset.s32 $0xFFFFF086  }
0x25: {  	[simem:s6], [sflag:s4] =	dma.local [hbm:s3], $0xF7A  }
0x26: {  	[smem:$0x3F9B] =	sst s1;
	(tag) =	ssettag s2;
	_ =	strace s9  }
0x27: {  	s1 =	sld [smem:$0x3FAB]  }
0x28: {  	s2 =	sld [smem:$0x3FAC]  }
0x29: {  	s4 =	sld [smem:$0x3FAE]  }
0x2a: {  	p0 =	seq.s32 s5, $0x0;
	s5 =	sld [smem:$0x3FAF]  }
0x2b: {  	s6 =	sld [smem:$0x3FB0]  }
0x2c: {  	s7 =	sld [smem:$0x3FB1]  }
0x2d: {  	s3 =	simm.s32 $0x108;
	s8 =	sld [smem:$0x3FB2]  }
0x2e: {  	s3 =	simm.s32 @!p0 $0x1082;
	s9 =	sld [smem:$0x3FB3]  }
0x2f: {  	lr =	sadd.s32 s0, s3;
	s0 =	sld [smem:$0x3FAA]  }
0x30: {  	s3 =	sld [smem:$0x3FAD]  }
0x31: {  	[smem:$0x3FB6] =	sst s10  }
0x32: {  	s10 =	sld [smem:$0x3FB4];
	_ =	sdelay $0x3  }
0x33: {  	p0 =	seq.s32 s10, $0x1;
	s10 =	sld [smem:$0x3FB6];
	_ =	sdelay $0x3  }
0x34: {  	[smem:$0x3FB6] =	sst s10  }
0x35: {  	s10 =	sld [smem:$0x3FB5];
	_ =	sdelay $0x3  }
0x36: {  	p1 =	seq.s32 s10, $0x1;
	s10 =	sld [smem:$0x3FB6];
	_ =	sdelay $0x3  }
0x37: {  	[smem:$0x3FB6] =	sst s10  }
0x38: {  	s10 =	sld [smem:$0x3FB7]  }
0x39: {  	_ = 	snop;
	(pc) =	sbr.ind lr, $3  }
0x3a: {  	_ = 	snop  }
0x3b: {  	_ = 	snop  }
0x3c: {  	p2 =	seq.s32 s10, $0x1;
	s10 =	sld [smem:$0x3FB6]  }
0x3d: {  	_ =	shalt  }
0x3e: {  	_ =	shalt  }
0x3f: {  	_ =	shalt  }
0x40: {  	_ =	shalt  }
0x41: {  	_ =	shalt  }
0x42: {  	_ =	shalt  }
0x43: {  	_ =	shalt  }
0x44: {  	_ =	shalt  }
0x45: {  	_ =	shalt  }
0x46: {  	_ =	shalt  }
0x47: {  	_ =	shalt  }
0x48: {  	_ =	shalt  }
0x49: {  	_ =	shalt  }
0x4a: {  	_ =	shalt  }
0x4b: {  	_ =	shalt  }
0x4c: {  	_ =	shalt  }
0x4d: {  	_ =	shalt  }
0x4e: {  	_ =	shalt  }
0x4f: {  	_ =	shalt  }
0x50: {  	_ =	shalt  }
0x51: {  	_ =	shalt  }
0x52: {  	_ =	shalt  }
0x53: {  	_ =	shalt  }
0x54: {  	_ =	shalt  }
0x55: {  	_ =	shalt  }
0x56: {  	_ =	shalt  }
0x57: {  	_ =	shalt  }
0x58: {  	_ =	shalt  }
0x59: {  	_ =	shalt  }
0x5a: {  	_ =	shalt  }
0x5b: {  	_ =	shalt  }
0x5c: {  	_ =	shalt  }
0x5d: {  	_ =	shalt  }
0x5e: {  	_ =	shalt  }
0x5f: {  	_ =	shalt  }
0x60: {  	_ =	shalt  }
0x61: {  	_ =	shalt  }
0x62: {  	_ =	shalt  }
0x63: {  	_ =	shalt  }
0x64: {  	_ =	shalt  }
0x65: {  	_ =	shalt  }
0x66: {  	_ =	shalt  }
0x67: {  	_ =	shalt  }
0x68: {  	_ =	shalt  }
0x69: {  	_ =	shalt  }
0x6a: {  	_ =	shalt  }
0x6b: {  	_ =	shalt  }
0x6c: {  	_ =	shalt  }
0x6d: {  	_ =	shalt  }
0x6e: {  	_ =	shalt  }
0x6f: {  	_ =	shalt  }
0x70: {  	_ =	shalt  }
0x71: {  	_ =	shalt  }
0x72: {  	_ =	shalt  }
0x73: {  	_ =	shalt  }
0x74: {  	_ =	shalt  }
0x75: {  	_ =	shalt  }
0x76: {  	_ =	shalt  }
0x77: {  	_ =	shalt  }
0x78: {  	_ =	shalt  }
0x79: {  	_ =	shalt  }
0x7a: {  	_ =	shalt  }
0x7b: {  	_ =	shalt  }
0x7c: {  	_ =	shalt  }
0x7d: {  	_ =	shalt  }
0x7e: {  	_ =	shalt  }
0x7f: {  	_ =	shalt  }
0x80: {  	_ =	shalt  }
0x81: {  	_ =	shalt  }
0x82: {  	_ =	shalt  }
0x83: {  	_ =	shalt  }
0x84: {  	_ =	shalt  }
0x85: {  	_ =	shalt  }
0x86: {  	_ =	shalt  }
0x87: {  	_ =	shalt  }
.Lfunc_end0:
.L_simem_size_0:
called_computation.1_lowered:
.L_overlay_start_0:
0x88: {  	s2 =	sld [smem:$0x3FD9]  }
0x89: {  	s3 =	sld [smem:$0x3FFE];
	_ =	sdelay $0x1  }
0x8a: {  	s1 =	srdreg.scid  }
0x8b: {  	s0 =	sand.u32 $0x1, s1  }
0x8c: {  	s17 =	sshll.u32 s0, $0xA;
	s2 =	sadd.s32 s3, s2  }
0x8d: {  	s2 =	sadd.s32 s2, s17  }
0x8e: {  	[smem:$0x3FC2] =	sst s2  }
0x8f: {  	_ = 	snop  }
0x90: {  	s2 =	sld [smem:$0x3FD0];
	(tm) =	ssettm $0x1  }
0x91: {  	s18 =	sld [smem:$0x3FFB];
	_ =	sdelay $0x3  }
0x92: {  	_ =	strace s18  }
0x93: {  	s3 =	sld [smem:$0x3FFC];
	_ =	sdelay $0x3  }
0x94: {  	_ =	strace s3  }
0x95: {  	s3 =	sld [smem:$0x3FFD];
	_ =	sdelay $0x3  }
0x96: {  	_ =	strace s3  }
0x97: {  	_ =	strace $0x8FFFFFFF  }
0x98: {  	s19 =	sld [smem:$0x3FDB];
	_ =	sdelay $0x1  }
0x99: {  	s4 =	simm.s32 $_scs_section_size  }
0x9a: {  	s5 =	simm.s32 $_size__tile_overlayer_lowered;
	s6 =	simm.s32 $_tile_overlayer_lowered  }
0x9b: {  	s22 =	simm.s32 $0x1BFF;
	s21 =	sshll.u32 s6, $0x1;
	s3 =	sadd.s32 s4, s19  }
0x9c: {  	s7 =	simm.s32 $0x0;
	s20 =	sshll.u32 s5, $0x1;
	s5 =	sadd.s32 s21, s3  }
0x9d: {  	[timem:s7], [sflag:s22] =	dma.local [hbm:s5], s20  }
0x9e: {  	_ =	swait.ge [sflag:s22], s20  }
0x9f: {  	s4 =	ssub.s32 $0x0, s20;
	[sflag:s22] =	ssyncset.done $0x0  }
0xa0: {  	[sflag:s22] =	ssyncadd.s32 s4;
	_ =	sdelay $0x1  }
0xa1: {  	s23 =	simm.s32 $0x1B8B  }
0xa2: {  	_ =	swait.ge [sflag:s23], $0x1  }
0xa3: {  	[sflag:s23] =	ssyncset.done $0x0  }
0xa4: {  	s25 =	simm.s32 $0x1B8E;
	s24 =	sld [smem:$0x3FFE];
	[sflag:s23] =	ssyncadd.s32 $0xFFFFFFFF  }
0xa5: {  	s26 =	simm.s32 $execute0_lowered;
	[smem:$0x3FD2] =	sst s25  }
0xa6: {  	s5 =	sshll.u32 s26, $0x1;
	_ =	strace $0x80000049;
	[dreg:$0x1] =	wrdreg $0xFFFFFFFF  }
0xa7: {  	s28 =	simm.s32 $_size_execute0_lowered;
	s3 =	sadd.s32 s3, s5;
	[dreg:$0x0] =	wrdreg $0x0  }
0xa8: {  	s5 =	sshll.u32 s28, $0x1;
	[dreg:$0x2] =	wrdreg s3  }
0xa9: {  	[dreg:$0x3] =	wrdreg s5  }
0xaa: {  	[dreg:$0x4] =	wrdreg $0xC0  }
0xab: {  	_ =	task [dreg:s7], $0x5FFFF  }
0xac: {  	[dreg:$0x1] =	wrdreg $0xFFFFFFFF  }
0xad: {  	[dreg:$0x0] =	wrdreg $0x60  }
0xae: {  	[dreg:$0x2] =	wrdreg s2  }
0xaf: {  	[dreg:$0x3] =	wrdreg s24  }
0xb0: {  	[dreg:$0x4] =	wrdreg $0x83000  }
0xb1: {  	[dreg:$0x5] =	wrdreg $0x9  }
0xb2: {  	_ =	task.clear_ibuf [dreg:s7], $0x6FFFF;
	_ =	strace $0x90000049  }
0xb3: {  	s29 =	simm.s32 $0x9;
	_ =	strace $0x8000004B  }
0xb4: {  	_ =	swait.ge [sflag:s29], $0x1  }
0xb5: {  	[sflag:s29] =	ssyncadd.s32 $0xFFFFFFFF  }
0xb6: {  	_ =	strace $0x9000004B  }
0xb7: {  	_ =	sfence  }
0xb8: {  	s30 =	sld [smem:$0x0];
	_ =	sdelay $0x2  }
0xb9: {  	s31 =	sshll.u32 s1, $0xD;
	s1 =	sshrl.u32 s1, $0x2  }
0xba: {  	s3 =	sand.u32 $0x4000, s31;
	s1 =	sadd.s32 s1, s30  }
0xbb: {  	s0 =	sor.u32 s3, s0;
	s1 =	sshll.u32 s1, $0x11  }
0xbc: {  	s0 =	sor.u32 s1, s0  }
0xbd: {  	s0 =	sadd.s32 $0x8F2B, s0  }
0xbe: {  	[sflag:s0] =	ssyncadd.remote.s32 $0x1  }
0xbf: {  	_ =	sfence.sel $0xFFFF  }
0xc0: {  	[dreg:$0x0] =	wrdreg $0xFFFFFFFF;
	(pc) =	sbr.abs _section_cstart, $3  }
0xc1: {  	[dreg:$0x1] =	wrdreg $0xFFFFFFFF  }
0xc2: {  	_ =	task.clear_ibuf [dreg:s7], $0x2FFFF;
	_ =	strace $0x9FFFFFFF  }
0xc3: {  	(tm) =	ssettm $0x7FFFFFFF  }
tec
execute0_lowered:
.L_overlay_start_1:
0x0: {  	(tag) =	ssettag $0x1  }
0x1: {  	s1 =	rddreg [dreg:$0x0]  }
0x2: {  	s0 =	rddreg [dreg:$0x1]  }
0x3: {  	s3 =	rddreg [dreg:$0x2]  }
0x4: {  	s2 =	srdreg.scid;
	s21 =	stileid.u32;
	s4 =	simm.s32 $0x0  }
0x5: {  	s28 =	simm.s32 $0x3;
	s29 =	simm.s32 $0x1;
	s30 =	simm.s32 $0x80  }
0x6: {  	s31 =	simm.s32 $0x100;
	s2 =	sand.u32 $0x1, s2;
	s5 =	sshll.u32 s21, $0x1  }
0x7: {  	[smem:$0x7FF] =	sst s4;
	s8 =	smul.u32 $0x50000, s21;
	s9 =	sadd.s32 $0x66600, s0  }
0x8: {  	s14 =	smul.u32 $0x14000, s21;
	s6 =	sor.u32 s2, s5;
	_ =	strace $0x8000004A  }
0x9: {  	s5 =	sadd.s32 $0x2E00, s0;
	s22 =	ssub.s32 $0x2, s2;
	s19 =	smul.u32 $0x140000, s2  }
0xa: {  	[dreg:$0x4] =	wrdreg s9;
	s2 =	smul.u32 $0x4E00, s2;
	s7 =	sshll.u32 s6, $0x5  }
0xb: {  	s23 =	sshrl.u32 s22, $0x1;
	s24 =	sshrl.u32 s8, $0x2;
	s16 =	sadd.s32 $0x4000, s14  }
0xc: {  	s17 =	sadd.s32 $0x8000, s14;
	s6 =	smul.u32 $0x4E00, s6;
	s18 =	sadd.s32 $0xC000, s14  }
0xd: {  	s20 =	sadd.s32 $0x10000, s14;
	s13 =	sadd.s32 s7, s0;
	s0 =	sadd.s32 $0x66E00, s0  }
0xe: {  	s15 =	ssub.s32 s22, s23;
	s7 =	sadd.s32 s24, s3;
	s8 =	sadd.s32 s16, s3  }
0xf: {  	s9 =	sadd.s32 s17, s3;
	s10 =	sadd.s32 s18, s3;
	s12 =	sadd.s32 s20, s3  }
0x10: {  	s25 =	sadd.s32 s14, s19;
	s26 =	sadd.s32 s19, s16;
	s14 =	sadd.s32 s19, s17  }
0x11: {  	s17 =	smul.u32 $0x9C00, s21;
	s18 =	sadd.s32 s19, s18;
	s20 =	sadd.s32 s19, s20  }
0x12: {  	s6 =	sshrl.u32 s6, $0x3;
	s13 =	sadd.s32 $0x2A00, s13;
	s16 =	sshrl.u32 s14, $0x3  }
0x13: {  	s21 =	sshrl.u32 s18, $0x3;
	s22 =	sshrl.u32 s20, $0x3;
	s24 =	smax.u32 s15, $0x1  }
0x14: {  	s14 =	simm.s32 $0x200;
	s15 =	simm.s32 $0x10;
	s11 =	sadd.s32 s5, s6  }
0x15: {  	[dreg:$0x6] =	wrdreg s13;
	s13 =	sshrl.u32 s26, $0x3;
	s23 =	sadd.s32 s2, s17  }
0x16: {  	[dreg:$0xc] =	wrdreg s24;
	s2 =	simm.s32 $0x4300;
	s6 =	sadd.s32 $0x20, s11  }
0x17: {  	[dreg:$0x5] =	wrdreg s6;
	s6 =	sshrl.u32 s25, $0x3;
	s25 =	sadd.s32 $0x300, s23  }
0x18: {  	s23 =	sadd.s32 $0x200, s23;
	s6 =	sadd.s32 s0, s6;
	s26 =	sshrl.u32 s25, $0x3  }
0x19: {  	s25 =	simm.s32 $0x300;
	[dreg:$0x7] =	wrdreg s6;
	s6 =	sadd.s32 s0, s13  }
0x1a: {  	s24 =	sadd.s32 s26, s5;
	s26 =	simm.s32 $0x5;
	s13 =	simm.s32 $0x180  }
0x1b: {  	[dreg:$0x8] =	wrdreg s6;
	s6 =	sadd.s32 s0, s16;
	s16 =	simm.s32 $0x0  }
0x1c: {  	[dreg:$0x9] =	wrdreg s6;
	s6 =	sadd.s32 s0, s21;
	s0 =	sadd.s32 s0, s22  }
0x1d: {  	s21 =	sadd.s32 $0x9A0, s11;
	s22 =	sadd.s32 $0x980, s11;
	[dreg:$0xa] =	wrdreg s6  }
0x1e: {  	[dreg:$0xb] =	wrdreg s0;
	s0 =	simm.s32 $0x2;
	s6 =	simm.s32 $0x4  }
.LBB2_1:
0x1f: {  	s17 =	rddreg [dreg:$0x4]  }
0x20: {  	[tilespmem:s25], [sflag:$0x5] =	stream.linear.gather [hbm4b:s17+s4], $0x4000, $0x38;
	[tilespmem:$0x1C300] =	vst v63  }
0x21: {  	_ =	swait.ge [sflag:s26], $0x4000  }
0x22: {  	[sflag:s26] =	ssyncset.done $0x0  }
0x23: {  	[sflag:s26] =	ssyncadd.s32 $0xFFFFC000  }
0x24: {  	[spmem:s7] =	stream.linear.scatter [tilespmem:s25], [sflag:$0x3], $0x4000, $0x38;
	[tilespmem:$0x1C300] =	vst v63  }
0x25: {  	_ = 	snop  }
0x26: {  	[spmem:s8] =	stream.linear.scatter [tilespmem:s25], [sflag:$0x3], $0x4000, $0x38;
	[tilespmem:$0x1C300] =	vst v63  }
0x27: {  	_ = 	snop  }
0x28: {  	[spmem:s9] =	stream.linear.scatter [tilespmem:s25], [sflag:$0x3], $0x4000, $0x38;
	[tilespmem:$0x1C300] =	vst v63  }
0x29: {  	_ = 	snop  }
0x2a: {  	[spmem:s10] =	stream.linear.scatter [tilespmem:s25], [sflag:$0x3], $0x4000, $0x38;
	[tilespmem:$0x1C300] =	vst v63  }
0x2b: {  	_ = 	snop  }
0x2c: {  	[spmem:s12] =	stream.linear.scatter [tilespmem:s25], [sflag:$0x3], $0x4000, $0x38;
	[tilespmem:$0x1C300] =	vst v63  }
0x2d: {  	_ =	swait.ge [sflag:s28], $0x4000  }
0x2e: {  	[sflag:s28] =	ssyncset.done $0x0  }
0x2f: {  	[sflag:s28] =	ssyncadd.s32 $0xFFFFC000  }
0x30: {  	_ =	swait.ge [sflag:s28], $0x4000  }
0x31: {  	[sflag:s28] =	ssyncset.done $0x0  }
0x32: {  	[sflag:s28] =	ssyncadd.s32 $0xFFFFC000  }
0x33: {  	_ =	swait.ge [sflag:s28], $0x4000  }
0x34: {  	[sflag:s28] =	ssyncset.done $0x0  }
0x35: {  	[sflag:s28] =	ssyncadd.s32 $0xFFFFC000  }
0x36: {  	_ =	swait.ge [sflag:s28], $0x4000  }
0x37: {  	[sflag:s28] =	ssyncset.done $0x0  }
0x38: {  	[sflag:s28] =	ssyncadd.s32 $0xFFFFC000  }
0x39: {  	_ =	swait.ge [sflag:s28], $0x4000  }
0x3a: {  	[sflag:s28] =	ssyncset.done $0x0  }
0x3b: {  	[sflag:s28] =	ssyncadd.s32 $0xFFFFC000  }
0x3c: {  	[bflag:$0x0] =	sbarrier.arrive $0xFFFF  }
0x3d: {  	[tilespmem:s4], [sflag:$0x1] =	stream.linear.gather [hbm4b:s11+s4], $0x100, $0x38;
	[tilespmem:$0x1C300] =	vst v63  }
0x3e: {  	_ =	swait.ge [sflag:s29], $0x100  }
0x3f: {  	[sflag:s29] =	ssyncset.done $0x0  }
0x40: {  	[sflag:s29] =	ssyncadd.s32 $0xFFFFFF00  }
0x41: {  	[tilespmem:s25], [sflag:$0x3] =	stream.indirect.gather [hbm4b:s1+s30], $0x80, s4, s30, $0xb8;
	[tilespmem:$0x1C300] =	vst v63  }
0x42: {  	s19 =	rddreg [dreg:$0x5]  }
0x43: {  	[tilespmem:s31], [sflag:$0x2] =	stream.linear.gather [hbm4b:s19+s4], $0x100, $0x38;
	[tilespmem:$0x1C300] =	vst v63  }
0x44: {  	_ =	swait.ge [sflag:s28], $0x4000  }
0x45: {  	[sflag:s28] =	ssyncset.done $0x0  }
0x46: {  	[sflag:s28] =	ssyncadd.s32 $0xFFFFC000  }
0x47: {  	_ =	swait.ge [sflag:s0], $0x100  }
0x48: {  	[sflag:s0] =	ssyncset.done $0x0  }
0x49: {  	[sflag:s0] =	ssyncadd.s32 $0xFFFFFF00  }
0x4a: {  	[tilespmem:s2], [sflag:$0x4] =	stream.indirect.gather [hbm4b:s1+s30], $0x80, s31, s30, $0xb8;
	[tilespmem:$0x1C300] =	vst v63  }
0x4b: {  	_ = 	snop  }
0x4c: {  	[spmem:s3] =	stream.indirect.scatter.add.f32 [tilespmem:s25], [sflag:$0x5], $0x80, s30, s30, $0xb8;
	[tilespmem:$0x1C300] =	vst v63  }
0x4d: {  	_ =	swait.ge [sflag:s26], $0x4000  }
0x4e: {  	s20 =	sshrl.u32 s23, $0x3;
	[sflag:s26] =	ssyncset.done $0x0  }
0x4f: {  	s17 =	sadd.s32 s5, s20;
	[sflag:s26] =	ssyncadd.s32 $0xFFFFC000  }
0x50: {  	[tilespmem:s4], [sflag:$0x1] =	stream.linear.gather [hbm4b:s17+s4], $0x100, $0x38;
	[tilespmem:$0x1C300] =	vst v63  }
0x51: {  	_ =	swait.ge [sflag:s6], $0x4000  }
0x52: {  	[sflag:s6] =	ssyncset.done $0x0  }
0x53: {  	[sflag:s6] =	ssyncadd.s32 $0xFFFFC000  }
0x54: {  	_ =	swait.ge [sflag:s29], $0x100  }
0x55: {  	[sflag:s29] =	ssyncset.done $0x0  }
0x56: {  	[sflag:s29] =	ssyncadd.s32 $0xFFFFFF00  }
0x57: {  	[tilespmem:s25], [sflag:$0x3] =	stream.indirect.gather [hbm4b:s1+s30], $0x80, s4, s30, $0xb8;
	[tilespmem:$0x1C300] =	vst v63  }
0x58: {  	_ = 	snop  }
0x59: {  	[spmem:s3] =	stream.indirect.scatter.add.f32 [tilespmem:s2], [sflag:$0x5], $0x80, s13, s30, $0xb8;
	[tilespmem:$0x1C300] =	vst v63  }
0x5a: {  	_ =	swait.ge [sflag:s26], $0x4000  }
0x5b: {  	s18 =	sadd.s32 $0x200, s23;
	[sflag:s26] =	ssyncset.done $0x0  }
0x5c: {  	s19 =	sadd.s32 $0x0, s24;
	s17 =	simm.s32 $0x40;
	[sflag:s26] =	ssyncadd.s32 $0xFFFFC000  }
.LBB2_2:
0x5d: {  	[tilespmem:s31], [sflag:$0x2] =	stream.linear.gather [hbm4b:s19+s4], $0x100, $0x38;
	[tilespmem:$0x1C300] =	vst v63  }
0x5e: {  	s19 =	smov.u32 s17  }
0x5f: {  	p0 =	sne.s32 s17, $0x900;
	s17 =	sadd.s32 $0x40, s17;
	_ =	swait.ge [sflag:s28], $0x4000  }
0x60: {  	[sflag:s28] =	ssyncset.done $0x0  }
0x61: {  	[sflag:s28] =	ssyncadd.s32 $0xFFFFC000  }
0x62: {  	_ =	swait.ge [sflag:s0], $0x100  }
0x63: {  	[sflag:s0] =	ssyncset.done $0x0  }
0x64: {  	[sflag:s0] =	ssyncadd.s32 $0xFFFFFF00  }
0x65: {  	[tilespmem:s2], [sflag:$0x4] =	stream.indirect.gather [hbm4b:s1+s30], $0x80, s31, s30, $0xb8;
	[tilespmem:$0x1C300] =	vst v63  }
0x66: {  	_ = 	snop  }
0x67: {  	[spmem:s3] =	stream.indirect.scatter.add.f32 [tilespmem:s25], [sflag:$0x5], $0x80, s30, s30, $0xb8;
	[tilespmem:$0x1C300] =	vst v63  }
0x68: {  	_ =	swait.ge [sflag:s26], $0x4000  }
0x69: {  	s20 =	sshrl.u32 s18, $0x3;
	[sflag:s26] =	ssyncset.done $0x0  }
0x6a: {  	s20 =	sadd.s32 s5, s20;
	[sflag:s26] =	ssyncadd.s32 $0xFFFFC000  }
0x6b: {  	[tilespmem:s4], [sflag:$0x1] =	stream.linear.gather [hbm4b:s20+s4], $0x100, $0x38;
	[tilespmem:$0x1C300] =	vst v63  }
0x6c: {  	_ =	swait.ge [sflag:s6], $0x4000  }
0x6d: {  	[sflag:s6] =	ssyncset.done $0x0  }
0x6e: {  	[sflag:s6] =	ssyncadd.s32 $0xFFFFC000  }
0x6f: {  	_ =	swait.ge [sflag:s29], $0x100  }
0x70: {  	[sflag:s29] =	ssyncset.done $0x0  }
0x71: {  	[sflag:s29] =	ssyncadd.s32 $0xFFFFFF00  }
0x72: {  	[tilespmem:s25], [sflag:$0x3] =	stream.indirect.gather [hbm4b:s1+s30], $0x80, s4, s30, $0xb8;
	[tilespmem:$0x1C300] =	vst v63  }
.Ltmp0:
0x73: {  	(pc) =	sbr.rel @p0 .LBB2_2-.Ltmp0, $4  }
0x74: {  	[spmem:s3] =	stream.indirect.scatter.add.f32 [tilespmem:s2], [sflag:$0x5], $0x80, s13, s30, $0xb8;
	[tilespmem:$0x1C300] =	vst v63  }
0x75: {  	_ =	swait.ge [sflag:s26], $0x4000  }
0x76: {  	[sflag:s26] =	ssyncset.done $0x0  }
0x77: {  	s18 =	sadd.s32 $0x200, s18;
	s19 =	sadd.s32 s19, s24;
	[sflag:s26] =	ssyncadd.s32 $0xFFFFC000  }
0x78: {  	[tilespmem:s31], [sflag:$0x2] =	stream.linear.gather [hbm4b:s19+s4], $0x100, $0x38;
	[tilespmem:$0x1C300] =	vst v63  }
0x79: {  	_ =	swait.ge [sflag:s28], $0x4000  }
0x7a: {  	[sflag:s28] =	ssyncset.done $0x0  }
0x7b: {  	[sflag:s28] =	ssyncadd.s32 $0xFFFFC000  }
0x7c: {  	_ =	swait.ge [sflag:s0], $0x100  }
0x7d: {  	[sflag:s0] =	ssyncset.done $0x0  }
0x7e: {  	[sflag:s0] =	ssyncadd.s32 $0xFFFFFF00  }
0x7f: {  	[tilespmem:s2], [sflag:$0x4] =	stream.indirect.gather [hbm4b:s1+s30], $0x80, s31, s30, $0xb8;
	[tilespmem:$0x1C300] =	vst v63  }
0x80: {  	_ = 	snop  }
0x81: {  	[spmem:s3] =	stream.indirect.scatter.add.f32 [tilespmem:s25], [sflag:$0x5], $0x80, s30, s30, $0xb8;
	[tilespmem:$0x1C300] =	vst v63  }
0x82: {  	_ =	swait.ge [sflag:s26], $0x4000  }
0x83: {  	[sflag:s26] =	ssyncset.done $0x0  }
0x84: {  	[sflag:s26] =	ssyncadd.s32 $0xFFFFC000  }
0x85: {  	[tilespmem:s4], [sflag:$0x1] =	stream.linear.gather [hbm4b:s22+s4], $0x100, $0x38;
	[tilespmem:$0x1C300] =	vst v63  }
0x86: {  	_ =	swait.ge [sflag:s6], $0x4000  }
0x87: {  	[sflag:s6] =	ssyncset.done $0x0  }
0x88: {  	[sflag:s6] =	ssyncadd.s32 $0xFFFFC000  }
0x89: {  	_ =	swait.ge [sflag:s29], $0x100  }
0x8a: {  	[sflag:s29] =	ssyncset.done $0x0  }
0x8b: {  	[sflag:s29] =	ssyncadd.s32 $0xFFFFFF00  }
0x8c: {  	[tilespmem:s25], [sflag:$0x3] =	stream.indirect.gather [hbm4b:s1+s30], $0x80, s4, s30, $0xb8;
	[tilespmem:$0x1C300] =	vst v63  }
0x8d: {  	_ = 	snop  }
0x8e: {  	[spmem:s3] =	stream.indirect.scatter.add.f32 [tilespmem:s2], [sflag:$0x5], $0x80, s13, s30, $0xb8;
	[tilespmem:$0x1C300] =	vst v63  }
0x8f: {  	_ =	swait.ge [sflag:s26], $0x4000  }
0x90: {  	[sflag:s26] =	ssyncset.done $0x0  }
0x91: {  	[sflag:s26] =	ssyncadd.s32 $0xFFFFC000  }
0x92: {  	[tilespmem:s31], [sflag:$0x2] =	stream.linear.gather [hbm4b:s21+s4], $0x100, $0x38;
	[tilespmem:$0x1C300] =	vst v63  }
0x93: {  	_ =	swait.ge [sflag:s28], $0x4000  }
0x94: {  	[sflag:s28] =	ssyncset.done $0x0  }
0x95: {  	[sflag:s28] =	ssyncadd.s32 $0xFFFFC000  }
0x96: {  	_ =	swait.ge [sflag:s0], $0x100  }
0x97: {  	[sflag:s0] =	ssyncset.done $0x0  }
0x98: {  	[sflag:s0] =	ssyncadd.s32 $0xFFFFFF00  }
0x99: {  	[tilespmem:s2], [sflag:$0x4] =	stream.indirect.gather [hbm4b:s1+s30], $0x80, s31, s30, $0xb8;
	[tilespmem:$0x1C300] =	vst v63  }
0x9a: {  	_ = 	snop  }
0x9b: {  	[spmem:s3] =	stream.indirect.scatter.add.f32 [tilespmem:s25], [sflag:$0x5], $0x80, s30, s30, $0xb8;
	[tilespmem:$0x1C300] =	vst v63  }
0x9c: {  	_ =	swait.ge [sflag:s26], $0x4000  }
0x9d: {  	[sflag:s26] =	ssyncset.done $0x0  }
0x9e: {  	[sflag:s26] =	ssyncadd.s32 $0xFFFFC000  }
0x9f: {  	[tilespmem:s4], [sflag:$0x1] =	stream.linear.gather [hbm4b:s21+s4], $0x100, $0x38;
	[tilespmem:$0x1C300] =	vst v63  }
0xa0: {  	_ =	swait.ge [sflag:s6], $0x4000  }
0xa1: {  	[sflag:s6] =	ssyncset.done $0x0  }
0xa2: {  	[sflag:s6] =	ssyncadd.s32 $0xFFFFC000  }
0xa3: {  	_ =	swait.ge [sflag:s29], $0x100  }
0xa4: {  	[sflag:s29] =	ssyncset.done $0x0  }
0xa5: {  	[sflag:s29] =	ssyncadd.s32 $0xFFFFFF00  }
0xa6: {  	[tilespmem:s25], [sflag:$0x3] =	stream.indirect.gather [hbm4b:s1+s30], $0x80, s4, s30, $0xb8;
	[tilespmem:$0x1C300] =	vst v63  }
0xa7: {  	_ = 	snop  }
0xa8: {  	[spmem:s3] =	stream.indirect.scatter.add.f32 [tilespmem:s2], [sflag:$0x5], $0x80, s13, s30, $0xb8;
	[tilespmem:$0x1C300] =	vst v63  }
0xa9: {  	_ =	swait.ge [sflag:s26], $0x4000  }
0xaa: {  	[sflag:s26] =	ssyncset.done $0x0  }
0xab: {  	[sflag:s26] =	ssyncadd.s32 $0xFFFFC000  }
0xac: {  	[tilespmem:s31], [sflag:$0x2] =	stream.linear.gather [hbm4b:s21+s4], $0x100, $0x38;
	[tilespmem:$0x1C300] =	vst v63  }
0xad: {  	_ =	swait.ge [sflag:s28], $0x4000  }
0xae: {  	[sflag:s28] =	ssyncset.done $0x0  }
0xaf: {  	[sflag:s28] =	ssyncadd.s32 $0xFFFFC000  }
0xb0: {  	_ =	swait.ge [sflag:s0], $0x100  }
0xb1: {  	[sflag:s0] =	ssyncset.done $0x0  }
0xb2: {  	s17 =	rddreg [dreg:$0x6];
	[sflag:s0] =	ssyncadd.s32 $0xFFFFFF00  }
0xb3: {  	[tilespmem:s14], [sflag:$0x5] =	stream.linear.gather [hbm4b:s17+s4], $0x100, $0x38;
	[tilespmem:$0x1C300] =	vst v63  }
0xb4: {  	_ =	swait.ge [sflag:s26], $0x100  }
0xb5: {  	[sflag:s26] =	ssyncset.done $0x0  }
0xb6: {  	[sflag:s26] =	ssyncadd.s32 $0xFFFFFF00  }
0xb7: {  	[tilespmem:s25], [sflag:$0x3] =	stream.indirect.gather [hbm4b:s1+s15], $0x80, s14, s15, $0xb8;
	[tilespmem:$0x1C300] =	vst v63  }
0xb8: {  	_ =	swait.ge [sflag:s28], $0x800  }
0xb9: {  	[sflag:s28] =	ssyncset.done $0x0  }
0xba: {  	s20 =	simm.s32 $0x280;
	[sflag:s28] =	ssyncadd.s32 $0xFFFFF800  }
0xbb: {  	[spmem:s3] =	stream.indirect.scatter.add.f32 [tilespmem:s25], [sflag:$0x5], $0x80, s20, s15, $0xb8;
	[tilespmem:$0x1C300] =	vst v63  }
0xbc: {  	_ =	swait.ge [sflag:s26], $0x800  }
0xbd: {  	[sflag:s26] =	ssyncset.done $0x0  }
0xbe: {  	[sflag:s26] =	ssyncadd.s32 $0xFFFFF800  }
0xbf: {  	[bflag:$0x0] =	sbarrier.arrive $0xFFFF  }
0xc0: {  	[tilespmem:s25], [sflag:$0x3] =	stream.linear.gather [spmem:s7], $0x4000, $0x38;
	[tilespmem:$0x1C300] =	vst v63  }
0xc1: {  	_ =	swait.ge [sflag:s28], $0x4000  }
0xc2: {  	[sflag:s28] =	ssyncset.done $0x0  }
0xc3: {  	[sflag:s28] =	ssyncadd.s32 $0xFFFFC000  }
0xc4: {  	[tilespmem:s2], [sflag:$0x4] =	stream.linear.gather [spmem:s8], $0x4000, $0x38;
	[tilespmem:$0x1C300] =	vst v63  }
0xc5: {  	s18 =	rddreg [dreg:$0x7]  }
0xc6: {  	[hbm4b:s18+s4] =	stream.linear.scatter [tilespmem:s25], [sflag:$0x5], $0x4000, $0x38;
	[tilespmem:$0x1C300] =	vst v63  }
0xc7: {  	_ =	swait.ge [sflag:s26], $0x4000  }
0xc8: {  	[sflag:s26] =	ssyncset.done $0x0  }
0xc9: {  	[sflag:s26] =	ssyncadd.s32 $0xFFFFC000  }
0xca: {  	_ =	swait.ge [sflag:s6], $0x4000  }
0xcb: {  	[sflag:s6] =	ssyncset.done $0x0  }
0xcc: {  	[sflag:s6] =	ssyncadd.s32 $0xFFFFC000  }
0xcd: {  	[tilespmem:s25], [sflag:$0x3] =	stream.linear.gather [spmem:s9], $0x4000, $0x38;
	[tilespmem:$0x1C300] =	vst v63  }
0xce: {  	s19 =	rddreg [dreg:$0x8]  }
0xcf: {  	[hbm4b:s19+s4] =	stream.linear.scatter [tilespmem:s2], [sflag:$0x5], $0x4000, $0x38;
	[tilespmem:$0x1C300] =	vst v63  }
0xd0: {  	_ =	swait.ge [sflag:s26], $0x4000  }
0xd1: {  	[sflag:s26] =	ssyncset.done $0x0  }
0xd2: {  	[sflag:s26] =	ssyncadd.s32 $0xFFFFC000  }
0xd3: {  	_ =	swait.ge [sflag:s28], $0x4000  }
0xd4: {  	[sflag:s28] =	ssyncset.done $0x0  }
0xd5: {  	[sflag:s28] =	ssyncadd.s32 $0xFFFFC000  }
0xd6: {  	[tilespmem:s2], [sflag:$0x4] =	stream.linear.gather [spmem:s10], $0x4000, $0x38;
	[tilespmem:$0x1C300] =	vst v63  }
0xd7: {  	s20 =	rddreg [dreg:$0x9]  }
0xd8: {  	[hbm4b:s20+s4] =	stream.linear.scatter [tilespmem:s25], [sflag:$0x5], $0x4000, $0x38;
	[tilespmem:$0x1C300] =	vst v63  }
0xd9: {  	_ =	swait.ge [sflag:s26], $0x4000  }
0xda: {  	[sflag:s26] =	ssyncset.done $0x0  }
0xdb: {  	[sflag:s26] =	ssyncadd.s32 $0xFFFFC000  }
0xdc: {  	_ =	swait.ge [sflag:s6], $0x4000  }
0xdd: {  	[sflag:s6] =	ssyncset.done $0x0  }
0xde: {  	[sflag:s6] =	ssyncadd.s32 $0xFFFFC000  }
0xdf: {  	[tilespmem:s25], [sflag:$0x3] =	stream.linear.gather [spmem:s12], $0x4000, $0x38;
	[tilespmem:$0x1C300] =	vst v63  }
0xe0: {  	s18 =	rddreg [dreg:$0xa]  }
0xe1: {  	[hbm4b:s18+s4] =	stream.linear.scatter [tilespmem:s2], [sflag:$0x5], $0x4000, $0x38;
	[tilespmem:$0x1C300] =	vst v63  }
0xe2: {  	_ =	swait.ge [sflag:s26], $0x4000  }
0xe3: {  	[sflag:s26] =	ssyncset.done $0x0  }
0xe4: {  	[sflag:s26] =	ssyncadd.s32 $0xFFFFC000  }
0xe5: {  	_ =	swait.ge [sflag:s28], $0x4000  }
0xe6: {  	[sflag:s28] =	ssyncset.done $0x0  }
0xe7: {  	s19 =	rddreg [dreg:$0xb];
	[sflag:s28] =	ssyncadd.s32 $0xFFFFC000  }
0xe8: {  	[hbm4b:s19+s4] =	stream.linear.scatter [tilespmem:s25], [sflag:$0x5], $0x4000, $0x38;
	[tilespmem:$0x1C300] =	vst v63  }
0xe9: {  	_ =	swait.ge [sflag:s26], $0x4000  }
0xea: {  	s16 =	sadd.s32 $0x1, s16;
	s20 =	rddreg [dreg:$0xc]  }
0xeb: {  	p0 =	sne.s32 s16, s20  }
.Ltmp1:
0xec: {  	_ = 	snop;
	(pc) =	sbr.rel @p0 .LBB2_1-.Ltmp1, $3  }
0xed: {  	_ =	sdelay $0x1  }
0xee: {  	[sflag:s26] =	ssyncset.done $0x0  }
0xef: {  	[sflag:s26] =	ssyncadd.s32 $0xFFFFC000  }
0xf0: {  	_ =	sfence.sel $0x180000  }
0xf1: {  	[bflag:$0x0] =	sbarrier.arrive $0xFFFF  }
0xf2: {  	_ =	strace $0x9000004A  }
0xf3: {  	s0 =	stileid.u32;
	[bflag:$0x2] =	sbarrier.arrive $0xFFFF  }
0xf4: {  	p0 =	sne.s32 s0, $0x0;
	s0 =	rddreg [dreg:$0x3]  }
0xf5: {  	s0 =	sadd.s32 @!p0 $0x100000, s0  }
0xf6: {  	[sflag:s0] =	ssyncadd.tile.s32 @!p0 $0x1;
	_ =	shalt  }
.Lfunc_end2:
_tile_overlayer_lowered:
.L_overlay_start_2:
0xf7: {  	(tag) =	ssettag $0x2  }
0xf8: {  	s0 =	rddreg [dreg:$0x0];
	s2 =	stileid.u32  }
0xf9: {  	s1 =	rddreg [dreg:$0x1];
	p0 =	sne.s32 s2, $0x0  }
0xfa: {  	s3 =	rddreg [dreg:$0x2];
	[bflag:$0x3] =	sbarrier.arrive $0xFFFF;
	s2 =	simm.s32 @!p0 $0x1C05  }
0xfb: {  	[timem:s3], [sflag:s2] =	dma.local @!p0 [hbm:s0], s1  }
0xfc: {  	s0 =	simm.s32 @!p0 $0x5  }
0xfd: {  	_ =	swait.ge @!p0 [sflag:s0], s1  }
0xfe: {  	s1 =	ssub.s32 @!p0 $0x0, s1;
	[sflag:s0] =	ssyncset.done @!p0 $0x0  }
0xff: {  	[sflag:s0] =	ssyncadd.s32 @!p0 s1  }
0x100: {  	[bflag:$0x3] =	sbarrier.arrive $0xFFFF  }
0x101: {  	_ =	shalt  }

// kernel: kernel.14.cloned.1.call-start
scs
__scs_entry_jumppad:
0x0: {  	(pc) =	sbr.rel $0x88, $3  }
0x1: {  	(tag) =	ssettag $0x0;
	lr =	simm.s32 $0x1  }
0x2: {  	[smem:$0x3F9B] =	sst lr;
	_ =	strace $0xD0000000  }
0x3: {  	_ = 	snop  }
0x4: {  	_ = 	snop  }
0x5: {  	_ = 	snop  }
0x6: {  	_ = 	snop  }
0x7: {  	_ = 	snop  }
__scs_overlays_trampoline_lowered:
0x8: {  	[smem:$0x3FAA] =	sst s0  }
0x9: {  	[smem:$0x3FAB] =	sst s1  }
0xa: {  	[smem:$0x3FAC] =	sst s2  }
0xb: {  	[smem:$0x3FAD] =	sst s3  }
0xc: {  	[smem:$0x3FAE] =	sst s4  }
0xd: {  	[smem:$0x3FAF] =	sst s5  }
0xe: {  	[smem:$0x3FB0] =	sst s6  }
0xf: {  	[smem:$0x3FB1] =	sst s7  }
0x10: {  	[smem:$0x3FB2] =	sst s8  }
0x11: {  	[smem:$0x3FB3] =	sst s9;
	s0 =	simm.s32 @!p0 $0x0  }
0x12: {  	s1 =	sld [smem:$0x3F99];
	s0 =	simm.s32 @p0 $0x1  }
0x13: {  	[smem:$0x3FB4] =	sst s0;
	s0 =	simm.s32 @!p1 $0x0  }
0x14: {  	s2 =	sld [smem:$0x3F98];
	s0 =	simm.s32 @p1 $0x1  }
0x15: {  	[smem:$0x3FB5] =	sst s0;
	s0 =	simm.s32 @!p2 $0x0  }
0x16: {  	s3 =	sld [smem:$0x3FDB];
	s0 =	simm.s32 @p2 $0x1  }
0x17: {  	s4 =	simm.s32 $0x1BF5;
	[smem:$0x3FB7] =	sst s0  }
0x18: {  	s0 =	sld [smem:$0x3F9A];
	_ =	swait.ge [sflag:s4], $0x0  }
0x19: {  	s7 =	sld [smem:$0x3F9B]  }
0x1a: {  	s8 =	sadd.s32 $0xFFFFE003, lr  }
0x1b: {  	s9 =	sadd.s32 $0xFFFFFEF7, lr;
	s5 =	simm.s32 $0xFFFFFFFF;
	p2 =	slt.u32 s8, $0xFFFFF086  }
0x1c: {  	p1 =	slt.u32 s9, $0xF7A;
	s5 =	simm.s32 @!p2 $0x0  }
0x1d: {  	s5 =	simm.s32 @p1 $0x1;
	p0 =	seq.s32 s7, s2  }
0x1e: {  	s7 =	smul.u32 @!p0 $0xF7A, s2;
	p2 =	seq.s32 @!p0 s5, $0x0  }
0x1f: {  	s9 =	smul.u32 $0xF7A, s1;
	s8 =	simm.s32 @!p0 $0x1BF5;
	p2 =	por !p2, p0  }
0x20: {  	[sflag:s8] =	ssyncset.s32 @!p0 $0xFFFFF086;
	s6 =	sadd.s32 @!p0 s3, s7;
	s7 =	simm.s32 @!p0 $0x108  }
0x21: {  	s3 =	sadd.s32 s3, s9;
	s6 =	sadd.s32 @!p0 $0x88, s6;
	s7 =	simm.s32 @p2 $0x1082  }
0x22: {  	[simem:s7], [sflag:s8] =	dma.local @!p0 [hbm:s6], $0xF7A  }
0x23: {  	s9 =	sor.u32 $0xD0000000, s2;
	s6 =	simm.s32 $0x108;
	_ =	swait.ge @!p0 [sflag:s8], $0x0  }
0x24: {  	s3 =	sadd.s32 $0x88, s3;
	s6 =	simm.s32 @!p1 $0x1082;
	[sflag:s4] =	ssyncset.s32 $0xFFFFF086  }
0x25: {  	[simem:s6], [sflag:s4] =	dma.local [hbm:s3], $0xF7A  }
0x26: {  	[smem:$0x3F9B] =	sst s1;
	(tag) =	ssettag s2;
	_ =	strace s9  }
0x27: {  	s1 =	sld [smem:$0x3FAB]  }
0x28: {  	s2 =	sld [smem:$0x3FAC]  }
0x29: {  	s4 =	sld [smem:$0x3FAE]  }
0x2a: {  	p0 =	seq.s32 s5, $0x0;
	s5 =	sld [smem:$0x3FAF]  }
0x2b: {  	s6 =	sld [smem:$0x3FB0]  }
0x2c: {  	s7 =	sld [smem:$0x3FB1]  }
0x2d: {  	s3 =	simm.s32 $0x108;
	s8 =	sld [smem:$0x3FB2]  }
0x2e: {  	s3 =	simm.s32 @!p0 $0x1082;
	s9 =	sld [smem:$0x3FB3]  }
0x2f: {  	lr =	sadd.s32 s0, s3;
	s0 =	sld [smem:$0x3FAA]  }
0x30: {  	s3 =	sld [smem:$0x3FAD]  }
0x31: {  	[smem:$0x3FB6] =	sst s10  }
0x32: {  	s10 =	sld [smem:$0x3FB4];
	_ =	sdelay $0x3  }
0x33: {  	p0 =	seq.s32 s10, $0x1;
	s10 =	sld [smem:$0x3FB6];
	_ =	sdelay $0x3  }
0x34: {  	[smem:$0x3FB6] =	sst s10  }
0x35: {  	s10 =	sld [smem:$0x3FB5];
	_ =	sdelay $0x3  }
0x36: {  	p1 =	seq.s32 s10, $0x1;
	s10 =	sld [smem:$0x3FB6];
	_ =	sdelay $0x3  }
0x37: {  	[smem:$0x3FB6] =	sst s10  }
0x38: {  	s10 =	sld [smem:$0x3FB7]  }
0x39: {  	_ = 	snop;
	(pc) =	sbr.ind lr, $3  }
0x3a: {  	_ = 	snop  }
0x3b: {  	_ = 	snop  }
0x3c: {  	p2 =	seq.s32 s10, $0x1;
	s10 =	sld [smem:$0x3FB6]  }
0x3d: {  	_ =	shalt  }
0x3e: {  	_ =	shalt  }
0x3f: {  	_ =	shalt  }
0x40: {  	_ =	shalt  }
0x41: {  	_ =	shalt  }
0x42: {  	_ =	shalt  }
0x43: {  	_ =	shalt  }
0x44: {  	_ =	shalt  }
0x45: {  	_ =	shalt  }
0x46: {  	_ =	shalt  }
0x47: {  	_ =	shalt  }
0x48: {  	_ =	shalt  }
0x49: {  	_ =	shalt  }
0x4a: {  	_ =	shalt  }
0x4b: {  	_ =	shalt  }
0x4c: {  	_ =	shalt  }
0x4d: {  	_ =	shalt  }
0x4e: {  	_ =	shalt  }
0x4f: {  	_ =	shalt  }
0x50: {  	_ =	shalt  }
0x51: {  	_ =	shalt  }
0x52: {  	_ =	shalt  }
0x53: {  	_ =	shalt  }
0x54: {  	_ =	shalt  }
0x55: {  	_ =	shalt  }
0x56: {  	_ =	shalt  }
0x57: {  	_ =	shalt  }
0x58: {  	_ =	shalt  }
0x59: {  	_ =	shalt  }
0x5a: {  	_ =	shalt  }
0x5b: {  	_ =	shalt  }
0x5c: {  	_ =	shalt  }
0x5d: {  	_ =	shalt  }
0x5e: {  	_ =	shalt  }
0x5f: {  	_ =	shalt  }
0x60: {  	_ =	shalt  }
0x61: {  	_ =	shalt  }
0x62: {  	_ =	shalt  }
0x63: {  	_ =	shalt  }
0x64: {  	_ =	shalt  }
0x65: {  	_ =	shalt  }
0x66: {  	_ =	shalt  }
0x67: {  	_ =	shalt  }
0x68: {  	_ =	shalt  }
0x69: {  	_ =	shalt  }
0x6a: {  	_ =	shalt  }
0x6b: {  	_ =	shalt  }
0x6c: {  	_ =	shalt  }
0x6d: {  	_ =	shalt  }
0x6e: {  	_ =	shalt  }
0x6f: {  	_ =	shalt  }
0x70: {  	_ =	shalt  }
0x71: {  	_ =	shalt  }
0x72: {  	_ =	shalt  }
0x73: {  	_ =	shalt  }
0x74: {  	_ =	shalt  }
0x75: {  	_ =	shalt  }
0x76: {  	_ =	shalt  }
0x77: {  	_ =	shalt  }
0x78: {  	_ =	shalt  }
0x79: {  	_ =	shalt  }
0x7a: {  	_ =	shalt  }
0x7b: {  	_ =	shalt  }
0x7c: {  	_ =	shalt  }
0x7d: {  	_ =	shalt  }
0x7e: {  	_ =	shalt  }
0x7f: {  	_ =	shalt  }
0x80: {  	_ =	shalt  }
0x81: {  	_ =	shalt  }
0x82: {  	_ =	shalt  }
0x83: {  	_ =	shalt  }
0x84: {  	_ =	shalt  }
0x85: {  	_ =	shalt  }
0x86: {  	_ =	shalt  }
0x87: {  	_ =	shalt  }
.Lfunc_end0:
.L_simem_size_0:
called_computation.2_lowered:
.L_overlay_start_0:
0x88: {  	s2 =	sld [smem:$0x3FD9]  }
0x89: {  	s3 =	sld [smem:$0x3FFE];
	_ =	sdelay $0x1  }
0x8a: {  	s1 =	srdreg.scid  }
0x8b: {  	s0 =	sand.u32 $0x1, s1  }
0x8c: {  	s17 =	sshll.u32 s0, $0xA;
	s2 =	sadd.s32 s3, s2  }
0x8d: {  	s2 =	sadd.s32 s2, s17  }
0x8e: {  	[smem:$0x3FC2] =	sst s2  }
0x8f: {  	_ = 	snop  }
0x90: {  	s2 =	sld [smem:$0x3FD0];
	(tm) =	ssettm $0x1  }
0x91: {  	s18 =	sld [smem:$0x3FFB];
	_ =	sdelay $0x3  }
0x92: {  	_ =	strace s18  }
0x93: {  	s3 =	sld [smem:$0x3FFC];
	_ =	sdelay $0x3  }
0x94: {  	_ =	strace s3  }
0x95: {  	s3 =	sld [smem:$0x3FFD];
	_ =	sdelay $0x3  }
0x96: {  	_ =	strace s3  }
0x97: {  	_ =	strace $0x8FFFFFFF  }
0x98: {  	s19 =	sld [smem:$0x3FDB];
	_ =	sdelay $0x1  }
0x99: {  	s4 =	simm.s32 $_scs_section_size  }
0x9a: {  	s5 =	simm.s32 $_size__tile_overlayer_lowered;
	s6 =	simm.s32 $_tile_overlayer_lowered  }
0x9b: {  	s22 =	simm.s32 $0x1BFF;
	s21 =	sshll.u32 s6, $0x1;
	s3 =	sadd.s32 s4, s19  }
0x9c: {  	s7 =	simm.s32 $0x0;
	s20 =	sshll.u32 s5, $0x1;
	s5 =	sadd.s32 s21, s3  }
0x9d: {  	[timem:s7], [sflag:s22] =	dma.local [hbm:s5], s20  }
0x9e: {  	_ =	swait.ge [sflag:s22], s20  }
0x9f: {  	s4 =	ssub.s32 $0x0, s20;
	[sflag:s22] =	ssyncset.done $0x0  }
0xa0: {  	[sflag:s22] =	ssyncadd.s32 s4;
	_ =	sdelay $0x1  }
0xa1: {  	s23 =	simm.s32 $0x1B8B  }
0xa2: {  	_ =	swait.ge [sflag:s23], $0x1  }
0xa3: {  	[sflag:s23] =	ssyncset.done $0x0  }
0xa4: {  	s25 =	simm.s32 $0x1B8E;
	s24 =	sld [smem:$0x3FFE];
	[sflag:s23] =	ssyncadd.s32 $0xFFFFFFFF  }
0xa5: {  	s26 =	simm.s32 $execute0_lowered;
	[smem:$0x3FD2] =	sst s25  }
0xa6: {  	s5 =	sshll.u32 s26, $0x1;
	_ =	strace $0x8000004C;
	[dreg:$0x1] =	wrdreg $0xFFFFFFFF  }
0xa7: {  	s28 =	simm.s32 $_size_execute0_lowered;
	s3 =	sadd.s32 s3, s5;
	[dreg:$0x0] =	wrdreg $0x0  }
0xa8: {  	s5 =	sshll.u32 s28, $0x1;
	[dreg:$0x2] =	wrdreg s3  }
0xa9: {  	[dreg:$0x3] =	wrdreg s5  }
0xaa: {  	[dreg:$0x4] =	wrdreg $0xC0  }
0xab: {  	_ =	task [dreg:s7], $0x5FFFF  }
0xac: {  	[dreg:$0x1] =	wrdreg $0xFFFFFFFF  }
0xad: {  	[dreg:$0x0] =	wrdreg $0x60  }
0xae: {  	[dreg:$0x2] =	wrdreg s2  }
0xaf: {  	[dreg:$0x3] =	wrdreg s24  }
0xb0: {  	[dreg:$0x4] =	wrdreg $0x83000  }
0xb1: {  	[dreg:$0x5] =	wrdreg $0x9  }
0xb2: {  	_ =	task.clear_ibuf [dreg:s7], $0x6FFFF;
	_ =	strace $0x9000004C  }
0xb3: {  	s29 =	simm.s32 $0x9;
	_ =	strace $0x8000004E  }
0xb4: {  	_ =	swait.ge [sflag:s29], $0x1  }
0xb5: {  	[sflag:s29] =	ssyncadd.s32 $0xFFFFFFFF  }
0xb6: {  	_ =	strace $0x9000004E  }
0xb7: {  	_ =	sfence  }
0xb8: {  	s30 =	sld [smem:$0x0];
	_ =	sdelay $0x2  }
0xb9: {  	s31 =	sshll.u32 s1, $0xD;
	s1 =	sshrl.u32 s1, $0x2  }
0xba: {  	s3 =	sand.u32 $0x4000, s31;
	s1 =	sadd.s32 s1, s30  }
0xbb: {  	s0 =	sor.u32 s3, s0;
	s1 =	sshll.u32 s1, $0x11  }
0xbc: {  	s0 =	sor.u32 s1, s0  }
0xbd: {  	s0 =	sadd.s32 $0x8F2B, s0  }
0xbe: {  	[sflag:s0] =	ssyncadd.remote.s32 $0x1  }
0xbf: {  	_ =	sfence.sel $0xFFFF  }
0xc0: {  	[dreg:$0x0] =	wrdreg $0xFFFFFFFF;
	(pc) =	sbr.abs _section_cstart, $3  }
0xc1: {  	[dreg:$0x1] =	wrdreg $0xFFFFFFFF  }
0xc2: {  	_ =	task.clear_ibuf [dreg:s7], $0x2FFFF;
	_ =	strace $0x9FFFFFFF  }
0xc3: {  	(tm) =	ssettm $0x7FFFFFFF  }
tec
execute0_lowered:
.L_overlay_start_1:
0x0: {  	(tag) =	ssettag $0x1  }
0x1: {  	s1 =	rddreg [dreg:$0x0]  }
0x2: {  	s0 =	rddreg [dreg:$0x1]  }
0x3: {  	s3 =	rddreg [dreg:$0x2]  }
0x4: {  	s2 =	srdreg.scid;
	s21 =	stileid.u32;
	s4 =	simm.s32 $0x0  }
0x5: {  	s28 =	simm.s32 $0x3;
	s29 =	simm.s32 $0x1;
	s30 =	simm.s32 $0x80  }
0x6: {  	s31 =	simm.s32 $0x100;
	s2 =	sand.u32 $0x1, s2;
	s5 =	sshll.u32 s21, $0x1  }
0x7: {  	[smem:$0x7FF] =	sst s4;
	s8 =	smul.u32 $0x50000, s21;
	s9 =	sadd.s32 $0x66600, s0  }
0x8: {  	s14 =	smul.u32 $0x14000, s21;
	s6 =	sor.u32 s2, s5;
	_ =	strace $0x8000004D  }
0x9: {  	s5 =	sadd.s32 $0x2E00, s0;
	s22 =	ssub.s32 $0x2, s2;
	s19 =	smul.u32 $0x140000, s2  }
0xa: {  	[dreg:$0x4] =	wrdreg s9;
	s2 =	smul.u32 $0x4E00, s2;
	s7 =	sshll.u32 s6, $0x5  }
0xb: {  	s23 =	sshrl.u32 s22, $0x1;
	s24 =	sshrl.u32 s8, $0x2;
	s16 =	sadd.s32 $0x4000, s14  }
0xc: {  	s17 =	sadd.s32 $0x8000, s14;
	s6 =	smul.u32 $0x4E00, s6;
	s18 =	sadd.s32 $0xC000, s14  }
0xd: {  	s20 =	sadd.s32 $0x10000, s14;
	s13 =	sadd.s32 s7, s0;
	s0 =	sadd.s32 $0x66E00, s0  }
0xe: {  	s15 =	ssub.s32 s22, s23;
	s7 =	sadd.s32 s24, s3;
	s8 =	sadd.s32 s16, s3  }
0xf: {  	s9 =	sadd.s32 s17, s3;
	s10 =	sadd.s32 s18, s3;
	s12 =	sadd.s32 s20, s3  }
0x10: {  	s25 =	sadd.s32 s14, s19;
	s26 =	sadd.s32 s19, s16;
	s14 =	sadd.s32 s19, s17  }
0x11: {  	s17 =	smul.u32 $0x9C00, s21;
	s18 =	sadd.s32 s19, s18;
	s20 =	sadd.s32 s19, s20  }
0x12: {  	s6 =	sshrl.u32 s6, $0x3;
	s13 =	sadd.s32 $0x2A00, s13;
	s16 =	sshrl.u32 s14, $0x3  }
0x13: {  	s21 =	sshrl.u32 s18, $0x3;
	s22 =	sshrl.u32 s20, $0x3;
	s24 =	smax.u32 s15, $0x1  }
0x14: {  	s14 =	simm.s32 $0x200;
	s15 =	simm.s32 $0x10;
	s11 =	sadd.s32 s5, s6  }
0x15: {  	[dreg:$0x6] =	wrdreg s13;
	s13 =	sshrl.u32 s26, $0x3;
	s23 =	sadd.s32 s2, s17  }
0x16: {  	[dreg:$0xc] =	wrdreg s24;
	s2 =	simm.s32 $0x4300;
	s6 =	sadd.s32 $0x20, s11  }
0x17: {  	[dreg:$0x5] =	wrdreg s6;
	s6 =	sshrl.u32 s25, $0x3;
	s25 =	sadd.s32 $0x300, s23  }
0x18: {  	s23 =	sadd.s32 $0x200, s23;
	s6 =	sadd.s32 s0, s6;
	s26 =	sshrl.u32 s25, $0x3  }
0x19: {  	s25 =	simm.s32 $0x300;
	[dreg:$0x7] =	wrdreg s6;
	s6 =	sadd.s32 s0, s13  }
0x1a: {  	s24 =	sadd.s32 s26, s5;
	s26 =	simm.s32 $0x5;
	s13 =	simm.s32 $0x180  }
0x1b: {  	[dreg:$0x8] =	wrdreg s6;
	s6 =	sadd.s32 s0, s16;
	s16 =	simm.s32 $0x0  }
0x1c: {  	[dreg:$0x9] =	wrdreg s6;
	s6 =	sadd.s32 s0, s21;
	s0 =	sadd.s32 s0, s22  }
0x1d: {  	s21 =	sadd.s32 $0x9A0, s11;
	s22 =	sadd.s32 $0x980, s11;
	[dreg:$0xa] =	wrdreg s6  }
0x1e: {  	[dreg:$0xb] =	wrdreg s0;
	s0 =	simm.s32 $0x2;
	s6 =	simm.s32 $0x4  }
.LBB2_1:
0x1f: {  	s17 =	rddreg [dreg:$0x4]  }
0x20: {  	[tilespmem:s25], [sflag:$0x5] =	stream.linear.gather [hbm4b:s17+s4], $0x4000, $0x38;
	[tilespmem:$0x1C300] =	vst v63  }
0x21: {  	_ =	swait.ge [sflag:s26], $0x4000  }
0x22: {  	[sflag:s26] =	ssyncset.done $0x0  }
0x23: {  	[sflag:s26] =	ssyncadd.s32 $0xFFFFC000  }
0x24: {  	[spmem:s7] =	stream.linear.scatter [tilespmem:s25], [sflag:$0x3], $0x4000, $0x38;
	[tilespmem:$0x1C300] =	vst v63  }
0x25: {  	_ = 	snop  }
0x26: {  	[spmem:s8] =	stream.linear.scatter [tilespmem:s25], [sflag:$0x3], $0x4000, $0x38;
	[tilespmem:$0x1C300] =	vst v63  }
0x27: {  	_ = 	snop  }
0x28: {  	[spmem:s9] =	stream.linear.scatter [tilespmem:s25], [sflag:$0x3], $0x4000, $0x38;
	[tilespmem:$0x1C300] =	vst v63  }
0x29: {  	_ = 	snop  }
0x2a: {  	[spmem:s10] =	stream.linear.scatter [tilespmem:s25], [sflag:$0x3], $0x4000, $0x38;
	[tilespmem:$0x1C300] =	vst v63  }
0x2b: {  	_ = 	snop  }
0x2c: {  	[spmem:s12] =	stream.linear.scatter [tilespmem:s25], [sflag:$0x3], $0x4000, $0x38;
	[tilespmem:$0x1C300] =	vst v63  }
0x2d: {  	_ =	swait.ge [sflag:s28], $0x4000  }
0x2e: {  	[sflag:s28] =	ssyncset.done $0x0  }
0x2f: {  	[sflag:s28] =	ssyncadd.s32 $0xFFFFC000  }
0x30: {  	_ =	swait.ge [sflag:s28], $0x4000  }
0x31: {  	[sflag:s28] =	ssyncset.done $0x0  }
0x32: {  	[sflag:s28] =	ssyncadd.s32 $0xFFFFC000  }
0x33: {  	_ =	swait.ge [sflag:s28], $0x4000  }
0x34: {  	[sflag:s28] =	ssyncset.done $0x0  }
0x35: {  	[sflag:s28] =	ssyncadd.s32 $0xFFFFC000  }
0x36: {  	_ =	swait.ge [sflag:s28], $0x4000  }
0x37: {  	[sflag:s28] =	ssyncset.done $0x0  }
0x38: {  	[sflag:s28] =	ssyncadd.s32 $0xFFFFC000  }
0x39: {  	_ =	swait.ge [sflag:s28], $0x4000  }
0x3a: {  	[sflag:s28] =	ssyncset.done $0x0  }
0x3b: {  	[sflag:s28] =	ssyncadd.s32 $0xFFFFC000  }
0x3c: {  	[bflag:$0x0] =	sbarrier.arrive $0xFFFF  }
0x3d: {  	[tilespmem:s4], [sflag:$0x1] =	stream.linear.gather [hbm4b:s11+s4], $0x100, $0x38;
	[tilespmem:$0x1C300] =	vst v63  }
0x3e: {  	_ =	swait.ge [sflag:s29], $0x100  }
0x3f: {  	[sflag:s29] =	ssyncset.done $0x0  }
0x40: {  	[sflag:s29] =	ssyncadd.s32 $0xFFFFFF00  }
0x41: {  	[tilespmem:s25], [sflag:$0x3] =	stream.indirect.gather [hbm4b:s1+s30], $0x80, s4, s30, $0xb8;
	[tilespmem:$0x1C300] =	vst v63  }
0x42: {  	s19 =	rddreg [dreg:$0x5]  }
0x43: {  	[tilespmem:s31], [sflag:$0x2] =	stream.linear.gather [hbm4b:s19+s4], $0x100, $0x38;
	[tilespmem:$0x1C300] =	vst v63  }
0x44: {  	_ =	swait.ge [sflag:s28], $0x4000  }
0x45: {  	[sflag:s28] =	ssyncset.done $0x0  }
0x46: {  	[sflag:s28] =	ssyncadd.s32 $0xFFFFC000  }
0x47: {  	_ =	swait.ge [sflag:s0], $0x100  }
0x48: {  	[sflag:s0] =	ssyncset.done $0x0  }
0x49: {  	[sflag:s0] =	ssyncadd.s32 $0xFFFFFF00  }
0x4a: {  	[tilespmem:s2], [sflag:$0x4] =	stream.indirect.gather [hbm4b:s1+s30], $0x80, s31, s30, $0xb8;
	[tilespmem:$0x1C300] =	vst v63  }
0x4b: {  	_ = 	snop  }
0x4c: {  	[spmem:s3] =	stream.indirect.scatter.add.f32 [tilespmem:s25], [sflag:$0x5], $0x80, s30, s30, $0xb8;
	[tilespmem:$0x1C300] =	vst v63  }
0x4d: {  	_ =	swait.ge [sflag:s26], $0x4000  }
0x4e: {  	s20 =	sshrl.u32 s23, $0x3;
	[sflag:s26] =	ssyncset.done $0x0  }
0x4f: {  	s17 =	sadd.s32 s5, s20;
	[sflag:s26] =	ssyncadd.s32 $0xFFFFC000  }
0x50: {  	[tilespmem:s4], [sflag:$0x1] =	stream.linear.gather [hbm4b:s17+s4], $0x100, $0x38;
	[tilespmem:$0x1C300] =	vst v63  }
0x51: {  	_ =	swait.ge [sflag:s6], $0x4000  }
0x52: {  	[sflag:s6] =	ssyncset.done $0x0  }
0x53: {  	[sflag:s6] =	ssyncadd.s32 $0xFFFFC000  }
0x54: {  	_ =	swait.ge [sflag:s29], $0x100  }
0x55: {  	[sflag:s29] =	ssyncset.done $0x0  }
0x56: {  	[sflag:s29] =	ssyncadd.s32 $0xFFFFFF00  }
0x57: {  	[tilespmem:s25], [sflag:$0x3] =	stream.indirect.gather [hbm4b:s1+s30], $0x80, s4, s30, $0xb8;
	[tilespmem:$0x1C300] =	vst v63  }
0x58: {  	_ = 	snop  }
0x59: {  	[spmem:s3] =	stream.indirect.scatter.add.f32 [tilespmem:s2], [sflag:$0x5], $0x80, s13, s30, $0xb8;
	[tilespmem:$0x1C300] =	vst v63  }
0x5a: {  	_ =	swait.ge [sflag:s26], $0x4000  }
0x5b: {  	s18 =	sadd.s32 $0x200, s23;
	[sflag:s26] =	ssyncset.done $0x0  }
0x5c: {  	s19 =	sadd.s32 $0x0, s24;
	s17 =	simm.s32 $0x40;
	[sflag:s26] =	ssyncadd.s32 $0xFFFFC000  }
.LBB2_2:
0x5d: {  	[tilespmem:s31], [sflag:$0x2] =	stream.linear.gather [hbm4b:s19+s4], $0x100, $0x38;
	[tilespmem:$0x1C300] =	vst v63  }
0x5e: {  	s19 =	smov.u32 s17  }
0x5f: {  	p0 =	sne.s32 s17, $0x900;
	s17 =	sadd.s32 $0x40, s17;
	_ =	swait.ge [sflag:s28], $0x4000  }
0x60: {  	[sflag:s28] =	ssyncset.done $0x0  }
0x61: {  	[sflag:s28] =	ssyncadd.s32 $0xFFFFC000  }
0x62: {  	_ =	swait.ge [sflag:s0], $0x100  }
0x63: {  	[sflag:s0] =	ssyncset.done $0x0  }
0x64: {  	[sflag:s0] =	ssyncadd.s32 $0xFFFFFF00  }
0x65: {  	[tilespmem:s2], [sflag:$0x4] =	stream.indirect.gather [hbm4b:s1+s30], $0x80, s31, s30, $0xb8;
	[tilespmem:$0x1C300] =	vst v63  }
0x66: {  	_ = 	snop  }
0x67: {  	[spmem:s3] =	stream.indirect.scatter.add.f32 [tilespmem:s25], [sflag:$0x5], $0x80, s30, s30, $0xb8;
	[tilespmem:$0x1C300] =	vst v63  }
0x68: {  	_ =	swait.ge [sflag:s26], $0x4000  }
0x69: {  	s20 =	sshrl.u32 s18, $0x3;
	[sflag:s26] =	ssyncset.done $0x0  }
0x6a: {  	s20 =	sadd.s32 s5, s20;
	[sflag:s26] =	ssyncadd.s32 $0xFFFFC000  }
0x6b: {  	[tilespmem:s4], [sflag:$0x1] =	stream.linear.gather [hbm4b:s20+s4], $0x100, $0x38;
	[tilespmem:$0x1C300] =	vst v63  }
0x6c: {  	_ =	swait.ge [sflag:s6], $0x4000  }
0x6d: {  	[sflag:s6] =	ssyncset.done $0x0  }
0x6e: {  	[sflag:s6] =	ssyncadd.s32 $0xFFFFC000  }
0x6f: {  	_ =	swait.ge [sflag:s29], $0x100  }
0x70: {  	[sflag:s29] =	ssyncset.done $0x0  }
0x71: {  	[sflag:s29] =	ssyncadd.s32 $0xFFFFFF00  }
0x72: {  	[tilespmem:s25], [sflag:$0x3] =	stream.indirect.gather [hbm4b:s1+s30], $0x80, s4, s30, $0xb8;
	[tilespmem:$0x1C300] =	vst v63  }
.Ltmp0:
0x73: {  	(pc) =	sbr.rel @p0 .LBB2_2-.Ltmp0, $4  }
0x74: {  	[spmem:s3] =	stream.indirect.scatter.add.f32 [tilespmem:s2], [sflag:$0x5], $0x80, s13, s30, $0xb8;
	[tilespmem:$0x1C300] =	vst v63  }
0x75: {  	_ =	swait.ge [sflag:s26], $0x4000  }
0x76: {  	[sflag:s26] =	ssyncset.done $0x0  }
0x77: {  	s18 =	sadd.s32 $0x200, s18;
	s19 =	sadd.s32 s19, s24;
	[sflag:s26] =	ssyncadd.s32 $0xFFFFC000  }
0x78: {  	[tilespmem:s31], [sflag:$0x2] =	stream.linear.gather [hbm4b:s19+s4], $0x100, $0x38;
	[tilespmem:$0x1C300] =	vst v63  }
0x79: {  	_ =	swait.ge [sflag:s28], $0x4000  }
0x7a: {  	[sflag:s28] =	ssyncset.done $0x0  }
0x7b: {  	[sflag:s28] =	ssyncadd.s32 $0xFFFFC000  }
0x7c: {  	_ =	swait.ge [sflag:s0], $0x100  }
0x7d: {  	[sflag:s0] =	ssyncset.done $0x0  }
0x7e: {  	[sflag:s0] =	ssyncadd.s32 $0xFFFFFF00  }
0x7f: {  	[tilespmem:s2], [sflag:$0x4] =	stream.indirect.gather [hbm4b:s1+s30], $0x80, s31, s30, $0xb8;
	[tilespmem:$0x1C300] =	vst v63  }
0x80: {  	_ = 	snop  }
0x81: {  	[spmem:s3] =	stream.indirect.scatter.add.f32 [tilespmem:s25], [sflag:$0x5], $0x80, s30, s30, $0xb8;
	[tilespmem:$0x1C300] =	vst v63  }
0x82: {  	_ =	swait.ge [sflag:s26], $0x4000  }
0x83: {  	[sflag:s26] =	ssyncset.done $0x0  }
0x84: {  	[sflag:s26] =	ssyncadd.s32 $0xFFFFC000  }
0x85: {  	[tilespmem:s4], [sflag:$0x1] =	stream.linear.gather [hbm4b:s22+s4], $0x100, $0x38;
	[tilespmem:$0x1C300] =	vst v63  }
0x86: {  	_ =	swait.ge [sflag:s6], $0x4000  }
0x87: {  	[sflag:s6] =	ssyncset.done $0x0  }
0x88: {  	[sflag:s6] =	ssyncadd.s32 $0xFFFFC000  }
0x89: {  	_ =	swait.ge [sflag:s29], $0x100  }
0x8a: {  	[sflag:s29] =	ssyncset.done $0x0  }
0x8b: {  	[sflag:s29] =	ssyncadd.s32 $0xFFFFFF00  }
0x8c: {  	[tilespmem:s25], [sflag:$0x3] =	stream.indirect.gather [hbm4b:s1+s30], $0x80, s4, s30, $0xb8;
	[tilespmem:$0x1C300] =	vst v63  }
0x8d: {  	_ = 	snop  }
0x8e: {  	[spmem:s3] =	stream.indirect.scatter.add.f32 [tilespmem:s2], [sflag:$0x5], $0x80, s13, s30, $0xb8;
	[tilespmem:$0x1C300] =	vst v63  }
0x8f: {  	_ =	swait.ge [sflag:s26], $0x4000  }
0x90: {  	[sflag:s26] =	ssyncset.done $0x0  }
0x91: {  	[sflag:s26] =	ssyncadd.s32 $0xFFFFC000  }
0x92: {  	[tilespmem:s31], [sflag:$0x2] =	stream.linear.gather [hbm4b:s21+s4], $0x100, $0x38;
	[tilespmem:$0x1C300] =	vst v63  }
0x93: {  	_ =	swait.ge [sflag:s28], $0x4000  }
0x94: {  	[sflag:s28] =	ssyncset.done $0x0  }
0x95: {  	[sflag:s28] =	ssyncadd.s32 $0xFFFFC000  }
0x96: {  	_ =	swait.ge [sflag:s0], $0x100  }
0x97: {  	[sflag:s0] =	ssyncset.done $0x0  }
0x98: {  	[sflag:s0] =	ssyncadd.s32 $0xFFFFFF00  }
0x99: {  	[tilespmem:s2], [sflag:$0x4] =	stream.indirect.gather [hbm4b:s1+s30], $0x80, s31, s30, $0xb8;
	[tilespmem:$0x1C300] =	vst v63  }
0x9a: {  	_ = 	snop  }
0x9b: {  	[spmem:s3] =	stream.indirect.scatter.add.f32 [tilespmem:s25], [sflag:$0x5], $0x80, s30, s30, $0xb8;
	[tilespmem:$0x1C300] =	vst v63  }
0x9c: {  	_ =	swait.ge [sflag:s26], $0x4000  }
0x9d: {  	[sflag:s26] =	ssyncset.done $0x0  }
0x9e: {  	[sflag:s26] =	ssyncadd.s32 $0xFFFFC000  }
0x9f: {  	[tilespmem:s4], [sflag:$0x1] =	stream.linear.gather [hbm4b:s21+s4], $0x100, $0x38;
	[tilespmem:$0x1C300] =	vst v63  }
0xa0: {  	_ =	swait.ge [sflag:s6], $0x4000  }
0xa1: {  	[sflag:s6] =	ssyncset.done $0x0  }
0xa2: {  	[sflag:s6] =	ssyncadd.s32 $0xFFFFC000  }
0xa3: {  	_ =	swait.ge [sflag:s29], $0x100  }
0xa4: {  	[sflag:s29] =	ssyncset.done $0x0  }
0xa5: {  	[sflag:s29] =	ssyncadd.s32 $0xFFFFFF00  }
0xa6: {  	[tilespmem:s25], [sflag:$0x3] =	stream.indirect.gather [hbm4b:s1+s30], $0x80, s4, s30, $0xb8;
	[tilespmem:$0x1C300] =	vst v63  }
0xa7: {  	_ = 	snop  }
0xa8: {  	[spmem:s3] =	stream.indirect.scatter.add.f32 [tilespmem:s2], [sflag:$0x5], $0x80, s13, s30, $0xb8;
	[tilespmem:$0x1C300] =	vst v63  }
0xa9: {  	_ =	swait.ge [sflag:s26], $0x4000  }
0xaa: {  	[sflag:s26] =	ssyncset.done $0x0  }
0xab: {  	[sflag:s26] =	ssyncadd.s32 $0xFFFFC000  }
0xac: {  	[tilespmem:s31], [sflag:$0x2] =	stream.linear.gather [hbm4b:s21+s4], $0x100, $0x38;
	[tilespmem:$0x1C300] =	vst v63  }
0xad: {  	_ =	swait.ge [sflag:s28], $0x4000  }
0xae: {  	[sflag:s28] =	ssyncset.done $0x0  }
0xaf: {  	[sflag:s28] =	ssyncadd.s32 $0xFFFFC000  }
0xb0: {  	_ =	swait.ge [sflag:s0], $0x100  }
0xb1: {  	[sflag:s0] =	ssyncset.done $0x0  }
0xb2: {  	s17 =	rddreg [dreg:$0x6];
	[sflag:s0] =	ssyncadd.s32 $0xFFFFFF00  }
0xb3: {  	[tilespmem:s14], [sflag:$0x5] =	stream.linear.gather [hbm4b:s17+s4], $0x100, $0x38;
	[tilespmem:$0x1C300] =	vst v63  }
0xb4: {  	_ =	swait.ge [sflag:s26], $0x100  }
0xb5: {  	[sflag:s26] =	ssyncset.done $0x0  }
0xb6: {  	[sflag:s26] =	ssyncadd.s32 $0xFFFFFF00  }
0xb7: {  	[tilespmem:s25], [sflag:$0x3] =	stream.indirect.gather [hbm4b:s1+s15], $0x80, s14, s15, $0xb8;
	[tilespmem:$0x1C300] =	vst v63  }
0xb8: {  	_ =	swait.ge [sflag:s28], $0x800  }
0xb9: {  	[sflag:s28] =	ssyncset.done $0x0  }
0xba: {  	s20 =	simm.s32 $0x280;
	[sflag:s28] =	ssyncadd.s32 $0xFFFFF800  }
0xbb: {  	[spmem:s3] =	stream.indirect.scatter.add.f32 [tilespmem:s25], [sflag:$0x5], $0x80, s20, s15, $0xb8;
	[tilespmem:$0x1C300] =	vst v63  }
0xbc: {  	_ =	swait.ge [sflag:s26], $0x800  }
0xbd: {  	[sflag:s26] =	ssyncset.done $0x0  }
0xbe: {  	[sflag:s26] =	ssyncadd.s32 $0xFFFFF800  }
0xbf: {  	[bflag:$0x0] =	sbarrier.arrive $0xFFFF  }
0xc0: {  	[tilespmem:s25], [sflag:$0x3] =	stream.linear.gather [spmem:s7], $0x4000, $0x38;
	[tilespmem:$0x1C300] =	vst v63  }
0xc1: {  	_ =	swait.ge [sflag:s28], $0x4000  }
0xc2: {  	[sflag:s28] =	ssyncset.done $0x0  }
0xc3: {  	[sflag:s28] =	ssyncadd.s32 $0xFFFFC000  }
0xc4: {  	[tilespmem:s2], [sflag:$0x4] =	stream.linear.gather [spmem:s8], $0x4000, $0x38;
	[tilespmem:$0x1C300] =	vst v63  }
0xc5: {  	s18 =	rddreg [dreg:$0x7]  }
0xc6: {  	[hbm4b:s18+s4] =	stream.linear.scatter [tilespmem:s25], [sflag:$0x5], $0x4000, $0x38;
	[tilespmem:$0x1C300] =	vst v63  }
0xc7: {  	_ =	swait.ge [sflag:s26], $0x4000  }
0xc8: {  	[sflag:s26] =	ssyncset.done $0x0  }
0xc9: {  	[sflag:s26] =	ssyncadd.s32 $0xFFFFC000  }
0xca: {  	_ =	swait.ge [sflag:s6], $0x4000  }
0xcb: {  	[sflag:s6] =	ssyncset.done $0x0  }
0xcc: {  	[sflag:s6] =	ssyncadd.s32 $0xFFFFC000  }
0xcd: {  	[tilespmem:s25], [sflag:$0x3] =	stream.linear.gather [spmem:s9], $0x4000, $0x38;
	[tilespmem:$0x1C300] =	vst v63  }
0xce: {  	s19 =	rddreg [dreg:$0x8]  }
0xcf: {  	[hbm4b:s19+s4] =	stream.linear.scatter [tilespmem:s2], [sflag:$0x5], $0x4000, $0x38;
	[tilespmem:$0x1C300] =	vst v63  }
0xd0: {  	_ =	swait.ge [sflag:s26], $0x4000  }
0xd1: {  	[sflag:s26] =	ssyncset.done $0x0  }
0xd2: {  	[sflag:s26] =	ssyncadd.s32 $0xFFFFC000  }
0xd3: {  	_ =	swait.ge [sflag:s28], $0x4000  }
0xd4: {  	[sflag:s28] =	ssyncset.done $0x0  }
0xd5: {  	[sflag:s28] =	ssyncadd.s32 $0xFFFFC000  }
0xd6: {  	[tilespmem:s2], [sflag:$0x4] =	stream.linear.gather [spmem:s10], $0x4000, $0x38;
	[tilespmem:$0x1C300] =	vst v63  }
0xd7: {  	s20 =	rddreg [dreg:$0x9]  }
0xd8: {  	[hbm4b:s20+s4] =	stream.linear.scatter [tilespmem:s25], [sflag:$0x5], $0x4000, $0x38;
	[tilespmem:$0x1C300] =	vst v63  }
0xd9: {  	_ =	swait.ge [sflag:s26], $0x4000  }
0xda: {  	[sflag:s26] =	ssyncset.done $0x0  }
0xdb: {  	[sflag:s26] =	ssyncadd.s32 $0xFFFFC000  }
0xdc: {  	_ =	swait.ge [sflag:s6], $0x4000  }
0xdd: {  	[sflag:s6] =	ssyncset.done $0x0  }
0xde: {  	[sflag:s6] =	ssyncadd.s32 $0xFFFFC000  }
0xdf: {  	[tilespmem:s25], [sflag:$0x3] =	stream.linear.gather [spmem:s12], $0x4000, $0x38;
	[tilespmem:$0x1C300] =	vst v63  }
0xe0: {  	s18 =	rddreg [dreg:$0xa]  }
0xe1: {  	[hbm4b:s18+s4] =	stream.linear.scatter [tilespmem:s2], [sflag:$0x5], $0x4000, $0x38;
	[tilespmem:$0x1C300] =	vst v63  }
0xe2: {  	_ =	swait.ge [sflag:s26], $0x4000  }
0xe3: {  	[sflag:s26] =	ssyncset.done $0x0  }
0xe4: {  	[sflag:s26] =	ssyncadd.s32 $0xFFFFC000  }
0xe5: {  	_ =	swait.ge [sflag:s28], $0x4000  }
0xe6: {  	[sflag:s28] =	ssyncset.done $0x0  }
0xe7: {  	s19 =	rddreg [dreg:$0xb];
	[sflag:s28] =	ssyncadd.s32 $0xFFFFC000  }
0xe8: {  	[hbm4b:s19+s4] =	stream.linear.scatter [tilespmem:s25], [sflag:$0x5], $0x4000, $0x38;
	[tilespmem:$0x1C300] =	vst v63  }
0xe9: {  	_ =	swait.ge [sflag:s26], $0x4000  }
0xea: {  	s16 =	sadd.s32 $0x1, s16;
	s20 =	rddreg [dreg:$0xc]  }
0xeb: {  	p0 =	sne.s32 s16, s20  }
.Ltmp1:
0xec: {  	_ = 	snop;
	(pc) =	sbr.rel @p0 .LBB2_1-.Ltmp1, $3  }
0xed: {  	_ =	sdelay $0x1  }
0xee: {  	[sflag:s26] =	ssyncset.done $0x0  }
0xef: {  	[sflag:s26] =	ssyncadd.s32 $0xFFFFC000  }
0xf0: {  	_ =	sfence.sel $0x180000  }
0xf1: {  	[bflag:$0x0] =	sbarrier.arrive $0xFFFF  }
0xf2: {  	_ =	strace $0x9000004D  }
0xf3: {  	s0 =	stileid.u32;
	[bflag:$0x2] =	sbarrier.arrive $0xFFFF  }
0xf4: {  	p0 =	sne.s32 s0, $0x0;
	s0 =	rddreg [dreg:$0x3]  }
0xf5: {  	s0 =	sadd.s32 @!p0 $0x100000, s0  }
0xf6: {  	[sflag:s0] =	ssyncadd.tile.s32 @!p0 $0x1;
	_ =	shalt  }
.Lfunc_end2:
_tile_overlayer_lowered:
.L_overlay_start_2:
0xf7: {  	(tag) =	ssettag $0x2  }
0xf8: {  	s0 =	rddreg [dreg:$0x0];
	s2 =	stileid.u32  }
0xf9: {  	s1 =	rddreg [dreg:$0x1];
	p0 =	sne.s32 s2, $0x0  }
0xfa: {  	s3 =	rddreg [dreg:$0x2];
	[bflag:$0x3] =	sbarrier.arrive $0xFFFF;
	s2 =	simm.s32 @!p0 $0x1C05  }
0xfb: {  	[timem:s3], [sflag:s2] =	dma.local @!p0 [hbm:s0], s1  }
0xfc: {  	s0 =	simm.s32 @!p0 $0x5  }
0xfd: {  	_ =	swait.ge @!p0 [sflag:s0], s1  }
0xfe: {  	s1 =	ssub.s32 @!p0 $0x0, s1;
	[sflag:s0] =	ssyncset.done @!p0 $0x0  }
0xff: {  	[sflag:s0] =	ssyncadd.s32 @!p0 s1  }
0x100: {  	[bflag:$0x3] =	sbarrier.arrive $0xFFFF  }
0x101: {  	_ =	shalt  }

// kernel: kernel.8.cloned.1.call-start
scs
__scs_entry_jumppad:
0x0: {  	(pc) =	sbr.rel $0x88, $3  }
0x1: {  	(tag) =	ssettag $0x0;
	lr =	simm.s32 $0x1  }
0x2: {  	[smem:$0x3F9B] =	sst lr;
	_ =	strace $0xD0000000  }
0x3: {  	_ = 	snop  }
0x4: {  	_ = 	snop  }
0x5: {  	_ = 	snop  }
0x6: {  	_ = 	snop  }
0x7: {  	_ = 	snop  }
__scs_overlays_trampoline_lowered:
0x8: {  	[smem:$0x3FAA] =	sst s0  }
0x9: {  	[smem:$0x3FAB] =	sst s1  }
0xa: {  	[smem:$0x3FAC] =	sst s2  }
0xb: {  	[smem:$0x3FAD] =	sst s3  }
0xc: {  	[smem:$0x3FAE] =	sst s4  }
0xd: {  	[smem:$0x3FAF] =	sst s5  }
0xe: {  	[smem:$0x3FB0] =	sst s6  }
0xf: {  	[smem:$0x3FB1] =	sst s7  }
0x10: {  	[smem:$0x3FB2] =	sst s8  }
0x11: {  	[smem:$0x3FB3] =	sst s9;
	s0 =	simm.s32 @!p0 $0x0  }
0x12: {  	s1 =	sld [smem:$0x3F99];
	s0 =	simm.s32 @p0 $0x1  }
0x13: {  	[smem:$0x3FB4] =	sst s0;
	s0 =	simm.s32 @!p1 $0x0  }
0x14: {  	s2 =	sld [smem:$0x3F98];
	s0 =	simm.s32 @p1 $0x1  }
0x15: {  	[smem:$0x3FB5] =	sst s0;
	s0 =	simm.s32 @!p2 $0x0  }
0x16: {  	s3 =	sld [smem:$0x3FDB];
	s0 =	simm.s32 @p2 $0x1  }
0x17: {  	s4 =	simm.s32 $0x1BF5;
	[smem:$0x3FB7] =	sst s0  }
0x18: {  	s0 =	sld [smem:$0x3F9A];
	_ =	swait.ge [sflag:s4], $0x0  }
0x19: {  	s7 =	sld [smem:$0x3F9B]  }
0x1a: {  	s8 =	sadd.s32 $0xFFFFE003, lr  }
0x1b: {  	s9 =	sadd.s32 $0xFFFFFEF7, lr;
	s5 =	simm.s32 $0xFFFFFFFF;
	p2 =	slt.u32 s8, $0xFFFFF086  }
0x1c: {  	p1 =	slt.u32 s9, $0xF7A;
	s5 =	simm.s32 @!p2 $0x0  }
0x1d: {  	s5 =	simm.s32 @p1 $0x1;
	p0 =	seq.s32 s7, s2  }
0x1e: {  	s7 =	smul.u32 @!p0 $0xF7A, s2;
	p2 =	seq.s32 @!p0 s5, $0x0  }
0x1f: {  	s9 =	smul.u32 $0xF7A, s1;
	s8 =	simm.s32 @!p0 $0x1BF5;
	p2 =	por !p2, p0  }
0x20: {  	[sflag:s8] =	ssyncset.s32 @!p0 $0xFFFFF086;
	s6 =	sadd.s32 @!p0 s3, s7;
	s7 =	simm.s32 @!p0 $0x108  }
0x21: {  	s3 =	sadd.s32 s3, s9;
	s6 =	sadd.s32 @!p0 $0x88, s6;
	s7 =	simm.s32 @p2 $0x1082  }
0x22: {  	[simem:s7], [sflag:s8] =	dma.local @!p0 [hbm:s6], $0xF7A  }
0x23: {  	s9 =	sor.u32 $0xD0000000, s2;
	s6 =	simm.s32 $0x108;
	_ =	swait.ge @!p0 [sflag:s8], $0x0  }
0x24: {  	s3 =	sadd.s32 $0x88, s3;
	s6 =	simm.s32 @!p1 $0x1082;
	[sflag:s4] =	ssyncset.s32 $0xFFFFF086  }
0x25: {  	[simem:s6], [sflag:s4] =	dma.local [hbm:s3], $0xF7A  }
0x26: {  	[smem:$0x3F9B] =	sst s1;
	(tag) =	ssettag s2;
	_ =	strace s9  }
0x27: {  	s1 =	sld [smem:$0x3FAB]  }
0x28: {  	s2 =	sld [smem:$0x3FAC]  }
0x29: {  	s4 =	sld [smem:$0x3FAE]  }
0x2a: {  	p0 =	seq.s32 s5, $0x0;
	s5 =	sld [smem:$0x3FAF]  }
0x2b: {  	s6 =	sld [smem:$0x3FB0]  }
0x2c: {  	s7 =	sld [smem:$0x3FB1]  }
0x2d: {  	s3 =	simm.s32 $0x108;
	s8 =	sld [smem:$0x3FB2]  }
0x2e: {  	s3 =	simm.s32 @!p0 $0x1082;
	s9 =	sld [smem:$0x3FB3]  }
0x2f: {  	lr =	sadd.s32 s0, s3;
	s0 =	sld [smem:$0x3FAA]  }
0x30: {  	s3 =	sld [smem:$0x3FAD]  }
0x31: {  	[smem:$0x3FB6] =	sst s10  }
0x32: {  	s10 =	sld [smem:$0x3FB4];
	_ =	sdelay $0x3  }
0x33: {  	p0 =	seq.s32 s10, $0x1;
	s10 =	sld [smem:$0x3FB6];
	_ =	sdelay $0x3  }
0x34: {  	[smem:$0x3FB6] =	sst s10  }
0x35: {  	s10 =	sld [smem:$0x3FB5];
	_ =	sdelay $0x3  }
0x36: {  	p1 =	seq.s32 s10, $0x1;
	s10 =	sld [smem:$0x3FB6];
	_ =	sdelay $0x3  }
0x37: {  	[smem:$0x3FB6] =	sst s10  }
0x38: {  	s10 =	sld [smem:$0x3FB7]  }
0x39: {  	_ = 	snop;
	(pc) =	sbr.ind lr, $3  }
0x3a: {  	_ = 	snop  }
0x3b: {  	_ = 	snop  }
0x3c: {  	p2 =	seq.s32 s10, $0x1;
	s10 =	sld [smem:$0x3FB6]  }
0x3d: {  	_ =	shalt  }
0x3e: {  	_ =	shalt  }
0x3f: {  	_ =	shalt  }
0x40: {  	_ =	shalt  }
0x41: {  	_ =	shalt  }
0x42: {  	_ =	shalt  }
0x43: {  	_ =	shalt  }
0x44: {  	_ =	shalt  }
0x45: {  	_ =	shalt  }
0x46: {  	_ =	shalt  }
0x47: {  	_ =	shalt  }
0x48: {  	_ =	shalt  }
0x49: {  	_ =	shalt  }
0x4a: {  	_ =	shalt  }
0x4b: {  	_ =	shalt  }
0x4c: {  	_ =	shalt  }
0x4d: {  	_ =	shalt  }
0x4e: {  	_ =	shalt  }
0x4f: {  	_ =	shalt  }
0x50: {  	_ =	shalt  }
0x51: {  	_ =	shalt  }
0x52: {  	_ =	shalt  }
0x53: {  	_ =	shalt  }
0x54: {  	_ =	shalt  }
0x55: {  	_ =	shalt  }
0x56: {  	_ =	shalt  }
0x57: {  	_ =	shalt  }
0x58: {  	_ =	shalt  }
0x59: {  	_ =	shalt  }
0x5a: {  	_ =	shalt  }
0x5b: {  	_ =	shalt  }
0x5c: {  	_ =	shalt  }
0x5d: {  	_ =	shalt  }
0x5e: {  	_ =	shalt  }
0x5f: {  	_ =	shalt  }
0x60: {  	_ =	shalt  }
0x61: {  	_ =	shalt  }
0x62: {  	_ =	shalt  }
0x63: {  	_ =	shalt  }
0x64: {  	_ =	shalt  }
0x65: {  	_ =	shalt  }
0x66: {  	_ =	shalt  }
0x67: {  	_ =	shalt  }
0x68: {  	_ =	shalt  }
0x69: {  	_ =	shalt  }
0x6a: {  	_ =	shalt  }
0x6b: {  	_ =	shalt  }
0x6c: {  	_ =	shalt  }
0x6d: {  	_ =	shalt  }
0x6e: {  	_ =	shalt  }
0x6f: {  	_ =	shalt  }
0x70: {  	_ =	shalt  }
0x71: {  	_ =	shalt  }
0x72: {  	_ =	shalt  }
0x73: {  	_ =	shalt  }
0x74: {  	_ =	shalt  }
0x75: {  	_ =	shalt  }
0x76: {  	_ =	shalt  }
0x77: {  	_ =	shalt  }
0x78: {  	_ =	shalt  }
0x79: {  	_ =	shalt  }
0x7a: {  	_ =	shalt  }
0x7b: {  	_ =	shalt  }
0x7c: {  	_ =	shalt  }
0x7d: {  	_ =	shalt  }
0x7e: {  	_ =	shalt  }
0x7f: {  	_ =	shalt  }
0x80: {  	_ =	shalt  }
0x81: {  	_ =	shalt  }
0x82: {  	_ =	shalt  }
0x83: {  	_ =	shalt  }
0x84: {  	_ =	shalt  }
0x85: {  	_ =	shalt  }
0x86: {  	_ =	shalt  }
0x87: {  	_ =	shalt  }
.Lfunc_end0:
.L_simem_size_0:
called_computation_lowered:
.L_overlay_start_0:
0x88: {  	s2 =	sld [smem:$0x3FD9]  }
0x89: {  	s3 =	sld [smem:$0x3FFE];
	_ =	sdelay $0x1  }
0x8a: {  	s1 =	srdreg.scid  }
0x8b: {  	s0 =	sand.u32 $0x1, s1  }
0x8c: {  	s17 =	sshll.u32 s0, $0xA;
	s2 =	sadd.s32 s3, s2  }
0x8d: {  	s2 =	sadd.s32 s2, s17  }
0x8e: {  	[smem:$0x3FC2] =	sst s2  }
0x8f: {  	_ = 	snop  }
0x90: {  	s2 =	sld [smem:$0x3FD0];
	(tm) =	ssettm $0x1  }
0x91: {  	s18 =	sld [smem:$0x3FFB];
	_ =	sdelay $0x3  }
0x92: {  	_ =	strace s18  }
0x93: {  	s3 =	sld [smem:$0x3FFC];
	_ =	sdelay $0x3  }
0x94: {  	_ =	strace s3  }
0x95: {  	s3 =	sld [smem:$0x3FFD];
	_ =	sdelay $0x3  }
0x96: {  	_ =	strace s3  }
0x97: {  	_ =	strace $0x8FFFFFFF  }
0x98: {  	s19 =	sld [smem:$0x3FDB];
	_ =	sdelay $0x1  }
0x99: {  	s4 =	simm.s32 $_scs_section_size  }
0x9a: {  	s5 =	simm.s32 $_size__tile_overlayer_lowered;
	s6 =	simm.s32 $_tile_overlayer_lowered  }
0x9b: {  	s22 =	simm.s32 $0x1BFF;
	s21 =	sshll.u32 s6, $0x1;
	s3 =	sadd.s32 s4, s19  }
0x9c: {  	s7 =	simm.s32 $0x0;
	s20 =	sshll.u32 s5, $0x1;
	s5 =	sadd.s32 s21, s3  }
0x9d: {  	[timem:s7], [sflag:s22] =	dma.local [hbm:s5], s20  }
0x9e: {  	_ =	swait.ge [sflag:s22], s20  }
0x9f: {  	s4 =	ssub.s32 $0x0, s20;
	[sflag:s22] =	ssyncset.done $0x0  }
0xa0: {  	[sflag:s22] =	ssyncadd.s32 s4;
	_ =	sdelay $0x1  }
0xa1: {  	s23 =	simm.s32 $0x1B8B  }
0xa2: {  	_ =	swait.ge [sflag:s23], $0x1  }
0xa3: {  	[sflag:s23] =	ssyncset.done $0x0  }
0xa4: {  	s25 =	simm.s32 $0x1B8E;
	s24 =	sld [smem:$0x3FFE];
	[sflag:s23] =	ssyncadd.s32 $0xFFFFFFFF  }
0xa5: {  	s26 =	simm.s32 $execute0_lowered;
	[smem:$0x3FD2] =	sst s25  }
0xa6: {  	s5 =	sshll.u32 s26, $0x1;
	_ =	strace $0x80000046;
	[dreg:$0x1] =	wrdreg $0xFFFFFFFF  }
0xa7: {  	s28 =	simm.s32 $_size_execute0_lowered;
	s3 =	sadd.s32 s3, s5;
	[dreg:$0x0] =	wrdreg $0x0  }
0xa8: {  	s5 =	sshll.u32 s28, $0x1;
	[dreg:$0x2] =	wrdreg s3  }
0xa9: {  	[dreg:$0x3] =	wrdreg s5  }
0xaa: {  	[dreg:$0x4] =	wrdreg $0xC0  }
0xab: {  	_ =	task [dreg:s7], $0x5FFFF  }
0xac: {  	[dreg:$0x1] =	wrdreg $0xFFFFFFFF  }
0xad: {  	[dreg:$0x0] =	wrdreg $0x60  }
0xae: {  	[dreg:$0x2] =	wrdreg s24  }
0xaf: {  	[dreg:$0x3] =	wrdreg s2  }
0xb0: {  	[dreg:$0x4] =	wrdreg $0x52800  }
0xb1: {  	[dreg:$0x5] =	wrdreg $0x9  }
0xb2: {  	_ =	task.clear_ibuf [dreg:s7], $0x6FFFF;
	_ =	strace $0x90000046  }
0xb3: {  	s29 =	simm.s32 $0x9;
	_ =	strace $0x80000048  }
0xb4: {  	_ =	swait.ge [sflag:s29], $0x1  }
0xb5: {  	[sflag:s29] =	ssyncadd.s32 $0xFFFFFFFF  }
0xb6: {  	_ =	strace $0x90000048  }
0xb7: {  	_ =	sfence  }
0xb8: {  	s30 =	sld [smem:$0x0];
	_ =	sdelay $0x2  }
0xb9: {  	s31 =	sshll.u32 s1, $0xD;
	s1 =	sshrl.u32 s1, $0x2  }
0xba: {  	s3 =	sand.u32 $0x4000, s31;
	s1 =	sadd.s32 s1, s30  }
0xbb: {  	s0 =	sor.u32 s3, s0;
	s1 =	sshll.u32 s1, $0x11  }
0xbc: {  	s0 =	sor.u32 s1, s0  }
0xbd: {  	s0 =	sadd.s32 $0x8F2B, s0  }
0xbe: {  	[sflag:s0] =	ssyncadd.remote.s32 $0x1  }
0xbf: {  	_ =	sfence.sel $0xFFFF  }
0xc0: {  	[dreg:$0x0] =	wrdreg $0xFFFFFFFF;
	(pc) =	sbr.abs _section_cstart, $3  }
0xc1: {  	[dreg:$0x1] =	wrdreg $0xFFFFFFFF  }
0xc2: {  	_ =	task.clear_ibuf [dreg:s7], $0x2FFFF;
	_ =	strace $0x9FFFFFFF  }
0xc3: {  	(tm) =	ssettm $0x7FFFFFFF  }
tec
execute0_lowered:
.L_overlay_start_1:
0x0: {  	(tag) =	ssettag $0x1  }
0x1: {  	s4 =	rddreg [dreg:$0x0]  }
0x2: {  	s1 =	srdreg.scid;
	s8 =	rddreg [dreg:$0x1]  }
0x3: {  	s0 =	stileid.u32;
	s2 =	rddreg [dreg:$0x2];
	s3 =	simm.s32 $0x0  }
0x4: {  	s12 =	simm.s32 $0x5000;
	s13 =	simm.s32 $0x80;
	s14 =	simm.s32 $0x4F00  }
0x5: {  	s15 =	simm.s32 $0x180;
	s16 =	simm.s32 $0x280;
	s17 =	simm.s32 $0x380  }
0x6: {  	s18 =	simm.s32 $0x1;
	s19 =	simm.s32 $0x10;
	s20 =	simm.s32 $0x4E80  }
0x7: {  	s21 =	simm.s32 $0x4F80;
	s22 =	simm.s32 $0x0;
	s5 =	sand.u32 $0x1, s1  }
0x8: {  	s29 =	sshll.u32 s0, $0x1;
	s1 =	rddreg [dreg:$0x3];
	s9 =	smul.u32 $0x280, s0  }
0x9: {  	[smem:$0x7FF] =	sst s3;
	s6 =	sor.u32 s5, s29;
	s11 =	smul.u32 $0x2800, s5  }
0xa: {  	s10 =	ssub.s32 $0x2, s5;
	s7 =	smul.u32 $0x9C0, s6;
	s6 =	sshll.u32 s6, $0x5  }
0xb: {  	_ =	strace $0x80000047;
	s30 =	sshrl.u32 s10, $0x1;
	s6 =	sadd.s32 s6, s4  }
0xc: {  	s10 =	ssub.s32 s10, s30;
	s11 =	sadd.s32 s9, s11;
	s7 =	sadd.s32 s7, s4  }
0xd: {  	s4 =	sadd.s32 $0x16600, s4;
	s6 =	sadd.s32 $0x2A00, s6;
	s31 =	sshrl.u32 s11, $0x3  }
0xe: {  	s11 =	simm.s32 $0x4E00;
	s5 =	sadd.s32 $0x2E00, s7;
	s7 =	sadd.s32 s9, s2  }
0xf: {  	v0 =	vimm.f32 $1.000000000e+00;
	s8 =	sadd.s32 s8, s31;
	s9 =	smax.u32 s10, $0x1;
	s10 =	simm.s32 $0x2  }
.LBB2_1:
0x10: {  	[tilespmem:$0x4F00] =	vst v0  }
0x11: {  	[tilespmem:$0x4F10] =	vst v0  }
0x12: {  	[tilespmem:$0x4F20] =	vst v0  }
0x13: {  	[tilespmem:$0x4F30] =	vst v0  }
0x14: {  	[tilespmem:$0x4F40] =	vst v0  }
0x15: {  	[tilespmem:$0x4F50] =	vst v0  }
0x16: {  	[tilespmem:$0x4F60] =	vst v0  }
0x17: {  	[tilespmem:$0x4F70] =	vst v0  }
0x18: {  	[tilespmem:$0x4F80] =	vst v0  }
0x19: {  	[tilespmem:s3], [sflag:$0x2] =	stream.linear.gather [hbm4b:s5+s3], $0x4E00, $0x38;
	[tilespmem:$0x5500] =	vst v63  }
0x1a: {  	_ =	swait.ge [sflag:s10], $0x4E00  }
0x1b: {  	[sflag:s10] =	ssyncset.done $0x0  }
0x1c: {  	[sflag:s10] =	ssyncadd.s32 $0xFFFFB200  }
0x1d: {  	[tilespmem:s11], [sflag:$0x2] =	stream.linear.gather [hbm4b:s6+s3], $0x100, $0x38;
	[tilespmem:$0x5500] =	vst v63  }
0x1e: {  	_ =	swait.ge [sflag:s10], $0x100  }
0x1f: {  	[sflag:s10] =	ssyncset.done $0x0  }
0x20: {  	[sflag:s10] =	ssyncadd.s32 $0xFFFFFF00  }
0x21: {  	[tilespmem:s12], [sflag:$0x2] =	stream.linear.gather [hbm4b:s4+s3], $0x280, $0x38;
	[tilespmem:$0x5500] =	vst v63  }
0x22: {  	_ =	swait.ge [sflag:s10], $0x280  }
0x23: {  	[sflag:s10] =	ssyncset.done $0x0  }
0x24: {  	[sflag:s10] =	ssyncadd.s32 $0xFFFFFD80  }
0x25: {  	[spmem:s7] =	stream.linear.scatter [tilespmem:s12], [sflag:$0x2], $0x280, $0x38;
	[tilespmem:$0x5500] =	vst v63  }
0x26: {  	_ =	swait.ge [sflag:s10], $0x280  }
0x27: {  	[sflag:s10] =	ssyncset.done $0x0  }
0x28: {  	[sflag:s10] =	ssyncadd.s32 $0xFFFFFD80  }
0x29: {  	[bflag:$0x0] =	sbarrier.arrive $0xFFFF  }
0x2a: {  	[spmem:s2] =	stream.indirect.scatter.add.f32 [tilespmem:s14], [sflag:$0x1], $0x1, s13, s13, $0xb8;
	[tilespmem:$0x5500] =	vst v63  }
0x2b: {  	_ = 	snop  }
0x2c: {  	[spmem:s2] =	stream.indirect.scatter.add.f32 [tilespmem:s14], [sflag:$0x1], $0x1, s15, s13, $0xb8;
	[tilespmem:$0x5500] =	vst v63  }
0x2d: {  	_ = 	snop  }
0x2e: {  	[spmem:s2] =	stream.indirect.scatter.add.f32 [tilespmem:s14], [sflag:$0x1], $0x1, s16, s13, $0xb8;
	[tilespmem:$0x5500] =	vst v63  }
0x2f: {  	_ = 	snop  }
0x30: {  	[spmem:s2] =	stream.indirect.scatter.add.f32 [tilespmem:s14], [sflag:$0x1], $0x1, s17, s13, $0xb8;
	[tilespmem:$0x5500] =	vst v63  }
0x31: {  	_ =	swait.ge [sflag:s18], $0x80  }
0x32: {  	[sflag:s18] =	ssyncset.done $0x0  }
0x33: {  	s23 =	simm.s32 $0x1600;
	s24 =	simm.s32 $0x480;
	[sflag:s18] =	ssyncadd.s32 $0xFFFFFF80  }
.LBB2_2:
0x34: {  	[spmem:s2] =	stream.indirect.scatter.add.f32 [tilespmem:s14], [sflag:$0x1], $0x1, s24, s13, $0xb8;
	[tilespmem:$0x5500] =	vst v63  }
0x35: {  	s24 =	smov.u32 s23;
	p0 =	sne.s32 s23, $0x13600  }
.Ltmp0:
0x36: {  	s23 =	sadd.s32 $0x400, s23;
	(pc) =	sbr.rel @p0 .LBB2_2-.Ltmp0, $4  }
0x37: {  	_ = 	snop  }
0x38: {  	_ =	swait.ge [sflag:s18], $0x80  }
0x39: {  	[sflag:s18] =	ssyncset.done $0x0  }
0x3a: {  	s24 =	sshra.s32 s24, $0x2;
	[sflag:s18] =	ssyncadd.s32 $0xFFFFFF80  }
0x3b: {  	[spmem:s2] =	stream.indirect.scatter.add.f32 [tilespmem:s14], [sflag:$0x1], $0x1, s24, s13, $0xb8;
	[tilespmem:$0x5500] =	vst v63  }
0x3c: {  	_ =	swait.ge [sflag:s18], $0x80  }
0x3d: {  	[sflag:s18] =	ssyncset.done $0x0  }
0x3e: {  	[sflag:s18] =	ssyncadd.s32 $0xFFFFFF80  }
0x3f: {  	_ =	swait.ge [sflag:s18], $0x80  }
0x40: {  	[sflag:s18] =	ssyncset.done $0x0  }
0x41: {  	[sflag:s18] =	ssyncadd.s32 $0xFFFFFF80  }
0x42: {  	_ =	swait.ge [sflag:s18], $0x80  }
0x43: {  	[sflag:s18] =	ssyncset.done $0x0  }
0x44: {  	[sflag:s18] =	ssyncadd.s32 $0xFFFFFF80  }
0x45: {  	_ =	swait.ge [sflag:s18], $0x80  }
0x46: {  	[sflag:s18] =	ssyncset.done $0x0  }
0x47: {  	[sflag:s18] =	ssyncadd.s32 $0xFFFFFF80  }
0x48: {  	[spmem:s2] =	stream.indirect.scatter.add.f32 [tilespmem:s21], [sflag:$0x2], $0x1, s20, s19, $0xb8;
	[tilespmem:$0x5500] =	vst v63  }
0x49: {  	_ =	swait.ge [sflag:s10], $0x10  }
0x4a: {  	[sflag:s10] =	ssyncset.done $0x0  }
0x4b: {  	[sflag:s10] =	ssyncadd.s32 $0xFFFFFFF0  }
0x4c: {  	[bflag:$0x0] =	sbarrier.arrive $0xFFFF  }
0x4d: {  	[tilespmem:s12], [sflag:$0x2] =	stream.linear.gather [spmem:s7], $0x280, $0x38;
	[tilespmem:$0x5500] =	vst v63  }
0x4e: {  	s22 =	sadd.s32 $0x1, s22;
	_ =	swait.ge [sflag:s10], $0x280  }
0x4f: {  	p0 =	sne.s32 s22, s9;
	[sflag:s10] =	ssyncset.done $0x0  }
.Ltmp1:
0x50: {  	[sflag:s10] =	ssyncadd.s32 $0xFFFFFD80;
	(pc) =	sbr.rel @p0 .LBB2_1-.Ltmp1, $4  }
0x51: {  	[hbm4b:s8+s3] =	stream.linear.scatter [tilespmem:s12], [sflag:$0x2], $0x280, $0x38;
	[tilespmem:$0x5500] =	vst v63  }
0x52: {  	_ =	swait.ge [sflag:s10], $0x280  }
0x53: {  	[sflag:s10] =	ssyncset.done $0x0  }
0x54: {  	[sflag:s10] =	ssyncadd.s32 $0xFFFFFD80  }
0x55: {  	_ =	sfence.sel $0x180000  }
0x56: {  	[bflag:$0x0] =	sbarrier.arrive $0xFFFF  }
0x57: {  	p0 =	sne.s32 s0, $0x0;
	_ =	strace $0x90000047  }
0x58: {  	s0 =	sadd.s32 @!p0 $0x100000, s1;
	[bflag:$0x2] =	sbarrier.arrive $0xFFFF  }
0x59: {  	[sflag:s0] =	ssyncadd.tile.s32 @!p0 $0x1;
	_ =	shalt  }
.Lfunc_end2:
_tile_overlayer_lowered:
.L_overlay_start_2:
0x5a: {  	(tag) =	ssettag $0x2  }
0x5b: {  	s0 =	rddreg [dreg:$0x0];
	s2 =	stileid.u32  }
0x5c: {  	s1 =	rddreg [dreg:$0x1];
	p0 =	sne.s32 s2, $0x0  }
0x5d: {  	s3 =	rddreg [dreg:$0x2];
	[bflag:$0x3] =	sbarrier.arrive $0xFFFF;
	s2 =	simm.s32 @!p0 $0x1C02  }
0x5e: {  	[timem:s3], [sflag:s2] =	dma.local @!p0 [hbm:s0], s1  }
0x5f: {  	s0 =	simm.s32 @!p0 $0x2  }
0x60: {  	_ =	swait.ge @!p0 [sflag:s0], s1  }
0x61: {  	s1 =	ssub.s32 @!p0 $0x0, s1;
	[sflag:s0] =	ssyncset.done @!p0 $0x0  }
0x62: {  	[sflag:s0] =	ssyncadd.s32 @!p0 s1  }
0x63: {  	[bflag:$0x3] =	sbarrier.arrive $0xFFFF  }
0x64: {  	_ =	shalt  }

</sc_bundles>
